<compile_context>
chip_gen: v7x
topology: tpu7x:2x2x1
jax: 0.10.2.dev20260603
libtpu: 0.0.44.dev20260713+nightly
codegen_flags: <defaults>
</compile_context>

<pallas_src>
import jax
import jax.numpy as jnp
from jax import lax
from jax.experimental import pallas as pl
from jax.experimental.pallas import tpu as pltpu
from jax.experimental.pallas import tpu_sc as plsc

NBIN = 65
D = 128
L = 512
N_ROWS = L * L

_info = plsc.get_sparse_core_info()
NC, NS = _info.num_cores, _info.num_subcores
NW = NC * NS
I_PER_W = L // NW
CHUNK = 128
PERI = L // CHUNK
UNITS = I_PER_W * PERI
NSLOT = 4


def _body(table_hbm, idx_hbm, out_hbm, idx_v, binmat, buf_v, table_sh,
          const_v, flags_sm, cval_sm, *sems):
    sid = lax.axis_index("s")
    wid = sid * NC + lax.axis_index("c")
    ibase = wid * I_PER_W
    sg = sems[:NSLOT]
    sw = sems[NSLOT:]

    @pl.when(sid == 0)
    def _():
        pltpu.sync_copy(table_hbm, table_sh)

    pltpu.sync_copy(idx_hbm, idx_v.at[pl.ds(0, L)])
    plsc.subcore_barrier()

    for k, bval in enumerate((0, NBIN - 1)):
        bvec = jnp.full((16,), bval, jnp.int32)
        for c in range(CHUNK // 16):
            binmat[k, pl.ds(c * 16, 16)] = bvec
        pltpu.make_async_copy(
            table_sh.at[binmat.at[k]], const_v.at[k], sg[k]
        ).start()
    for k in range(2):
        pltpu.make_async_copy(
            table_sh.at[binmat.at[k]], const_v.at[k], sg[k]
        ).wait()

    def row_scan(r, carry):
        ii = idx_v[pl.ds(ibase + r, 16)][0]
        for q in range(PERI):
            u = r * PERI + q
            lo = idx_v[pl.ds(q * CHUNK, 16)][0]
            hi = idx_v[pl.ds(q * CHUNK + CHUNK - 16, 16)][15]
            first = jnp.minimum(jnp.maximum(lo - ii + 32, 0), NBIN - 1)
            last = jnp.minimum(jnp.maximum(hi - ii + 32, 0), NBIN - 1)
            fast = jnp.logical_and(
                first == last,
                jnp.logical_or(first == 0, first == NBIN - 1))
            flags_sm[u] = jnp.where(fast, 1, 0).astype(jnp.int32)
            cval_sm[u] = jnp.where(first == 0, 0, 1).astype(jnp.int32)
        return carry

    lax.fori_loop(0, I_PER_W, row_scan, 0)

    def rowbase(u):
        return (ibase + u // PERI) * L + (u % PERI) * CHUNK

    def start_gather(u, slot):
        i = ibase + u // PERI
        j0 = (u % PERI) * CHUNK
        ivec = jnp.full((16,), idx_v[pl.ds(i, 16)][0], jnp.int32)
        for c in range(CHUNK // 16):
            jvec = idx_v[pl.ds(j0 + c * 16, 16)]
            bvec = jnp.minimum(jnp.maximum(jvec - ivec + 32, 0), NBIN - 1)
            binmat[slot + 1, pl.ds(c * 16, 16)] = bvec
        pltpu.make_async_copy(
            table_sh.at[binmat.at[slot + 1]], buf_v.at[slot], sg[slot]
        ).start()

    def wait_gather(u, slot):
        pltpu.make_async_copy(
            table_sh.at[binmat.at[slot + 1]], buf_v.at[slot], sg[slot]
        ).wait()

    def start_write(u, slot):
        rb = rowbase(u)

        @pl.when(flags_sm[u] == 1)
        def _():
            pltpu.make_async_copy(
                const_v.at[cval_sm[u]], out_hbm.at[pl.ds(rb, CHUNK)], sw[slot]
            ).start()

        @pl.when(flags_sm[u] == 0)
        def _():
            pltpu.make_async_copy(
                buf_v.at[slot], out_hbm.at[pl.ds(rb, CHUNK)], sw[slot]
            ).start()

    def wait_write(u, slot):
        pltpu.make_async_copy(
            buf_v.at[slot], out_hbm.at[pl.ds(rowbase(u), CHUNK)], sw[slot]
        ).wait()

    for p in range(NSLOT - 1):
        @pl.when(flags_sm[p] == 0)
        def _():
            start_gather(p, p)

    def tbody(t, carry):
        for b in range(NSLOT):
            u = NSLOT * t + b

            @pl.when(flags_sm[u] == 0)
            def _():
                wait_gather(u, b)

            start_write(u, b)

            @pl.when(u > 0)
            def _():
                wait_write(u - 1, (b - 1) % NSLOT)

            @pl.when(jnp.logical_and(u + NSLOT - 1 < UNITS,
                                     flags_sm[u + NSLOT - 1] == 0))
            def _():
                start_gather(u + NSLOT - 1, (b + NSLOT - 1) % NSLOT)

        return carry

    lax.fori_loop(0, UNITS // NSLOT, tbody, 0)
    wait_write(UNITS - 1, (UNITS - 1) % NSLOT)


def kernel(idx, emb_table):
    idx_flat = idx.reshape(L).astype(jnp.int32)
    mesh = plsc.VectorSubcoreMesh(core_axis_name="c", subcore_axis_name="s")
    out = pl.kernel(
        _body,
        mesh=mesh,
        out_type=jax.ShapeDtypeStruct((N_ROWS, D), jnp.float32),
        scratch_types=[
            pltpu.VMEM((L + 16,), jnp.int32),
            pltpu.VMEM((NSLOT + 1, CHUNK), jnp.int32),
            pltpu.VMEM((NSLOT, CHUNK, D), jnp.float32),
            pltpu.VMEM_SHARED((NBIN, D), jnp.float32),
            pltpu.VMEM((2, CHUNK, D), jnp.float32),
            pltpu.SMEM((UNITS + NSLOT,), jnp.int32),
            pltpu.SMEM((UNITS,), jnp.int32),
        ] + [pltpu.SemaphoreType.DMA] * (2 * NSLOT),
    )(emb_table, idx_flat)
    return out.reshape(1, L, L, D)

# --- scband reference (transcript-rebuilt; emitter-appended) ---
"""Pipeline reference for scband-positional-encoding2-d-58548994179778 (READ-ONLY COPY).

The authoritative reference and input builder live on the scoring server;
editing this copy changes nothing except your own understanding.
"""

import jax, jax.numpy as jnp
import numpy as np

MINPOS = -32
MAXPOS = 32
NBIN = abs(MINPOS) + MAXPOS + 1  # 65
D_MODEL = 128
B, L = 1, 512


def setup_inputs(seed: int = 0) -> dict:
    key = jax.random.key(seed)
    k_idx, k_tab = jax.random.split(key)
    # sorted residue indices per sequence (monotonically non-decreasing)
    idx = jnp.sort(jax.random.randint(k_idx, (B, L), 0, 1024), axis=-1)
    # learned embedding table: nn.Embedding(nbin, d_model)
    emb_table = jax.random.normal(k_tab, (NBIN, D_MODEL), dtype=jnp.float32) * 0.02
    return {"idx": idx, "emb_table": emb_table}


def reference(idx, emb_table):
    Bb, Ll = idx.shape[0], idx.shape[1]
    # bins = torch.arange(minpos, maxpos) -> length 64 boundaries
    bins = jnp.arange(MINPOS, MAXPOS)
    # seqsep = full 100, then seqsep[0] = idx[0,None,:] - idx[0,:,None]
    seqsep = jnp.full((Bb, Ll, Ll), 100, dtype=idx.dtype)
    seqsep = seqsep.at[0].set(idx[0, None, :] - idx[0, :, None])
    # torch.bucketize(x, bins, right=False) == searchsorted side='left'
    ib = jnp.searchsorted(bins, seqsep, side='left')
    # embedding lookup over the full LxL grid (strided loop in torch is a
    # tiling of the same computation; result identical)
    emb = jnp.take(emb_table, ib, axis=0)
    return emb

if __name__ == "__main__":
    import jax
    _d = setup_inputs()
    print(jax.jit(kernel)(*tuple(_d.values())))

</pallas_src>

<mosaic_0001>
#map = affine_map<(d0, d1) -> (0, 0)>
#map1 = affine_map<(d0, d1) -> (0)>
module attributes {stable_mosaic.version = 14 : i64} {
  func.func @_body(%arg0: i32, %arg1: i32, %arg2: memref<65x128xf32, #tpu.memory_space<hbm>>, %arg3: memref<512xi32, #tpu.memory_space<hbm>>, %arg4: memref<262144x128xf32, #tpu.memory_space<hbm>>, %arg5: memref<528xi32, #tpu.memory_space<vmem>>, %arg6: memref<5x128xi32, #tpu.memory_space<vmem>>, %arg7: memref<4x128x128xf32, #tpu.memory_space<vmem>>, %arg8: memref<65x128xf32, #tpu.memory_space<vmem_shared>>, %arg9: memref<2x128x128xf32, #tpu.memory_space<vmem>>, %arg10: memref<68xi32, #tpu.memory_space<smem>>, %arg11: memref<64xi32, #tpu.memory_space<smem>>, %arg12: memref<!tpu.dma_semaphore, #tpu.memory_space<semaphore_mem>>, %arg13: memref<!tpu.dma_semaphore, #tpu.memory_space<semaphore_mem>>, %arg14: memref<!tpu.dma_semaphore, #tpu.memory_space<semaphore_mem>>, %arg15: memref<!tpu.dma_semaphore, #tpu.memory_space<semaphore_mem>>, %arg16: memref<!tpu.dma_semaphore, #tpu.memory_space<semaphore_mem>>, %arg17: memref<!tpu.dma_semaphore, #tpu.memory_space<semaphore_mem>>, %arg18: memref<!tpu.dma_semaphore, #tpu.memory_space<semaphore_mem>>, %arg19: memref<!tpu.dma_semaphore, #tpu.memory_space<semaphore_mem>>) attributes {dimension_semantics = [#tpu.dimension_semantics<core_parallel>, #tpu.dimension_semantics<subcore_parallel>], iteration_bounds = array<i64: 2, 16>, scalar_prefetch = 0 : i64, scratch_operands = 15 : i64, tpu.core_type = #tpu.core_type<sc_vector_subcore>, window_params = [{transform_indices = #map}, {transform_indices = #map1}, {transform_indices = #map}]} {
    %mul3A = arith.constant 2 : i32
    %mul3A_0 = arith.muli %arg1, %mul3A : i32
    %add3A = arith.addi %mul3A_0, %arg0 : i32
    %mul3A_1 = arith.constant 16 : i32
    %mul3A_2 = arith.muli %add3A, %mul3A_1 : i32
    %eq3A = arith.constant 0 : i32
    %eq3A_3 = arith.cmpi eq, %arg1, %eq3A : i32
    %convert_element_type3A = arith.extui %eq3A_3 : i1 to i32
    %cond3A = arith.constant 0 : i32
    %cond3A_4 = arith.cmpi ne, %convert_element_type3A, %cond3A : i32
    scf.if %cond3A_4 {
      "tpu.region"() ({
        %run_scoped3A = tpu.sem_alloc : memref<!tpu.dma_semaphore, #tpu.memory_space<semaphore_mem>>
        tpu.enqueue_dma source(%arg2 : memref<65x128xf32, #tpu.memory_space<hbm>>) target(%arg8 : memref<65x128xf32, #tpu.memory_space<vmem_shared>>) target_semaphore(%run_scoped3A : memref<!tpu.dma_semaphore, #tpu.memory_space<semaphore_mem>>)
        tpu.wait_dma2 semaphore(%run_scoped3A : memref<!tpu.dma_semaphore, #tpu.memory_space<semaphore_mem>>) src(%arg2 : memref<65x128xf32, #tpu.memory_space<hbm>>) dst(%arg8 : memref<65x128xf32, #tpu.memory_space<vmem_shared>>)
        tpu.yield
      }) : () -> ()
    } else {
    }
    "tpu.region"() ({
      %run_scoped3A = tpu.sem_alloc : memref<!tpu.dma_semaphore, #tpu.memory_space<semaphore_mem>>
      %dma_start3A_202 = arith.constant 0 : i32
      %dma_start3A_203 = tpu.memref_slice %arg5[%dma_start3A_202] : memref<528xi32, #tpu.memory_space<vmem>> -> memref<512xi32, #tpu.memory_space<vmem>>
      %dma_start3A_204 = arith.constant 0 : i32
      %dma_start3A_205 = tpu.memref_slice %arg5[%dma_start3A_204] : memref<528xi32, #tpu.memory_space<vmem>> -> memref<512xi32, #tpu.memory_space<vmem>>
      tpu.enqueue_dma source(%arg3 : memref<512xi32, #tpu.memory_space<hbm>>) target(%dma_start3A_205 : memref<512xi32, #tpu.memory_space<vmem>>) target_semaphore(%run_scoped3A : memref<!tpu.dma_semaphore, #tpu.memory_space<semaphore_mem>>)
      %dma_wait3A_206 = arith.constant 0 : i32
      %dma_wait3A_207 = tpu.memref_slice %arg5[%dma_wait3A_206] : memref<528xi32, #tpu.memory_space<vmem>> -> memref<512xi32, #tpu.memory_space<vmem>>
      %dma_wait3A_208 = arith.constant 0 : i32
      %dma_wait3A_209 = tpu.memref_slice %arg5[%dma_wait3A_208] : memref<528xi32, #tpu.memory_space<vmem>> -> memref<512xi32, #tpu.memory_space<vmem>>
      tpu.wait_dma2 semaphore(%run_scoped3A : memref<!tpu.dma_semaphore, #tpu.memory_space<semaphore_mem>>) src(%arg3 : memref<512xi32, #tpu.memory_space<hbm>>) dst(%dma_wait3A_209 : memref<512xi32, #tpu.memory_space<vmem>>)
      tpu.yield
    }) : () -> ()
    %barrier3A = arith.constant 0 : index
    tpu.barrier barrier_id(%barrier3A)
    %broadcast_in_dim3A = arith.constant 0 : i32
    %broadcast_in_dim3A_5 = vector.broadcast %broadcast_in_dim3A : i32 to vector<16xi32>
    %swap3A = arith.constant 0 : i32
    %swap3A_6 = arith.index_cast %swap3A : i32 to index
    %swap3A_7 = arith.constant 0 : index
    %swap3A_8 = tpu.vector_load %arg6[%swap3A_6, %swap3A_7] {strides = array<i32>} : memref<5x128xi32, #tpu.memory_space<vmem>>, vector<1x16xi32>,
    %swap3A_9 = vector.shape_cast %swap3A_8 : vector<1x16xi32> to vector<16xi32>
    %swap3A_10 = vector.shape_cast %broadcast_in_dim3A_5 : vector<16xi32> to vector<1x16xi32>
    tpu.vector_store %arg6[%swap3A_6, %swap3A_7], %swap3A_10 {strides = array<i32>} : memref<5x128xi32, #tpu.memory_space<vmem>>, vector<1x16xi32>,
    %swap3A_11 = arith.constant 0 : i32
    %swap3A_12 = arith.index_cast %swap3A_11 : i32 to index
    %swap3A_13 = arith.constant 16 : index
    %swap3A_14 = tpu.vector_load %arg6[%swap3A_12, %swap3A_13] {strides = array<i32>} : memref<5x128xi32, #tpu.memory_space<vmem>>, vector<1x16xi32>,
    %swap3A_15 = vector.shape_cast %swap3A_14 : vector<1x16xi32> to vector<16xi32>
    %swap3A_16 = vector.shape_cast %broadcast_in_dim3A_5 : vector<16xi32> to vector<1x16xi32>
    tpu.vector_store %arg6[%swap3A_12, %swap3A_13], %swap3A_16 {strides = array<i32>} : memref<5x128xi32, #tpu.memory_space<vmem>>, vector<1x16xi32>,
    %swap3A_17 = arith.constant 0 : i32
    %swap3A_18 = arith.index_cast %swap3A_17 : i32 to index
    %swap3A_19 = arith.constant 32 : index
    %swap3A_20 = tpu.vector_load %arg6[%swap3A_18, %swap3A_19] {strides = array<i32>} : memref<5x128xi32, #tpu.memory_space<vmem>>, vector<1x16xi32>,
    %swap3A_21 = vector.shape_cast %swap3A_20 : vector<1x16xi32> to vector<16xi32>
    %swap3A_22 = vector.shape_cast %broadcast_in_dim3A_5 : vector<16xi32> to vector<1x16xi32>
    tpu.vector_store %arg6[%swap3A_18, %swap3A_19], %swap3A_22 {strides = array<i32>} : memref<5x128xi32, #tpu.memory_space<vmem>>, vector<1x16xi32>,
    %swap3A_23 = arith.constant 0 : i32
    %swap3A_24 = arith.index_cast %swap3A_23 : i32 to index
    %swap3A_25 = arith.constant 48 : index
    %swap3A_26 = tpu.vector_load %arg6[%swap3A_24, %swap3A_25] {strides = array<i32>} : memref<5x128xi32, #tpu.memory_space<vmem>>, vector<1x16xi32>,
    %swap3A_27 = vector.shape_cast %swap3A_26 : vector<1x16xi32> to vector<16xi32>
    %swap3A_28 = vector.shape_cast %broadcast_in_dim3A_5 : vector<16xi32> to vector<1x16xi32>
    tpu.vector_store %arg6[%swap3A_24, %swap3A_25], %swap3A_28 {strides = array<i32>} : memref<5x128xi32, #tpu.memory_space<vmem>>, vector<1x16xi32>,
    %swap3A_29 = arith.constant 0 : i32
    %swap3A_30 = arith.index_cast %swap3A_29 : i32 to index
    %swap3A_31 = arith.constant 64 : index
    %swap3A_32 = tpu.vector_load %arg6[%swap3A_30, %swap3A_31] {strides = array<i32>} : memref<5x128xi32, #tpu.memory_space<vmem>>, vector<1x16xi32>,
    %swap3A_33 = vector.shape_cast %swap3A_32 : vector<1x16xi32> to vector<16xi32>
    %swap3A_34 = vector.shape_cast %broadcast_in_dim3A_5 : vector<16xi32> to vector<1x16xi32>
    tpu.vector_store %arg6[%swap3A_30, %swap3A_31], %swap3A_34 {strides = array<i32>} : memref<5x128xi32, #tpu.memory_space<vmem>>, vector<1x16xi32>,
    %swap3A_35 = arith.constant 0 : i32
    %swap3A_36 = arith.index_cast %swap3A_35 : i32 to index
    %swap3A_37 = arith.constant 80 : index
    %swap3A_38 = tpu.vector_load %arg6[%swap3A_36, %swap3A_37] {strides = array<i32>} : memref<5x128xi32, #tpu.memory_space<vmem>>, vector<1x16xi32>,
    %swap3A_39 = vector.shape_cast %swap3A_38 : vector<1x16xi32> to vector<16xi32>
    %swap3A_40 = vector.shape_cast %broadcast_in_dim3A_5 : vector<16xi32> to vector<1x16xi32>
    tpu.vector_store %arg6[%swap3A_36, %swap3A_37], %swap3A_40 {strides = array<i32>} : memref<5x128xi32, #tpu.memory_space<vmem>>, vector<1x16xi32>,
    %swap3A_41 = arith.constant 0 : i32
    %swap3A_42 = arith.index_cast %swap3A_41 : i32 to index
    %swap3A_43 = arith.constant 96 : index
    %swap3A_44 = tpu.vector_load %arg6[%swap3A_42, %swap3A_43] {strides = array<i32>} : memref<5x128xi32, #tpu.memory_space<vmem>>, vector<1x16xi32>,
    %swap3A_45 = vector.shape_cast %swap3A_44 : vector<1x16xi32> to vector<16xi32>
    %swap3A_46 = vector.shape_cast %broadcast_in_dim3A_5 : vector<16xi32> to vector<1x16xi32>
    tpu.vector_store %arg6[%swap3A_42, %swap3A_43], %swap3A_46 {strides = array<i32>} : memref<5x128xi32, #tpu.memory_space<vmem>>, vector<1x16xi32>,
    %swap3A_47 = arith.constant 0 : i32
    %swap3A_48 = arith.index_cast %swap3A_47 : i32 to index
    %swap3A_49 = arith.constant 112 : index
    %swap3A_50 = tpu.vector_load %arg6[%swap3A_48, %swap3A_49] {strides = array<i32>} : memref<5x128xi32, #tpu.memory_space<vmem>>, vector<1x16xi32>,
    %swap3A_51 = vector.shape_cast %swap3A_50 : vector<1x16xi32> to vector<16xi32>
    %swap3A_52 = vector.shape_cast %broadcast_in_dim3A_5 : vector<16xi32> to vector<1x16xi32>
    tpu.vector_store %arg6[%swap3A_48, %swap3A_49], %swap3A_52 {strides = array<i32>} : memref<5x128xi32, #tpu.memory_space<vmem>>, vector<1x16xi32>,
    %dma_start3A = arith.constant 0 : i32
    %dma_start3A_53 = arith.constant 0 : i32
    %dma_start3A_54 = arith.constant 0 : i32
    %dma_start3A_55 = arith.constant 0 : i32
    %dma_start3A_56 = tpu.memref_slice %arg9[%dma_start3A_53, %dma_start3A_54, %dma_start3A_55] : memref<2x128x128xf32, #tpu.memory_space<vmem>> -> memref<1x128x128xf32, #tpu.memory_space<vmem>>
    %dma_start3A_57 = tpu.memref_squeeze %dma_start3A_56 : memref<1x128x128xf32, #tpu.memory_space<vmem>> -> memref<128x128xf32, #tpu.memory_space<vmem>>
    %dma_start3A_58 = arith.constant 0 : i32
    %dma_start3A_59 = tpu.memref_slice %arg6[%dma_start3A, %dma_start3A_58] : memref<5x128xi32, #tpu.memory_space<vmem>> -> memref<1x128xi32, #tpu.memory_space<vmem>>
    %dma_start3A_60 = tpu.memref_squeeze %dma_start3A_59 : memref<1x128xi32, #tpu.memory_space<vmem>> -> memref<128xi32, #tpu.memory_space<vmem>>
    %dma_start3A_61 = arith.constant 0 : i32
    %dma_start3A_62 = arith.constant 0 : i32
    %dma_start3A_63 = tpu.memref_slice %arg8[%dma_start3A_61, %dma_start3A_62] : memref<65x128xf32, #tpu.memory_space<vmem_shared>> -> memref<65x128xf32, #tpu.memory_space<vmem_shared>>
    tpu.enqueue_indirect_dma source(%dma_start3A_63 : memref<65x128xf32, #tpu.memory_space<vmem_shared>>) target(%dma_start3A_57 : memref<128x128xf32, #tpu.memory_space<vmem>>) offsets(%dma_start3A_60 : memref<128xi32, #tpu.memory_space<vmem>>) semaphore(%arg12 : memref<!tpu.dma_semaphore, #tpu.memory_space<semaphore_mem>>)
    %broadcast_in_dim3A_64 = arith.constant 64 : i32
    %broadcast_in_dim3A_65 = vector.broadcast %broadcast_in_dim3A_64 : i32 to vector<16xi32>
    %swap3A_66 = arith.constant 1 : i32
    %swap3A_67 = arith.index_cast %swap3A_66 : i32 to index
    %swap3A_68 = arith.constant 0 : index
    %swap3A_69 = tpu.vector_load %arg6[%swap3A_67, %swap3A_68] {strides = array<i32>} : memref<5x128xi32, #tpu.memory_space<vmem>>, vector<1x16xi32>,
    %swap3A_70 = vector.shape_cast %swap3A_69 : vector<1x16xi32> to vector<16xi32>
    %swap3A_71 = vector.shape_cast %broadcast_in_dim3A_65 : vector<16xi32> to vector<1x16xi32>
    tpu.vector_store %arg6[%swap3A_67, %swap3A_68], %swap3A_71 {strides = array<i32>} : memref<5x128xi32, #tpu.memory_space<vmem>>, vector<1x16xi32>,
    %swap3A_72 = arith.constant 1 : i32
    %swap3A_73 = arith.index_cast %swap3A_72 : i32 to index
    %swap3A_74 = arith.constant 16 : index
    %swap3A_75 = tpu.vector_load %arg6[%swap3A_73, %swap3A_74] {strides = array<i32>} : memref<5x128xi32, #tpu.memory_space<vmem>>, vector<1x16xi32>,
    %swap3A_76 = vector.shape_cast %swap3A_75 : vector<1x16xi32> to vector<16xi32>
    %swap3A_77 = vector.shape_cast %broadcast_in_dim3A_65 : vector<16xi32> to vector<1x16xi32>
    tpu.vector_store %arg6[%swap3A_73, %swap3A_74], %swap3A_77 {strides = array<i32>} : memref<5x128xi32, #tpu.memory_space<vmem>>, vector<1x16xi32>,
    %swap3A_78 = arith.constant 1 : i32
    %swap3A_79 = arith.index_cast %swap3A_78 : i32 to index
    %swap3A_80 = arith.constant 32 : index
    %swap3A_81 = tpu.vector_load %arg6[%swap3A_79, %swap3A_80] {strides = array<i32>} : memref<5x128xi32, #tpu.memory_space<vmem>>, vector<1x16xi32>,
    %swap3A_82 = vector.shape_cast %swap3A_81 : vector<1x16xi32> to vector<16xi32>
    %swap3A_83 = vector.shape_cast %broadcast_in_dim3A_65 : vector<16xi32> to vector<1x16xi32>
    tpu.vector_store %arg6[%swap3A_79, %swap3A_80], %swap3A_83 {strides = array<i32>} : memref<5x128xi32, #tpu.memory_space<vmem>>, vector<1x16xi32>,
    %swap3A_84 = arith.constant 1 : i32
    %swap3A_85 = arith.index_cast %swap3A_84 : i32 to index
    %swap3A_86 = arith.constant 48 : index
    %swap3A_87 = tpu.vector_load %arg6[%swap3A_85, %swap3A_86] {strides = array<i32>} : memref<5x128xi32, #tpu.memory_space<vmem>>, vector<1x16xi32>,
    %swap3A_88 = vector.shape_cast %swap3A_87 : vector<1x16xi32> to vector<16xi32>
    %swap3A_89 = vector.shape_cast %broadcast_in_dim3A_65 : vector<16xi32> to vector<1x16xi32>
    tpu.vector_store %arg6[%swap3A_85, %swap3A_86], %swap3A_89 {strides = array<i32>} : memref<5x128xi32, #tpu.memory_space<vmem>>, vector<1x16xi32>,
    %swap3A_90 = arith.constant 1 : i32
    %swap3A_91 = arith.index_cast %swap3A_90 : i32 to index
    %swap3A_92 = arith.constant 64 : index
    %swap3A_93 = tpu.vector_load %arg6[%swap3A_91, %swap3A_92] {strides = array<i32>} : memref<5x128xi32, #tpu.memory_space<vmem>>, vector<1x16xi32>,
    %swap3A_94 = vector.shape_cast %swap3A_93 : vector<1x16xi32> to vector<16xi32>
    %swap3A_95 = vector.shape_cast %broadcast_in_dim3A_65 : vector<16xi32> to vector<1x16xi32>
    tpu.vector_store %arg6[%swap3A_91, %swap3A_92], %swap3A_95 {strides = array<i32>} : memref<5x128xi32, #tpu.memory_space<vmem>>, vector<1x16xi32>,
    %swap3A_96 = arith.constant 1 : i32
    %swap3A_97 = arith.index_cast %swap3A_96 : i32 to index
    %swap3A_98 = arith.constant 80 : index
    %swap3A_99 = tpu.vector_load %arg6[%swap3A_97, %swap3A_98] {strides = array<i32>} : memref<5x128xi32, #tpu.memory_space<vmem>>, vector<1x16xi32>,
    %swap3A_100 = vector.shape_cast %swap3A_99 : vector<1x16xi32> to vector<16xi32>
    %swap3A_101 = vector.shape_cast %broadcast_in_dim3A_65 : vector<16xi32> to vector<1x16xi32>
    tpu.vector_store %arg6[%swap3A_97, %swap3A_98], %swap3A_101 {strides = array<i32>} : memref<5x128xi32, #tpu.memory_space<vmem>>, vector<1x16xi32>,
    %swap3A_102 = arith.constant 1 : i32
    %swap3A_103 = arith.index_cast %swap3A_102 : i32 to index
    %swap3A_104 = arith.constant 96 : index
    %swap3A_105 = tpu.vector_load %arg6[%swap3A_103, %swap3A_104] {strides = array<i32>} : memref<5x128xi32, #tpu.memory_space<vmem>>, vector<1x16xi32>,
    %swap3A_106 = vector.shape_cast %swap3A_105 : vector<1x16xi32> to vector<16xi32>
    %swap3A_107 = vector.shape_cast %broadcast_in_dim3A_65 : vector<16xi32> to vector<1x16xi32>
    tpu.vector_store %arg6[%swap3A_103, %swap3A_104], %swap3A_107 {strides = array<i32>} : memref<5x128xi32, #tpu.memory_space<vmem>>, vector<1x16xi32>,
    %swap3A_108 = arith.constant 1 : i32
    %swap3A_109 = arith.index_cast %swap3A_108 : i32 to index
    %swap3A_110 = arith.constant 112 : index
    %swap3A_111 = tpu.vector_load %arg6[%swap3A_109, %swap3A_110] {strides = array<i32>} : memref<5x128xi32, #tpu.memory_space<vmem>>, vector<1x16xi32>,
    %swap3A_112 = vector.shape_cast %swap3A_111 : vector<1x16xi32> to vector<16xi32>
    %swap3A_113 = vector.shape_cast %broadcast_in_dim3A_65 : vector<16xi32> to vector<1x16xi32>
    tpu.vector_store %arg6[%swap3A_109, %swap3A_110], %swap3A_113 {strides = array<i32>} : memref<5x128xi32, #tpu.memory_space<vmem>>, vector<1x16xi32>,
    %dma_start3A_114 = arith.constant 1 : i32
    %dma_start3A_115 = arith.constant 1 : i32
    %dma_start3A_116 = arith.constant 0 : i32
    %dma_start3A_117 = arith.constant 0 : i32
    %dma_start3A_118 = tpu.memref_slice %arg9[%dma_start3A_115, %dma_start3A_116, %dma_start3A_117] : memref<2x128x128xf32, #tpu.memory_space<vmem>> -> memref<1x128x128xf32, #tpu.memory_space<vmem>>
    %dma_start3A_119 = tpu.memref_squeeze %dma_start3A_118 : memref<1x128x128xf32, #tpu.memory_space<vmem>> -> memref<128x128xf32, #tpu.memory_space<vmem>>
    %dma_start3A_120 = arith.constant 0 : i32
    %dma_start3A_121 = tpu.memref_slice %arg6[%dma_start3A_114, %dma_start3A_120] : memref<5x128xi32, #tpu.memory_space<vmem>> -> memref<1x128xi32, #tpu.memory_space<vmem>>
    %dma_start3A_122 = tpu.memref_squeeze %dma_start3A_121 : memref<1x128xi32, #tpu.memory_space<vmem>> -> memref<128xi32, #tpu.memory_space<vmem>>
    %dma_start3A_123 = arith.constant 0 : i32
    %dma_start3A_124 = arith.constant 0 : i32
    %dma_start3A_125 = tpu.memref_slice %arg8[%dma_start3A_123, %dma_start3A_124] : memref<65x128xf32, #tpu.memory_space<vmem_shared>> -> memref<65x128xf32, #tpu.memory_space<vmem_shared>>
    tpu.enqueue_indirect_dma source(%dma_start3A_125 : memref<65x128xf32, #tpu.memory_space<vmem_shared>>) target(%dma_start3A_119 : memref<128x128xf32, #tpu.memory_space<vmem>>) offsets(%dma_start3A_122 : memref<128xi32, #tpu.memory_space<vmem>>) semaphore(%arg13 : memref<!tpu.dma_semaphore, #tpu.memory_space<semaphore_mem>>)
    %dma_wait3A = arith.constant 0 : i32
    %dma_wait3A_126 = arith.constant 0 : i32
    %dma_wait3A_127 = arith.constant 0 : i32
    %dma_wait3A_128 = arith.constant 0 : i32
    %dma_wait3A_129 = tpu.memref_slice %arg9[%dma_wait3A_126, %dma_wait3A_127, %dma_wait3A_128] : memref<2x128x128xf32, #tpu.memory_space<vmem>> -> memref<1x128x128xf32, #tpu.memory_space<vmem>>
    %dma_wait3A_130 = tpu.memref_squeeze %dma_wait3A_129 : memref<1x128x128xf32, #tpu.memory_space<vmem>> -> memref<128x128xf32, #tpu.memory_space<vmem>>
    %dma_wait3A_131 = arith.constant 0 : i32
    %dma_wait3A_132 = tpu.memref_slice %arg6[%dma_wait3A, %dma_wait3A_131] : memref<5x128xi32, #tpu.memory_space<vmem>> -> memref<1x128xi32, #tpu.memory_space<vmem>>
    %dma_wait3A_133 = tpu.memref_squeeze %dma_wait3A_132 : memref<1x128xi32, #tpu.memory_space<vmem>> -> memref<128xi32, #tpu.memory_space<vmem>>
    %dma_wait3A_134 = arith.constant 0 : i32
    %dma_wait3A_135 = arith.constant 0 : i32
    %dma_wait3A_136 = tpu.memref_slice %arg8[%dma_wait3A_134, %dma_wait3A_135] : memref<65x128xf32, #tpu.memory_space<vmem_shared>> -> memref<65x128xf32, #tpu.memory_space<vmem_shared>>
    tpu.wait_indirect_dma semaphore(%arg12 : memref<!tpu.dma_semaphore, #tpu.memory_space<semaphore_mem>>) src(%dma_wait3A_136 : memref<65x128xf32, #tpu.memory_space<vmem_shared>>) dst(%dma_wait3A_130 : memref<128x128xf32, #tpu.memory_space<vmem>>)
    %dma_wait3A_137 = arith.constant 1 : i32
    %dma_wait3A_138 = arith.constant 1 : i32
    %dma_wait3A_139 = arith.constant 0 : i32
    %dma_wait3A_140 = arith.constant 0 : i32
    %dma_wait3A_141 = tpu.memref_slice %arg9[%dma_wait3A_138, %dma_wait3A_139, %dma_wait3A_140] : memref<2x128x128xf32, #tpu.memory_space<vmem>> -> memref<1x128x128xf32, #tpu.memory_space<vmem>>
    %dma_wait3A_142 = tpu.memref_squeeze %dma_wait3A_141 : memref<1x128x128xf32, #tpu.memory_space<vmem>> -> memref<128x128xf32, #tpu.memory_space<vmem>>
    %dma_wait3A_143 = arith.constant 0 : i32
    %dma_wait3A_144 = tpu.memref_slice %arg6[%dma_wait3A_137, %dma_wait3A_143] : memref<5x128xi32, #tpu.memory_space<vmem>> -> memref<1x128xi32, #tpu.memory_space<vmem>>
    %dma_wait3A_145 = tpu.memref_squeeze %dma_wait3A_144 : memref<1x128xi32, #tpu.memory_space<vmem>> -> memref<128xi32, #tpu.memory_space<vmem>>
    %dma_wait3A_146 = arith.constant 0 : i32
    %dma_wait3A_147 = arith.constant 0 : i32
    %dma_wait3A_148 = tpu.memref_slice %arg8[%dma_wait3A_146, %dma_wait3A_147] : memref<65x128xf32, #tpu.memory_space<vmem_shared>> -> memref<65x128xf32, #tpu.memory_space<vmem_shared>>
    tpu.wait_indirect_dma semaphore(%arg13 : memref<!tpu.dma_semaphore, #tpu.memory_space<semaphore_mem>>) src(%dma_wait3A_148 : memref<65x128xf32, #tpu.memory_space<vmem_shared>>) dst(%dma_wait3A_142 : memref<128x128xf32, #tpu.memory_space<vmem>>)
    %scan3A = arith.constant 0 : i32
    %scan3A_149 = arith.constant 0 : i32
    %scan3A_150 = arith.constant 16 : i32
    %scan3A_151 = arith.addi %scan3A_149, %scan3A_150 : i32
    %scan3A_152 = arith.constant 1 : i32
    scf.for %scan3A_202 = %scan3A_149 to %scan3A_151 step %scan3A_152  : i32 {
      %add3A_203 = arith.addi %mul3A_2, %scan3A_202 : i32
      %get3A_204 = arith.index_cast %add3A_203 : i32 to index
      %get3A_205 = tpu.vector_load %arg5[%get3A_204] {strides = array<i32>} : memref<528xi32, #tpu.memory_space<vmem>>, vector<16xi32>,
      %get3A_206 = vector.shape_cast %get3A_205 : vector<16xi32> to vector<16xi32>
      %slice3A = vector.extract_strided_slice %get3A_206 {offsets = [0], sizes = [1], strides = [1]} : vector<16xi32> to vector<1xi32>
      %squeeze3A = vector.extract %slice3A[0] : i32 from vector<1xi32>
      %mul3A_207 = arith.constant 4 : i32
      %mul3A_208 = arith.muli %scan3A_202, %mul3A_207 : i32
      %add3A_209 = arith.constant 0 : i32
      %add3A_210 = arith.addi %mul3A_208, %add3A_209 : i32
      %get3A_211 = arith.constant 0 : index
      %get3A_212 = tpu.vector_load %arg5[%get3A_211] {strides = array<i32>} : memref<528xi32, #tpu.memory_space<vmem>>, vector<16xi32>,
      %get3A_213 = vector.shape_cast %get3A_212 : vector<16xi32> to vector<16xi32>
      %slice3A_214 = vector.extract_strided_slice %get3A_213 {offsets = [0], sizes = [1], strides = [1]} : vector<16xi32> to vector<1xi32>
      %squeeze3A_215 = vector.extract %slice3A_214[0] : i32 from vector<1xi32>
      %get3A_216 = arith.constant 112 : index
      %get3A_217 = tpu.vector_load %arg5[%get3A_216] {strides = array<i32>} : memref<528xi32, #tpu.memory_space<vmem>>, vector<16xi32>,
      %get3A_218 = vector.shape_cast %get3A_217 : vector<16xi32> to vector<16xi32>
      %slice3A_219 = vector.extract_strided_slice %get3A_218 {offsets = [15], sizes = [1], strides = [1]} : vector<16xi32> to vector<1xi32>
      %squeeze3A_220 = vector.extract %slice3A_219[0] : i32 from vector<1xi32>
      %sub3A = arith.subi %squeeze3A_215, %squeeze3A : i32
      %add3A_221 = arith.constant 32 : i32
      %add3A_222 = arith.addi %sub3A, %add3A_221 : i32
      %max3A = arith.constant 0 : i32
      %max3A_223 = arith.maxsi %add3A_222, %max3A : i32
      %min3A = arith.constant 64 : i32
      %min3A_224 = arith.minsi %max3A_223, %min3A : i32
      %sub3A_225 = arith.subi %squeeze3A_220, %squeeze3A : i32
      %add3A_226 = arith.constant 32 : i32
      %add3A_227 = arith.addi %sub3A_225, %add3A_226 : i32
      %max3A_228 = arith.constant 0 : i32
      %max3A_229 = arith.maxsi %add3A_227, %max3A_228 : i32
      %min3A_230 = arith.constant 64 : i32
      %min3A_231 = arith.minsi %max3A_229, %min3A_230 : i32
      %eq3A_232 = arith.cmpi eq, %min3A_224, %min3A_231 : i32
      %eq3A_233 = arith.constant 0 : i32
      %eq3A_234 = arith.cmpi eq, %min3A_224, %eq3A_233 : i32
      %eq3A_235 = arith.constant 64 : i32
      %eq3A_236 = arith.cmpi eq, %min3A_224, %eq3A_235 : i32
      %or3A = arith.ori %eq3A_234, %eq3A_236 : i1
      %and3A = arith.andi %eq3A_232, %or3A : i1
      %jit3A = arith.constant 1 : i32
      %jit3A_237 = arith.constant 0 : i32
      %select_n3A = arith.select %and3A, %jit3A, %jit3A_237 : i32
      %swap3A_238 = arith.index_cast %add3A_210 : i32 to index
      %swap3A_239 = memref.load %arg10[%swap3A_238] : memref<68xi32, #tpu.memory_space<smem>>
      memref.store %select_n3A, %arg10[%swap3A_238] : memref<68xi32, #tpu.memory_space<smem>>
      %eq3A_240 = arith.constant 0 : i32
      %eq3A_241 = arith.cmpi eq, %min3A_224, %eq3A_240 : i32
      %jit3A_242 = arith.constant 0 : i32
      %jit3A_243 = arith.constant 1 : i32
      %select_n3A_244 = arith.select %eq3A_241, %jit3A_242, %jit3A_243 : i32
      %swap3A_245 = arith.index_cast %add3A_210 : i32 to index
      %swap3A_246 = memref.load %arg11[%swap3A_245] : memref<64xi32, #tpu.memory_space<smem>>
      memref.store %select_n3A_244, %arg11[%swap3A_245] : memref<64xi32, #tpu.memory_space<smem>>
      %mul3A_247 = arith.constant 4 : i32
      %mul3A_248 = arith.muli %scan3A_202, %mul3A_247 : i32
      %add3A_249 = arith.constant 1 : i32
      %add3A_250 = arith.addi %mul3A_248, %add3A_249 : i32
      %get3A_251 = arith.constant 128 : index
      %get3A_252 = tpu.vector_load %arg5[%get3A_251] {strides = array<i32>} : memref<528xi32, #tpu.memory_space<vmem>>, vector<16xi32>,
      %get3A_253 = vector.shape_cast %get3A_252 : vector<16xi32> to vector<16xi32>
      %slice3A_254 = vector.extract_strided_slice %get3A_253 {offsets = [0], sizes = [1], strides = [1]} : vector<16xi32> to vector<1xi32>
      %squeeze3A_255 = vector.extract %slice3A_254[0] : i32 from vector<1xi32>
      %get3A_256 = arith.constant 240 : index
      %get3A_257 = tpu.vector_load %arg5[%get3A_256] {strides = array<i32>} : memref<528xi32, #tpu.memory_space<vmem>>, vector<16xi32>,
      %get3A_258 = vector.shape_cast %get3A_257 : vector<16xi32> to vector<16xi32>
      %slice3A_259 = vector.extract_strided_slice %get3A_258 {offsets = [15], sizes = [1], strides = [1]} : vector<16xi32> to vector<1xi32>
      %squeeze3A_260 = vector.extract %slice3A_259[0] : i32 from vector<1xi32>
      %sub3A_261 = arith.subi %squeeze3A_255, %squeeze3A : i32
      %add3A_262 = arith.constant 32 : i32
      %add3A_263 = arith.addi %sub3A_261, %add3A_262 : i32
      %max3A_264 = arith.constant 0 : i32
      %max3A_265 = arith.maxsi %add3A_263, %max3A_264 : i32
      %min3A_266 = arith.constant 64 : i32
      %min3A_267 = arith.minsi %max3A_265, %min3A_266 : i32
      %sub3A_268 = arith.subi %squeeze3A_260, %squeeze3A : i32
      %add3A_269 = arith.constant 32 : i32
      %add3A_270 = arith.addi %sub3A_268, %add3A_269 : i32
      %max3A_271 = arith.constant 0 : i32
      %max3A_272 = arith.maxsi %add3A_270, %max3A_271 : i32
      %min3A_273 = arith.constant 64 : i32
      %min3A_274 = arith.minsi %max3A_272, %min3A_273 : i32
      %eq3A_275 = arith.cmpi eq, %min3A_267, %min3A_274 : i32
      %eq3A_276 = arith.constant 0 : i32
      %eq3A_277 = arith.cmpi eq, %min3A_267, %eq3A_276 : i32
      %eq3A_278 = arith.constant 64 : i32
      %eq3A_279 = arith.cmpi eq, %min3A_267, %eq3A_278 : i32
      %or3A_280 = arith.ori %eq3A_277, %eq3A_279 : i1
      %and3A_281 = arith.andi %eq3A_275, %or3A_280 : i1
      %jit3A_282 = arith.constant 1 : i32
      %jit3A_283 = arith.constant 0 : i32
      %select_n3A_284 = arith.select %and3A_281, %jit3A_282, %jit3A_283 : i32
      %swap3A_285 = arith.index_cast %add3A_250 : i32 to index
      %swap3A_286 = memref.load %arg10[%swap3A_285] : memref<68xi32, #tpu.memory_space<smem>>
      memref.store %select_n3A_284, %arg10[%swap3A_285] : memref<68xi32, #tpu.memory_space<smem>>
      %eq3A_287 = arith.constant 0 : i32
      %eq3A_288 = arith.cmpi eq, %min3A_267, %eq3A_287 : i32
      %jit3A_289 = arith.constant 0 : i32
      %jit3A_290 = arith.constant 1 : i32
      %select_n3A_291 = arith.select %eq3A_288, %jit3A_289, %jit3A_290 : i32
      %swap3A_292 = arith.index_cast %add3A_250 : i32 to index
      %swap3A_293 = memref.load %arg11[%swap3A_292] : memref<64xi32, #tpu.memory_space<smem>>
      memref.store %select_n3A_291, %arg11[%swap3A_292] : memref<64xi32, #tpu.memory_space<smem>>
      %mul3A_294 = arith.constant 4 : i32
      %mul3A_295 = arith.muli %scan3A_202, %mul3A_294 : i32
      %add3A_296 = arith.constant 2 : i32
      %add3A_297 = arith.addi %mul3A_295, %add3A_296 : i32
      %get3A_298 = arith.constant 256 : index
      %get3A_299 = tpu.vector_load %arg5[%get3A_298] {strides = array<i32>} : memref<528xi32, #tpu.memory_space<vmem>>, vector<16xi32>,
      %get3A_300 = vector.shape_cast %get3A_299 : vector<16xi32> to vector<16xi32>
      %slice3A_301 = vector.extract_strided_slice %get3A_300 {offsets = [0], sizes = [1], strides = [1]} : vector<16xi32> to vector<1xi32>
      %squeeze3A_302 = vector.extract %slice3A_301[0] : i32 from vector<1xi32>
      %get3A_303 = arith.constant 368 : index
      %get3A_304 = tpu.vector_load %arg5[%get3A_303] {strides = array<i32>} : memref<528xi32, #tpu.memory_space<vmem>>, vector<16xi32>,
      %get3A_305 = vector.shape_cast %get3A_304 : vector<16xi32> to vector<16xi32>
      %slice3A_306 = vector.extract_strided_slice %get3A_305 {offsets = [15], sizes = [1], strides = [1]} : vector<16xi32> to vector<1xi32>
      %squeeze3A_307 = vector.extract %slice3A_306[0] : i32 from vector<1xi32>
      %sub3A_308 = arith.subi %squeeze3A_302, %squeeze3A : i32
      %add3A_309 = arith.constant 32 : i32
      %add3A_310 = arith.addi %sub3A_308, %add3A_309 : i32
      %max3A_311 = arith.constant 0 : i32
      %max3A_312 = arith.maxsi %add3A_310, %max3A_311 : i32
      %min3A_313 = arith.constant 64 : i32
      %min3A_314 = arith.minsi %max3A_312, %min3A_313 : i32
      %sub3A_315 = arith.subi %squeeze3A_307, %squeeze3A : i32
      %add3A_316 = arith.constant 32 : i32
      %add3A_317 = arith.addi %sub3A_315, %add3A_316 : i32
      %max3A_318 = arith.constant 0 : i32
      %max3A_319 = arith.maxsi %add3A_317, %max3A_318 : i32
      %min3A_320 = arith.constant 64 : i32
      %min3A_321 = arith.minsi %max3A_319, %min3A_320 : i32
      %eq3A_322 = arith.cmpi eq, %min3A_314, %min3A_321 : i32
      %eq3A_323 = arith.constant 0 : i32
      %eq3A_324 = arith.cmpi eq, %min3A_314, %eq3A_323 : i32
      %eq3A_325 = arith.constant 64 : i32
      %eq3A_326 = arith.cmpi eq, %min3A_314, %eq3A_325 : i32
      %or3A_327 = arith.ori %eq3A_324, %eq3A_326 : i1
      %and3A_328 = arith.andi %eq3A_322, %or3A_327 : i1
      %jit3A_329 = arith.constant 1 : i32
      %jit3A_330 = arith.constant 0 : i32
      %select_n3A_331 = arith.select %and3A_328, %jit3A_329, %jit3A_330 : i32
      %swap3A_332 = arith.index_cast %add3A_297 : i32 to index
      %swap3A_333 = memref.load %arg10[%swap3A_332] : memref<68xi32, #tpu.memory_space<smem>>
      memref.store %select_n3A_331, %arg10[%swap3A_332] : memref<68xi32, #tpu.memory_space<smem>>
      %eq3A_334 = arith.constant 0 : i32
      %eq3A_335 = arith.cmpi eq, %min3A_314, %eq3A_334 : i32
      %jit3A_336 = arith.constant 0 : i32
      %jit3A_337 = arith.constant 1 : i32
      %select_n3A_338 = arith.select %eq3A_335, %jit3A_336, %jit3A_337 : i32
      %swap3A_339 = arith.index_cast %add3A_297 : i32 to index
      %swap3A_340 = memref.load %arg11[%swap3A_339] : memref<64xi32, #tpu.memory_space<smem>>
      memref.store %select_n3A_338, %arg11[%swap3A_339] : memref<64xi32, #tpu.memory_space<smem>>
      %mul3A_341 = arith.constant 4 : i32
      %mul3A_342 = arith.muli %scan3A_202, %mul3A_341 : i32
      %add3A_343 = arith.constant 3 : i32
      %add3A_344 = arith.addi %mul3A_342, %add3A_343 : i32
      %get3A_345 = arith.constant 384 : index
      %get3A_346 = tpu.vector_load %arg5[%get3A_345] {strides = array<i32>} : memref<528xi32, #tpu.memory_space<vmem>>, vector<16xi32>,
      %get3A_347 = vector.shape_cast %get3A_346 : vector<16xi32> to vector<16xi32>
      %slice3A_348 = vector.extract_strided_slice %get3A_347 {offsets = [0], sizes = [1], strides = [1]} : vector<16xi32> to vector<1xi32>
      %squeeze3A_349 = vector.extract %slice3A_348[0] : i32 from vector<1xi32>
      %get3A_350 = arith.constant 496 : index
      %get3A_351 = tpu.vector_load %arg5[%get3A_350] {strides = array<i32>} : memref<528xi32, #tpu.memory_space<vmem>>, vector<16xi32>,
      %get3A_352 = vector.shape_cast %get3A_351 : vector<16xi32> to vector<16xi32>
      %slice3A_353 = vector.extract_strided_slice %get3A_352 {offsets = [15], sizes = [1], strides = [1]} : vector<16xi32> to vector<1xi32>
      %squeeze3A_354 = vector.extract %slice3A_353[0] : i32 from vector<1xi32>
      %sub3A_355 = arith.subi %squeeze3A_349, %squeeze3A : i32
      %add3A_356 = arith.constant 32 : i32
      %add3A_357 = arith.addi %sub3A_355, %add3A_356 : i32
      %max3A_358 = arith.constant 0 : i32
      %max3A_359 = arith.maxsi %add3A_357, %max3A_358 : i32
      %min3A_360 = arith.constant 64 : i32
      %min3A_361 = arith.minsi %max3A_359, %min3A_360 : i32
      %sub3A_362 = arith.subi %squeeze3A_354, %squeeze3A : i32
      %add3A_363 = arith.constant 32 : i32
      %add3A_364 = arith.addi %sub3A_362, %add3A_363 : i32
      %max3A_365 = arith.constant 0 : i32
      %max3A_366 = arith.maxsi %add3A_364, %max3A_365 : i32
      %min3A_367 = arith.constant 64 : i32
      %min3A_368 = arith.minsi %max3A_366, %min3A_367 : i32
      %eq3A_369 = arith.cmpi eq, %min3A_361, %min3A_368 : i32
      %eq3A_370 = arith.constant 0 : i32
      %eq3A_371 = arith.cmpi eq, %min3A_361, %eq3A_370 : i32
      %eq3A_372 = arith.constant 64 : i32
      %eq3A_373 = arith.cmpi eq, %min3A_361, %eq3A_372 : i32
      %or3A_374 = arith.ori %eq3A_371, %eq3A_373 : i1
      %and3A_375 = arith.andi %eq3A_369, %or3A_374 : i1
      %jit3A_376 = arith.constant 1 : i32
      %jit3A_377 = arith.constant 0 : i32
      %select_n3A_378 = arith.select %and3A_375, %jit3A_376, %jit3A_377 : i32
      %swap3A_379 = arith.index_cast %add3A_344 : i32 to index
      %swap3A_380 = memref.load %arg10[%swap3A_379] : memref<68xi32, #tpu.memory_space<smem>>
      memref.store %select_n3A_378, %arg10[%swap3A_379] : memref<68xi32, #tpu.memory_space<smem>>
      %eq3A_381 = arith.constant 0 : i32
      %eq3A_382 = arith.cmpi eq, %min3A_361, %eq3A_381 : i32
      %jit3A_383 = arith.constant 0 : i32
      %jit3A_384 = arith.constant 1 : i32
      %select_n3A_385 = arith.select %eq3A_382, %jit3A_383, %jit3A_384 : i32
      %swap3A_386 = arith.index_cast %add3A_344 : i32 to index
      %swap3A_387 = memref.load %arg11[%swap3A_386] : memref<64xi32, #tpu.memory_space<smem>>
      memref.store %select_n3A_385, %arg11[%swap3A_386] : memref<64xi32, #tpu.memory_space<smem>>
    }
    %scan3A_153 = arith.constant 16 : i32
    %get3A = arith.constant 0 : i32
    %get3A_154 = arith.index_cast %get3A : i32 to index
    %get3A_155 = memref.load %arg10[%get3A_154] : memref<68xi32, #tpu.memory_space<smem>>
    %eq3A_156 = arith.constant 0 : i32
    %eq3A_157 = arith.cmpi eq, %get3A_155, %eq3A_156 : i32
    %convert_element_type3A_158 = arith.extui %eq3A_157 : i1 to i32
    %cond3A_159 = arith.constant 0 : i32
    %cond3A_160 = arith.cmpi ne, %convert_element_type3A_158, %cond3A_159 : i32
    scf.if %cond3A_160 {
      %add3A_202 = arith.constant 0 : i32
      %add3A_203 = arith.addi %mul3A_2, %add3A_202 : i32
      %get3A_204 = arith.index_cast %add3A_203 : i32 to index
      %get3A_205 = tpu.vector_load %arg5[%get3A_204] {strides = array<i32>} : memref<528xi32, #tpu.memory_space<vmem>>, vector<16xi32>,
      %get3A_206 = vector.shape_cast %get3A_205 : vector<16xi32> to vector<16xi32>
      %slice3A = vector.extract_strided_slice %get3A_206 {offsets = [0], sizes = [1], strides = [1]} : vector<16xi32> to vector<1xi32>
      %squeeze3A = vector.extract %slice3A[0] : i32 from vector<1xi32>
      %broadcast_in_dim3A_207 = vector.broadcast %squeeze3A : i32 to vector<16xi32>
      %get3A_208 = arith.constant 0 : index
      %get3A_209 = tpu.vector_load %arg5[%get3A_208] {strides = array<i32>} : memref<528xi32, #tpu.memory_space<vmem>>, vector<16xi32>,
      %get3A_210 = vector.shape_cast %get3A_209 : vector<16xi32> to vector<16xi32>
      %sub3A = arith.subi %get3A_210, %broadcast_in_dim3A_207 : vector<16xi32>
      %add3A_211 = arith.constant 32 : i32
      %add3A_212 = vector.broadcast %add3A_211 : i32 to vector<16xi32>
      %add3A_213 = arith.addi %sub3A, %add3A_212 : vector<16xi32>
      %max3A = arith.constant 0 : i32
      %max3A_214 = vector.broadcast %max3A : i32 to vector<16xi32>
      %max3A_215 = arith.maxsi %add3A_213, %max3A_214 : vector<16xi32>
      %min3A = arith.constant 64 : i32
      %min3A_216 = vector.broadcast %min3A : i32 to vector<16xi32>
      %min3A_217 = arith.minsi %max3A_215, %min3A_216 : vector<16xi32>
      %swap3A_218 = arith.constant 1 : i32
      %swap3A_219 = arith.index_cast %swap3A_218 : i32 to index
      %swap3A_220 = arith.constant 0 : index
      %swap3A_221 = tpu.vector_load %arg6[%swap3A_219, %swap3A_220] {strides = array<i32>} : memref<5x128xi32, #tpu.memory_space<vmem>>, vector<1x16xi32>,
      %swap3A_222 = vector.shape_cast %swap3A_221 : vector<1x16xi32> to vector<16xi32>
      %swap3A_223 = vector.shape_cast %min3A_217 : vector<16xi32> to vector<1x16xi32>
      tpu.vector_store %arg6[%swap3A_219, %swap3A_220], %swap3A_223 {strides = array<i32>} : memref<5x128xi32, #tpu.memory_space<vmem>>, vector<1x16xi32>,
      %get3A_224 = arith.constant 16 : index
      %get3A_225 = tpu.vector_load %arg5[%get3A_224] {strides = array<i32>} : memref<528xi32, #tpu.memory_space<vmem>>, vector<16xi32>,
      %get3A_226 = vector.shape_cast %get3A_225 : vector<16xi32> to vector<16xi32>
      %sub3A_227 = arith.subi %get3A_226, %broadcast_in_dim3A_207 : vector<16xi32>
      %add3A_228 = arith.constant 32 : i32
      %add3A_229 = vector.broadcast %add3A_228 : i32 to vector<16xi32>
      %add3A_230 = arith.addi %sub3A_227, %add3A_229 : vector<16xi32>
      %max3A_231 = arith.constant 0 : i32
      %max3A_232 = vector.broadcast %max3A_231 : i32 to vector<16xi32>
      %max3A_233 = arith.maxsi %add3A_230, %max3A_232 : vector<16xi32>
      %min3A_234 = arith.constant 64 : i32
      %min3A_235 = vector.broadcast %min3A_234 : i32 to vector<16xi32>
      %min3A_236 = arith.minsi %max3A_233, %min3A_235 : vector<16xi32>
      %swap3A_237 = arith.constant 1 : i32
      %swap3A_238 = arith.index_cast %swap3A_237 : i32 to index
      %swap3A_239 = arith.constant 16 : index
      %swap3A_240 = tpu.vector_load %arg6[%swap3A_238, %swap3A_239] {strides = array<i32>} : memref<5x128xi32, #tpu.memory_space<vmem>>, vector<1x16xi32>,
      %swap3A_241 = vector.shape_cast %swap3A_240 : vector<1x16xi32> to vector<16xi32>
      %swap3A_242 = vector.shape_cast %min3A_236 : vector<16xi32> to vector<1x16xi32>
      tpu.vector_store %arg6[%swap3A_238, %swap3A_239], %swap3A_242 {strides = array<i32>} : memref<5x128xi32, #tpu.memory_space<vmem>>, vector<1x16xi32>,
      %get3A_243 = arith.constant 32 : index
      %get3A_244 = tpu.vector_load %arg5[%get3A_243] {strides = array<i32>} : memref<528xi32, #tpu.memory_space<vmem>>, vector<16xi32>,
      %get3A_245 = vector.shape_cast %get3A_244 : vector<16xi32> to vector<16xi32>
      %sub3A_246 = arith.subi %get3A_245, %broadcast_in_dim3A_207 : vector<16xi32>
      %add3A_247 = arith.constant 32 : i32
      %add3A_248 = vector.broadcast %add3A_247 : i32 to vector<16xi32>
      %add3A_249 = arith.addi %sub3A_246, %add3A_248 : vector<16xi32>
      %max3A_250 = arith.constant 0 : i32
      %max3A_251 = vector.broadcast %max3A_250 : i32 to vector<16xi32>
      %max3A_252 = arith.maxsi %add3A_249, %max3A_251 : vector<16xi32>
      %min3A_253 = arith.constant 64 : i32
      %min3A_254 = vector.broadcast %min3A_253 : i32 to vector<16xi32>
      %min3A_255 = arith.minsi %max3A_252, %min3A_254 : vector<16xi32>
      %swap3A_256 = arith.constant 1 : i32
      %swap3A_257 = arith.index_cast %swap3A_256 : i32 to index
      %swap3A_258 = arith.constant 32 : index
      %swap3A_259 = tpu.vector_load %arg6[%swap3A_257, %swap3A_258] {strides = array<i32>} : memref<5x128xi32, #tpu.memory_space<vmem>>, vector<1x16xi32>,
      %swap3A_260 = vector.shape_cast %swap3A_259 : vector<1x16xi32> to vector<16xi32>
      %swap3A_261 = vector.shape_cast %min3A_255 : vector<16xi32> to vector<1x16xi32>
      tpu.vector_store %arg6[%swap3A_257, %swap3A_258], %swap3A_261 {strides = array<i32>} : memref<5x128xi32, #tpu.memory_space<vmem>>, vector<1x16xi32>,
      %get3A_262 = arith.constant 48 : index
      %get3A_263 = tpu.vector_load %arg5[%get3A_262] {strides = array<i32>} : memref<528xi32, #tpu.memory_space<vmem>>, vector<16xi32>,
      %get3A_264 = vector.shape_cast %get3A_263 : vector<16xi32> to vector<16xi32>
      %sub3A_265 = arith.subi %get3A_264, %broadcast_in_dim3A_207 : vector<16xi32>
      %add3A_266 = arith.constant 32 : i32
      %add3A_267 = vector.broadcast %add3A_266 : i32 to vector<16xi32>
      %add3A_268 = arith.addi %sub3A_265, %add3A_267 : vector<16xi32>
      %max3A_269 = arith.constant 0 : i32
      %max3A_270 = vector.broadcast %max3A_269 : i32 to vector<16xi32>
      %max3A_271 = arith.maxsi %add3A_268, %max3A_270 : vector<16xi32>
      %min3A_272 = arith.constant 64 : i32
      %min3A_273 = vector.broadcast %min3A_272 : i32 to vector<16xi32>
      %min3A_274 = arith.minsi %max3A_271, %min3A_273 : vector<16xi32>
      %swap3A_275 = arith.constant 1 : i32
      %swap3A_276 = arith.index_cast %swap3A_275 : i32 to index
      %swap3A_277 = arith.constant 48 : index
      %swap3A_278 = tpu.vector_load %arg6[%swap3A_276, %swap3A_277] {strides = array<i32>} : memref<5x128xi32, #tpu.memory_space<vmem>>, vector<1x16xi32>,
      %swap3A_279 = vector.shape_cast %swap3A_278 : vector<1x16xi32> to vector<16xi32>
      %swap3A_280 = vector.shape_cast %min3A_274 : vector<16xi32> to vector<1x16xi32>
      tpu.vector_store %arg6[%swap3A_276, %swap3A_277], %swap3A_280 {strides = array<i32>} : memref<5x128xi32, #tpu.memory_space<vmem>>, vector<1x16xi32>,
      %get3A_281 = arith.constant 64 : index
      %get3A_282 = tpu.vector_load %arg5[%get3A_281] {strides = array<i32>} : memref<528xi32, #tpu.memory_space<vmem>>, vector<16xi32>,
      %get3A_283 = vector.shape_cast %get3A_282 : vector<16xi32> to vector<16xi32>
      %sub3A_284 = arith.subi %get3A_283, %broadcast_in_dim3A_207 : vector<16xi32>
      %add3A_285 = arith.constant 32 : i32
      %add3A_286 = vector.broadcast %add3A_285 : i32 to vector<16xi32>
      %add3A_287 = arith.addi %sub3A_284, %add3A_286 : vector<16xi32>
      %max3A_288 = arith.constant 0 : i32
      %max3A_289 = vector.broadcast %max3A_288 : i32 to vector<16xi32>
      %max3A_290 = arith.maxsi %add3A_287, %max3A_289 : vector<16xi32>
      %min3A_291 = arith.constant 64 : i32
      %min3A_292 = vector.broadcast %min3A_291 : i32 to vector<16xi32>
      %min3A_293 = arith.minsi %max3A_290, %min3A_292 : vector<16xi32>
      %swap3A_294 = arith.constant 1 : i32
      %swap3A_295 = arith.index_cast %swap3A_294 : i32 to index
      %swap3A_296 = arith.constant 64 : index
      %swap3A_297 = tpu.vector_load %arg6[%swap3A_295, %swap3A_296] {strides = array<i32>} : memref<5x128xi32, #tpu.memory_space<vmem>>, vector<1x16xi32>,
      %swap3A_298 = vector.shape_cast %swap3A_297 : vector<1x16xi32> to vector<16xi32>
      %swap3A_299 = vector.shape_cast %min3A_293 : vector<16xi32> to vector<1x16xi32>
      tpu.vector_store %arg6[%swap3A_295, %swap3A_296], %swap3A_299 {strides = array<i32>} : memref<5x128xi32, #tpu.memory_space<vmem>>, vector<1x16xi32>,
      %get3A_300 = arith.constant 80 : index
      %get3A_301 = tpu.vector_load %arg5[%get3A_300] {strides = array<i32>} : memref<528xi32, #tpu.memory_space<vmem>>, vector<16xi32>,
      %get3A_302 = vector.shape_cast %get3A_301 : vector<16xi32> to vector<16xi32>
      %sub3A_303 = arith.subi %get3A_302, %broadcast_in_dim3A_207 : vector<16xi32>
      %add3A_304 = arith.constant 32 : i32
      %add3A_305 = vector.broadcast %add3A_304 : i32 to vector<16xi32>
      %add3A_306 = arith.addi %sub3A_303, %add3A_305 : vector<16xi32>
      %max3A_307 = arith.constant 0 : i32
      %max3A_308 = vector.broadcast %max3A_307 : i32 to vector<16xi32>
      %max3A_309 = arith.maxsi %add3A_306, %max3A_308 : vector<16xi32>
      %min3A_310 = arith.constant 64 : i32
      %min3A_311 = vector.broadcast %min3A_310 : i32 to vector<16xi32>
      %min3A_312 = arith.minsi %max3A_309, %min3A_311 : vector<16xi32>
      %swap3A_313 = arith.constant 1 : i32
      %swap3A_314 = arith.index_cast %swap3A_313 : i32 to index
      %swap3A_315 = arith.constant 80 : index
      %swap3A_316 = tpu.vector_load %arg6[%swap3A_314, %swap3A_315] {strides = array<i32>} : memref<5x128xi32, #tpu.memory_space<vmem>>, vector<1x16xi32>,
      %swap3A_317 = vector.shape_cast %swap3A_316 : vector<1x16xi32> to vector<16xi32>
      %swap3A_318 = vector.shape_cast %min3A_312 : vector<16xi32> to vector<1x16xi32>
      tpu.vector_store %arg6[%swap3A_314, %swap3A_315], %swap3A_318 {strides = array<i32>} : memref<5x128xi32, #tpu.memory_space<vmem>>, vector<1x16xi32>,
      %get3A_319 = arith.constant 96 : index
      %get3A_320 = tpu.vector_load %arg5[%get3A_319] {strides = array<i32>} : memref<528xi32, #tpu.memory_space<vmem>>, vector<16xi32>,
      %get3A_321 = vector.shape_cast %get3A_320 : vector<16xi32> to vector<16xi32>
      %sub3A_322 = arith.subi %get3A_321, %broadcast_in_dim3A_207 : vector<16xi32>
      %add3A_323 = arith.constant 32 : i32
      %add3A_324 = vector.broadcast %add3A_323 : i32 to vector<16xi32>
      %add3A_325 = arith.addi %sub3A_322, %add3A_324 : vector<16xi32>
      %max3A_326 = arith.constant 0 : i32
      %max3A_327 = vector.broadcast %max3A_326 : i32 to vector<16xi32>
      %max3A_328 = arith.maxsi %add3A_325, %max3A_327 : vector<16xi32>
      %min3A_329 = arith.constant 64 : i32
      %min3A_330 = vector.broadcast %min3A_329 : i32 to vector<16xi32>
      %min3A_331 = arith.minsi %max3A_328, %min3A_330 : vector<16xi32>
      %swap3A_332 = arith.constant 1 : i32
      %swap3A_333 = arith.index_cast %swap3A_332 : i32 to index
      %swap3A_334 = arith.constant 96 : index
      %swap3A_335 = tpu.vector_load %arg6[%swap3A_333, %swap3A_334] {strides = array<i32>} : memref<5x128xi32, #tpu.memory_space<vmem>>, vector<1x16xi32>,
      %swap3A_336 = vector.shape_cast %swap3A_335 : vector<1x16xi32> to vector<16xi32>
      %swap3A_337 = vector.shape_cast %min3A_331 : vector<16xi32> to vector<1x16xi32>
      tpu.vector_store %arg6[%swap3A_333, %swap3A_334], %swap3A_337 {strides = array<i32>} : memref<5x128xi32, #tpu.memory_space<vmem>>, vector<1x16xi32>,
      %get3A_338 = arith.constant 112 : index
      %get3A_339 = tpu.vector_load %arg5[%get3A_338] {strides = array<i32>} : memref<528xi32, #tpu.memory_space<vmem>>, vector<16xi32>,
      %get3A_340 = vector.shape_cast %get3A_339 : vector<16xi32> to vector<16xi32>
      %sub3A_341 = arith.subi %get3A_340, %broadcast_in_dim3A_207 : vector<16xi32>
      %add3A_342 = arith.constant 32 : i32
      %add3A_343 = vector.broadcast %add3A_342 : i32 to vector<16xi32>
      %add3A_344 = arith.addi %sub3A_341, %add3A_343 : vector<16xi32>
      %max3A_345 = arith.constant 0 : i32
      %max3A_346 = vector.broadcast %max3A_345 : i32 to vector<16xi32>
      %max3A_347 = arith.maxsi %add3A_344, %max3A_346 : vector<16xi32>
      %min3A_348 = arith.constant 64 : i32
      %min3A_349 = vector.broadcast %min3A_348 : i32 to vector<16xi32>
      %min3A_350 = arith.minsi %max3A_347, %min3A_349 : vector<16xi32>
      %swap3A_351 = arith.constant 1 : i32
      %swap3A_352 = arith.index_cast %swap3A_351 : i32 to index
      %swap3A_353 = arith.constant 112 : index
      %swap3A_354 = tpu.vector_load %arg6[%swap3A_352, %swap3A_353] {strides = array<i32>} : memref<5x128xi32, #tpu.memory_space<vmem>>, vector<1x16xi32>,
      %swap3A_355 = vector.shape_cast %swap3A_354 : vector<1x16xi32> to vector<16xi32>
      %swap3A_356 = vector.shape_cast %min3A_350 : vector<16xi32> to vector<1x16xi32>
      tpu.vector_store %arg6[%swap3A_352, %swap3A_353], %swap3A_356 {strides = array<i32>} : memref<5x128xi32, #tpu.memory_space<vmem>>, vector<1x16xi32>,
      %dma_start3A_357 = arith.constant 1 : i32
      %dma_start3A_358 = arith.constant 0 : i32
      %dma_start3A_359 = arith.constant 0 : i32
      %dma_start3A_360 = arith.constant 0 : i32
      %dma_start3A_361 = tpu.memref_slice %arg7[%dma_start3A_358, %dma_start3A_359, %dma_start3A_360] : memref<4x128x128xf32, #tpu.memory_space<vmem>> -> memref<1x128x128xf32, #tpu.memory_space<vmem>>
      %dma_start3A_362 = tpu.memref_squeeze %dma_start3A_361 : memref<1x128x128xf32, #tpu.memory_space<vmem>> -> memref<128x128xf32, #tpu.memory_space<vmem>>
      %dma_start3A_363 = arith.constant 0 : i32
      %dma_start3A_364 = tpu.memref_slice %arg6[%dma_start3A_357, %dma_start3A_363] : memref<5x128xi32, #tpu.memory_space<vmem>> -> memref<1x128xi32, #tpu.memory_space<vmem>>
      %dma_start3A_365 = tpu.memref_squeeze %dma_start3A_364 : memref<1x128xi32, #tpu.memory_space<vmem>> -> memref<128xi32, #tpu.memory_space<vmem>>
      %dma_start3A_366 = arith.constant 0 : i32
      %dma_start3A_367 = arith.constant 0 : i32
      %dma_start3A_368 = tpu.memref_slice %arg8[%dma_start3A_366, %dma_start3A_367] : memref<65x128xf32, #tpu.memory_space<vmem_shared>> -> memref<65x128xf32, #tpu.memory_space<vmem_shared>>
      tpu.enqueue_indirect_dma source(%dma_start3A_368 : memref<65x128xf32, #tpu.memory_space<vmem_shared>>) target(%dma_start3A_362 : memref<128x128xf32, #tpu.memory_space<vmem>>) offsets(%dma_start3A_365 : memref<128xi32, #tpu.memory_space<vmem>>) semaphore(%arg12 : memref<!tpu.dma_semaphore, #tpu.memory_space<semaphore_mem>>)
    } else {
    }
    %get3A_161 = arith.constant 1 : i32
    %get3A_162 = arith.index_cast %get3A_161 : i32 to index
    %get3A_163 = memref.load %arg10[%get3A_162] : memref<68xi32, #tpu.memory_space<smem>>
    %eq3A_164 = arith.constant 0 : i32
    %eq3A_165 = arith.cmpi eq, %get3A_163, %eq3A_164 : i32
    %convert_element_type3A_166 = arith.extui %eq3A_165 : i1 to i32
    %cond3A_167 = arith.constant 0 : i32
    %cond3A_168 = arith.cmpi ne, %convert_element_type3A_166, %cond3A_167 : i32
    scf.if %cond3A_168 {
      %add3A_202 = arith.constant 0 : i32
      %add3A_203 = arith.addi %mul3A_2, %add3A_202 : i32
      %get3A_204 = arith.index_cast %add3A_203 : i32 to index
      %get3A_205 = tpu.vector_load %arg5[%get3A_204] {strides = array<i32>} : memref<528xi32, #tpu.memory_space<vmem>>, vector<16xi32>,
      %get3A_206 = vector.shape_cast %get3A_205 : vector<16xi32> to vector<16xi32>
      %slice3A = vector.extract_strided_slice %get3A_206 {offsets = [0], sizes = [1], strides = [1]} : vector<16xi32> to vector<1xi32>
      %squeeze3A = vector.extract %slice3A[0] : i32 from vector<1xi32>
      %broadcast_in_dim3A_207 = vector.broadcast %squeeze3A : i32 to vector<16xi32>
      %get3A_208 = arith.constant 128 : index
      %get3A_209 = tpu.vector_load %arg5[%get3A_208] {strides = array<i32>} : memref<528xi32, #tpu.memory_space<vmem>>, vector<16xi32>,
      %get3A_210 = vector.shape_cast %get3A_209 : vector<16xi32> to vector<16xi32>
      %sub3A = arith.subi %get3A_210, %broadcast_in_dim3A_207 : vector<16xi32>
      %add3A_211 = arith.constant 32 : i32
      %add3A_212 = vector.broadcast %add3A_211 : i32 to vector<16xi32>
      %add3A_213 = arith.addi %sub3A, %add3A_212 : vector<16xi32>
      %max3A = arith.constant 0 : i32
      %max3A_214 = vector.broadcast %max3A : i32 to vector<16xi32>
      %max3A_215 = arith.maxsi %add3A_213, %max3A_214 : vector<16xi32>
      %min3A = arith.constant 64 : i32
      %min3A_216 = vector.broadcast %min3A : i32 to vector<16xi32>
      %min3A_217 = arith.minsi %max3A_215, %min3A_216 : vector<16xi32>
      %swap3A_218 = arith.constant 2 : i32
      %swap3A_219 = arith.index_cast %swap3A_218 : i32 to index
      %swap3A_220 = arith.constant 0 : index
      %swap3A_221 = tpu.vector_load %arg6[%swap3A_219, %swap3A_220] {strides = array<i32>} : memref<5x128xi32, #tpu.memory_space<vmem>>, vector<1x16xi32>,
      %swap3A_222 = vector.shape_cast %swap3A_221 : vector<1x16xi32> to vector<16xi32>
      %swap3A_223 = vector.shape_cast %min3A_217 : vector<16xi32> to vector<1x16xi32>
      tpu.vector_store %arg6[%swap3A_219, %swap3A_220], %swap3A_223 {strides = array<i32>} : memref<5x128xi32, #tpu.memory_space<vmem>>, vector<1x16xi32>,
      %get3A_224 = arith.constant 144 : index
      %get3A_225 = tpu.vector_load %arg5[%get3A_224] {strides = array<i32>} : memref<528xi32, #tpu.memory_space<vmem>>, vector<16xi32>,
      %get3A_226 = vector.shape_cast %get3A_225 : vector<16xi32> to vector<16xi32>
      %sub3A_227 = arith.subi %get3A_226, %broadcast_in_dim3A_207 : vector<16xi32>
      %add3A_228 = arith.constant 32 : i32
      %add3A_229 = vector.broadcast %add3A_228 : i32 to vector<16xi32>
      %add3A_230 = arith.addi %sub3A_227, %add3A_229 : vector<16xi32>
      %max3A_231 = arith.constant 0 : i32
      %max3A_232 = vector.broadcast %max3A_231 : i32 to vector<16xi32>
      %max3A_233 = arith.maxsi %add3A_230, %max3A_232 : vector<16xi32>
      %min3A_234 = arith.constant 64 : i32
      %min3A_235 = vector.broadcast %min3A_234 : i32 to vector<16xi32>
      %min3A_236 = arith.minsi %max3A_233, %min3A_235 : vector<16xi32>
      %swap3A_237 = arith.constant 2 : i32
      %swap3A_238 = arith.index_cast %swap3A_237 : i32 to index
      %swap3A_239 = arith.constant 16 : index
      %swap3A_240 = tpu.vector_load %arg6[%swap3A_238, %swap3A_239] {strides = array<i32>} : memref<5x128xi32, #tpu.memory_space<vmem>>, vector<1x16xi32>,
      %swap3A_241 = vector.shape_cast %swap3A_240 : vector<1x16xi32> to vector<16xi32>
      %swap3A_242 = vector.shape_cast %min3A_236 : vector<16xi32> to vector<1x16xi32>
      tpu.vector_store %arg6[%swap3A_238, %swap3A_239], %swap3A_242 {strides = array<i32>} : memref<5x128xi32, #tpu.memory_space<vmem>>, vector<1x16xi32>,
      %get3A_243 = arith.constant 160 : index
      %get3A_244 = tpu.vector_load %arg5[%get3A_243] {strides = array<i32>} : memref<528xi32, #tpu.memory_space<vmem>>, vector<16xi32>,
      %get3A_245 = vector.shape_cast %get3A_244 : vector<16xi32> to vector<16xi32>
      %sub3A_246 = arith.subi %get3A_245, %broadcast_in_dim3A_207 : vector<16xi32>
      %add3A_247 = arith.constant 32 : i32
      %add3A_248 = vector.broadcast %add3A_247 : i32 to vector<16xi32>
      %add3A_249 = arith.addi %sub3A_246, %add3A_248 : vector<16xi32>
      %max3A_250 = arith.constant 0 : i32
      %max3A_251 = vector.broadcast %max3A_250 : i32 to vector<16xi32>
      %max3A_252 = arith.maxsi %add3A_249, %max3A_251 : vector<16xi32>
      %min3A_253 = arith.constant 64 : i32
      %min3A_254 = vector.broadcast %min3A_253 : i32 to vector<16xi32>
      %min3A_255 = arith.minsi %max3A_252, %min3A_254 : vector<16xi32>
      %swap3A_256 = arith.constant 2 : i32
      %swap3A_257 = arith.index_cast %swap3A_256 : i32 to index
      %swap3A_258 = arith.constant 32 : index
      %swap3A_259 = tpu.vector_load %arg6[%swap3A_257, %swap3A_258] {strides = array<i32>} : memref<5x128xi32, #tpu.memory_space<vmem>>, vector<1x16xi32>,
      %swap3A_260 = vector.shape_cast %swap3A_259 : vector<1x16xi32> to vector<16xi32>
      %swap3A_261 = vector.shape_cast %min3A_255 : vector<16xi32> to vector<1x16xi32>
      tpu.vector_store %arg6[%swap3A_257, %swap3A_258], %swap3A_261 {strides = array<i32>} : memref<5x128xi32, #tpu.memory_space<vmem>>, vector<1x16xi32>,
      %get3A_262 = arith.constant 176 : index
      %get3A_263 = tpu.vector_load %arg5[%get3A_262] {strides = array<i32>} : memref<528xi32, #tpu.memory_space<vmem>>, vector<16xi32>,
      %get3A_264 = vector.shape_cast %get3A_263 : vector<16xi32> to vector<16xi32>
      %sub3A_265 = arith.subi %get3A_264, %broadcast_in_dim3A_207 : vector<16xi32>
      %add3A_266 = arith.constant 32 : i32
      %add3A_267 = vector.broadcast %add3A_266 : i32 to vector<16xi32>
      %add3A_268 = arith.addi %sub3A_265, %add3A_267 : vector<16xi32>
      %max3A_269 = arith.constant 0 : i32
      %max3A_270 = vector.broadcast %max3A_269 : i32 to vector<16xi32>
      %max3A_271 = arith.maxsi %add3A_268, %max3A_270 : vector<16xi32>
      %min3A_272 = arith.constant 64 : i32
      %min3A_273 = vector.broadcast %min3A_272 : i32 to vector<16xi32>
      %min3A_274 = arith.minsi %max3A_271, %min3A_273 : vector<16xi32>
      %swap3A_275 = arith.constant 2 : i32
      %swap3A_276 = arith.index_cast %swap3A_275 : i32 to index
      %swap3A_277 = arith.constant 48 : index
      %swap3A_278 = tpu.vector_load %arg6[%swap3A_276, %swap3A_277] {strides = array<i32>} : memref<5x128xi32, #tpu.memory_space<vmem>>, vector<1x16xi32>,
      %swap3A_279 = vector.shape_cast %swap3A_278 : vector<1x16xi32> to vector<16xi32>
      %swap3A_280 = vector.shape_cast %min3A_274 : vector<16xi32> to vector<1x16xi32>
      tpu.vector_store %arg6[%swap3A_276, %swap3A_277], %swap3A_280 {strides = array<i32>} : memref<5x128xi32, #tpu.memory_space<vmem>>, vector<1x16xi32>,
      %get3A_281 = arith.constant 192 : index
      %get3A_282 = tpu.vector_load %arg5[%get3A_281] {strides = array<i32>} : memref<528xi32, #tpu.memory_space<vmem>>, vector<16xi32>,
      %get3A_283 = vector.shape_cast %get3A_282 : vector<16xi32> to vector<16xi32>
      %sub3A_284 = arith.subi %get3A_283, %broadcast_in_dim3A_207 : vector<16xi32>
      %add3A_285 = arith.constant 32 : i32
      %add3A_286 = vector.broadcast %add3A_285 : i32 to vector<16xi32>
      %add3A_287 = arith.addi %sub3A_284, %add3A_286 : vector<16xi32>
      %max3A_288 = arith.constant 0 : i32
      %max3A_289 = vector.broadcast %max3A_288 : i32 to vector<16xi32>
      %max3A_290 = arith.maxsi %add3A_287, %max3A_289 : vector<16xi32>
      %min3A_291 = arith.constant 64 : i32
      %min3A_292 = vector.broadcast %min3A_291 : i32 to vector<16xi32>
      %min3A_293 = arith.minsi %max3A_290, %min3A_292 : vector<16xi32>
      %swap3A_294 = arith.constant 2 : i32
      %swap3A_295 = arith.index_cast %swap3A_294 : i32 to index
      %swap3A_296 = arith.constant 64 : index
      %swap3A_297 = tpu.vector_load %arg6[%swap3A_295, %swap3A_296] {strides = array<i32>} : memref<5x128xi32, #tpu.memory_space<vmem>>, vector<1x16xi32>,
      %swap3A_298 = vector.shape_cast %swap3A_297 : vector<1x16xi32> to vector<16xi32>
      %swap3A_299 = vector.shape_cast %min3A_293 : vector<16xi32> to vector<1x16xi32>
      tpu.vector_store %arg6[%swap3A_295, %swap3A_296], %swap3A_299 {strides = array<i32>} : memref<5x128xi32, #tpu.memory_space<vmem>>, vector<1x16xi32>,
      %get3A_300 = arith.constant 208 : index
      %get3A_301 = tpu.vector_load %arg5[%get3A_300] {strides = array<i32>} : memref<528xi32, #tpu.memory_space<vmem>>, vector<16xi32>,
      %get3A_302 = vector.shape_cast %get3A_301 : vector<16xi32> to vector<16xi32>
      %sub3A_303 = arith.subi %get3A_302, %broadcast_in_dim3A_207 : vector<16xi32>
      %add3A_304 = arith.constant 32 : i32
      %add3A_305 = vector.broadcast %add3A_304 : i32 to vector<16xi32>
      %add3A_306 = arith.addi %sub3A_303, %add3A_305 : vector<16xi32>
      %max3A_307 = arith.constant 0 : i32
      %max3A_308 = vector.broadcast %max3A_307 : i32 to vector<16xi32>
      %max3A_309 = arith.maxsi %add3A_306, %max3A_308 : vector<16xi32>
      %min3A_310 = arith.constant 64 : i32
      %min3A_311 = vector.broadcast %min3A_310 : i32 to vector<16xi32>
      %min3A_312 = arith.minsi %max3A_309, %min3A_311 : vector<16xi32>
      %swap3A_313 = arith.constant 2 : i32
      %swap3A_314 = arith.index_cast %swap3A_313 : i32 to index
      %swap3A_315 = arith.constant 80 : index
      %swap3A_316 = tpu.vector_load %arg6[%swap3A_314, %swap3A_315] {strides = array<i32>} : memref<5x128xi32, #tpu.memory_space<vmem>>, vector<1x16xi32>,
      %swap3A_317 = vector.shape_cast %swap3A_316 : vector<1x16xi32> to vector<16xi32>
      %swap3A_318 = vector.shape_cast %min3A_312 : vector<16xi32> to vector<1x16xi32>
      tpu.vector_store %arg6[%swap3A_314, %swap3A_315], %swap3A_318 {strides = array<i32>} : memref<5x128xi32, #tpu.memory_space<vmem>>, vector<1x16xi32>,
      %get3A_319 = arith.constant 224 : index
      %get3A_320 = tpu.vector_load %arg5[%get3A_319] {strides = array<i32>} : memref<528xi32, #tpu.memory_space<vmem>>, vector<16xi32>,
      %get3A_321 = vector.shape_cast %get3A_320 : vector<16xi32> to vector<16xi32>
      %sub3A_322 = arith.subi %get3A_321, %broadcast_in_dim3A_207 : vector<16xi32>
      %add3A_323 = arith.constant 32 : i32
      %add3A_324 = vector.broadcast %add3A_323 : i32 to vector<16xi32>
      %add3A_325 = arith.addi %sub3A_322, %add3A_324 : vector<16xi32>
      %max3A_326 = arith.constant 0 : i32
      %max3A_327 = vector.broadcast %max3A_326 : i32 to vector<16xi32>
      %max3A_328 = arith.maxsi %add3A_325, %max3A_327 : vector<16xi32>
      %min3A_329 = arith.constant 64 : i32
      %min3A_330 = vector.broadcast %min3A_329 : i32 to vector<16xi32>
      %min3A_331 = arith.minsi %max3A_328, %min3A_330 : vector<16xi32>
      %swap3A_332 = arith.constant 2 : i32
      %swap3A_333 = arith.index_cast %swap3A_332 : i32 to index
      %swap3A_334 = arith.constant 96 : index
      %swap3A_335 = tpu.vector_load %arg6[%swap3A_333, %swap3A_334] {strides = array<i32>} : memref<5x128xi32, #tpu.memory_space<vmem>>, vector<1x16xi32>,
      %swap3A_336 = vector.shape_cast %swap3A_335 : vector<1x16xi32> to vector<16xi32>
      %swap3A_337 = vector.shape_cast %min3A_331 : vector<16xi32> to vector<1x16xi32>
      tpu.vector_store %arg6[%swap3A_333, %swap3A_334], %swap3A_337 {strides = array<i32>} : memref<5x128xi32, #tpu.memory_space<vmem>>, vector<1x16xi32>,
      %get3A_338 = arith.constant 240 : index
      %get3A_339 = tpu.vector_load %arg5[%get3A_338] {strides = array<i32>} : memref<528xi32, #tpu.memory_space<vmem>>, vector<16xi32>,
      %get3A_340 = vector.shape_cast %get3A_339 : vector<16xi32> to vector<16xi32>
      %sub3A_341 = arith.subi %get3A_340, %broadcast_in_dim3A_207 : vector<16xi32>
      %add3A_342 = arith.constant 32 : i32
      %add3A_343 = vector.broadcast %add3A_342 : i32 to vector<16xi32>
      %add3A_344 = arith.addi %sub3A_341, %add3A_343 : vector<16xi32>
      %max3A_345 = arith.constant 0 : i32
      %max3A_346 = vector.broadcast %max3A_345 : i32 to vector<16xi32>
      %max3A_347 = arith.maxsi %add3A_344, %max3A_346 : vector<16xi32>
      %min3A_348 = arith.constant 64 : i32
      %min3A_349 = vector.broadcast %min3A_348 : i32 to vector<16xi32>
      %min3A_350 = arith.minsi %max3A_347, %min3A_349 : vector<16xi32>
      %swap3A_351 = arith.constant 2 : i32
      %swap3A_352 = arith.index_cast %swap3A_351 : i32 to index
      %swap3A_353 = arith.constant 112 : index
      %swap3A_354 = tpu.vector_load %arg6[%swap3A_352, %swap3A_353] {strides = array<i32>} : memref<5x128xi32, #tpu.memory_space<vmem>>, vector<1x16xi32>,
      %swap3A_355 = vector.shape_cast %swap3A_354 : vector<1x16xi32> to vector<16xi32>
      %swap3A_356 = vector.shape_cast %min3A_350 : vector<16xi32> to vector<1x16xi32>
      tpu.vector_store %arg6[%swap3A_352, %swap3A_353], %swap3A_356 {strides = array<i32>} : memref<5x128xi32, #tpu.memory_space<vmem>>, vector<1x16xi32>,
      %dma_start3A_357 = arith.constant 2 : i32
      %dma_start3A_358 = arith.constant 1 : i32
      %dma_start3A_359 = arith.constant 0 : i32
      %dma_start3A_360 = arith.constant 0 : i32
      %dma_start3A_361 = tpu.memref_slice %arg7[%dma_start3A_358, %dma_start3A_359, %dma_start3A_360] : memref<4x128x128xf32, #tpu.memory_space<vmem>> -> memref<1x128x128xf32, #tpu.memory_space<vmem>>
      %dma_start3A_362 = tpu.memref_squeeze %dma_start3A_361 : memref<1x128x128xf32, #tpu.memory_space<vmem>> -> memref<128x128xf32, #tpu.memory_space<vmem>>
      %dma_start3A_363 = arith.constant 0 : i32
      %dma_start3A_364 = tpu.memref_slice %arg6[%dma_start3A_357, %dma_start3A_363] : memref<5x128xi32, #tpu.memory_space<vmem>> -> memref<1x128xi32, #tpu.memory_space<vmem>>
      %dma_start3A_365 = tpu.memref_squeeze %dma_start3A_364 : memref<1x128xi32, #tpu.memory_space<vmem>> -> memref<128xi32, #tpu.memory_space<vmem>>
      %dma_start3A_366 = arith.constant 0 : i32
      %dma_start3A_367 = arith.constant 0 : i32
      %dma_start3A_368 = tpu.memref_slice %arg8[%dma_start3A_366, %dma_start3A_367] : memref<65x128xf32, #tpu.memory_space<vmem_shared>> -> memref<65x128xf32, #tpu.memory_space<vmem_shared>>
      tpu.enqueue_indirect_dma source(%dma_start3A_368 : memref<65x128xf32, #tpu.memory_space<vmem_shared>>) target(%dma_start3A_362 : memref<128x128xf32, #tpu.memory_space<vmem>>) offsets(%dma_start3A_365 : memref<128xi32, #tpu.memory_space<vmem>>) semaphore(%arg13 : memref<!tpu.dma_semaphore, #tpu.memory_space<semaphore_mem>>)
    } else {
    }
    %get3A_169 = arith.constant 2 : i32
    %get3A_170 = arith.index_cast %get3A_169 : i32 to index
    %get3A_171 = memref.load %arg10[%get3A_170] : memref<68xi32, #tpu.memory_space<smem>>
    %eq3A_172 = arith.constant 0 : i32
    %eq3A_173 = arith.cmpi eq, %get3A_171, %eq3A_172 : i32
    %convert_element_type3A_174 = arith.extui %eq3A_173 : i1 to i32
    %cond3A_175 = arith.constant 0 : i32
    %cond3A_176 = arith.cmpi ne, %convert_element_type3A_174, %cond3A_175 : i32
    scf.if %cond3A_176 {
      %add3A_202 = arith.constant 0 : i32
      %add3A_203 = arith.addi %mul3A_2, %add3A_202 : i32
      %get3A_204 = arith.index_cast %add3A_203 : i32 to index
      %get3A_205 = tpu.vector_load %arg5[%get3A_204] {strides = array<i32>} : memref<528xi32, #tpu.memory_space<vmem>>, vector<16xi32>,
      %get3A_206 = vector.shape_cast %get3A_205 : vector<16xi32> to vector<16xi32>
      %slice3A = vector.extract_strided_slice %get3A_206 {offsets = [0], sizes = [1], strides = [1]} : vector<16xi32> to vector<1xi32>
      %squeeze3A = vector.extract %slice3A[0] : i32 from vector<1xi32>
      %broadcast_in_dim3A_207 = vector.broadcast %squeeze3A : i32 to vector<16xi32>
      %get3A_208 = arith.constant 256 : index
      %get3A_209 = tpu.vector_load %arg5[%get3A_208] {strides = array<i32>} : memref<528xi32, #tpu.memory_space<vmem>>, vector<16xi32>,
      %get3A_210 = vector.shape_cast %get3A_209 : vector<16xi32> to vector<16xi32>
      %sub3A = arith.subi %get3A_210, %broadcast_in_dim3A_207 : vector<16xi32>
      %add3A_211 = arith.constant 32 : i32
      %add3A_212 = vector.broadcast %add3A_211 : i32 to vector<16xi32>
      %add3A_213 = arith.addi %sub3A, %add3A_212 : vector<16xi32>
      %max3A = arith.constant 0 : i32
      %max3A_214 = vector.broadcast %max3A : i32 to vector<16xi32>
      %max3A_215 = arith.maxsi %add3A_213, %max3A_214 : vector<16xi32>
      %min3A = arith.constant 64 : i32
      %min3A_216 = vector.broadcast %min3A : i32 to vector<16xi32>
      %min3A_217 = arith.minsi %max3A_215, %min3A_216 : vector<16xi32>
      %swap3A_218 = arith.constant 3 : i32
      %swap3A_219 = arith.index_cast %swap3A_218 : i32 to index
      %swap3A_220 = arith.constant 0 : index
      %swap3A_221 = tpu.vector_load %arg6[%swap3A_219, %swap3A_220] {strides = array<i32>} : memref<5x128xi32, #tpu.memory_space<vmem>>, vector<1x16xi32>,
      %swap3A_222 = vector.shape_cast %swap3A_221 : vector<1x16xi32> to vector<16xi32>
      %swap3A_223 = vector.shape_cast %min3A_217 : vector<16xi32> to vector<1x16xi32>
      tpu.vector_store %arg6[%swap3A_219, %swap3A_220], %swap3A_223 {strides = array<i32>} : memref<5x128xi32, #tpu.memory_space<vmem>>, vector<1x16xi32>,
      %get3A_224 = arith.constant 272 : index
      %get3A_225 = tpu.vector_load %arg5[%get3A_224] {strides = array<i32>} : memref<528xi32, #tpu.memory_space<vmem>>, vector<16xi32>,
      %get3A_226 = vector.shape_cast %get3A_225 : vector<16xi32> to vector<16xi32>
      %sub3A_227 = arith.subi %get3A_226, %broadcast_in_dim3A_207 : vector<16xi32>
      %add3A_228 = arith.constant 32 : i32
      %add3A_229 = vector.broadcast %add3A_228 : i32 to vector<16xi32>
      %add3A_230 = arith.addi %sub3A_227, %add3A_229 : vector<16xi32>
      %max3A_231 = arith.constant 0 : i32
      %max3A_232 = vector.broadcast %max3A_231 : i32 to vector<16xi32>
      %max3A_233 = arith.maxsi %add3A_230, %max3A_232 : vector<16xi32>
      %min3A_234 = arith.constant 64 : i32
      %min3A_235 = vector.broadcast %min3A_234 : i32 to vector<16xi32>
      %min3A_236 = arith.minsi %max3A_233, %min3A_235 : vector<16xi32>
      %swap3A_237 = arith.constant 3 : i32
      %swap3A_238 = arith.index_cast %swap3A_237 : i32 to index
      %swap3A_239 = arith.constant 16 : index
      %swap3A_240 = tpu.vector_load %arg6[%swap3A_238, %swap3A_239] {strides = array<i32>} : memref<5x128xi32, #tpu.memory_space<vmem>>, vector<1x16xi32>,
      %swap3A_241 = vector.shape_cast %swap3A_240 : vector<1x16xi32> to vector<16xi32>
      %swap3A_242 = vector.shape_cast %min3A_236 : vector<16xi32> to vector<1x16xi32>
      tpu.vector_store %arg6[%swap3A_238, %swap3A_239], %swap3A_242 {strides = array<i32>} : memref<5x128xi32, #tpu.memory_space<vmem>>, vector<1x16xi32>,
      %get3A_243 = arith.constant 288 : index
      %get3A_244 = tpu.vector_load %arg5[%get3A_243] {strides = array<i32>} : memref<528xi32, #tpu.memory_space<vmem>>, vector<16xi32>,
      %get3A_245 = vector.shape_cast %get3A_244 : vector<16xi32> to vector<16xi32>
      %sub3A_246 = arith.subi %get3A_245, %broadcast_in_dim3A_207 : vector<16xi32>
      %add3A_247 = arith.constant 32 : i32
      %add3A_248 = vector.broadcast %add3A_247 : i32 to vector<16xi32>
      %add3A_249 = arith.addi %sub3A_246, %add3A_248 : vector<16xi32>
      %max3A_250 = arith.constant 0 : i32
      %max3A_251 = vector.broadcast %max3A_250 : i32 to vector<16xi32>
      %max3A_252 = arith.maxsi %add3A_249, %max3A_251 : vector<16xi32>
      %min3A_253 = arith.constant 64 : i32
      %min3A_254 = vector.broadcast %min3A_253 : i32 to vector<16xi32>
      %min3A_255 = arith.minsi %max3A_252, %min3A_254 : vector<16xi32>
      %swap3A_256 = arith.constant 3 : i32
      %swap3A_257 = arith.index_cast %swap3A_256 : i32 to index
      %swap3A_258 = arith.constant 32 : index
      %swap3A_259 = tpu.vector_load %arg6[%swap3A_257, %swap3A_258] {strides = array<i32>} : memref<5x128xi32, #tpu.memory_space<vmem>>, vector<1x16xi32>,
      %swap3A_260 = vector.shape_cast %swap3A_259 : vector<1x16xi32> to vector<16xi32>
      %swap3A_261 = vector.shape_cast %min3A_255 : vector<16xi32> to vector<1x16xi32>
      tpu.vector_store %arg6[%swap3A_257, %swap3A_258], %swap3A_261 {strides = array<i32>} : memref<5x128xi32, #tpu.memory_space<vmem>>, vector<1x16xi32>,
      %get3A_262 = arith.constant 304 : index
      %get3A_263 = tpu.vector_load %arg5[%get3A_262] {strides = array<i32>} : memref<528xi32, #tpu.memory_space<vmem>>, vector<16xi32>,
      %get3A_264 = vector.shape_cast %get3A_263 : vector<16xi32> to vector<16xi32>
      %sub3A_265 = arith.subi %get3A_264, %broadcast_in_dim3A_207 : vector<16xi32>
      %add3A_266 = arith.constant 32 : i32
      %add3A_267 = vector.broadcast %add3A_266 : i32 to vector<16xi32>
      %add3A_268 = arith.addi %sub3A_265, %add3A_267 : vector<16xi32>
      %max3A_269 = arith.constant 0 : i32
      %max3A_270 = vector.broadcast %max3A_269 : i32 to vector<16xi32>
      %max3A_271 = arith.maxsi %add3A_268, %max3A_270 : vector<16xi32>
      %min3A_272 = arith.constant 64 : i32
      %min3A_273 = vector.broadcast %min3A_272 : i32 to vector<16xi32>
      %min3A_274 = arith.minsi %max3A_271, %min3A_273 : vector<16xi32>
      %swap3A_275 = arith.constant 3 : i32
      %swap3A_276 = arith.index_cast %swap3A_275 : i32 to index
      %swap3A_277 = arith.constant 48 : index
      %swap3A_278 = tpu.vector_load %arg6[%swap3A_276, %swap3A_277] {strides = array<i32>} : memref<5x128xi32, #tpu.memory_space<vmem>>, vector<1x16xi32>,
      %swap3A_279 = vector.shape_cast %swap3A_278 : vector<1x16xi32> to vector<16xi32>
      %swap3A_280 = vector.shape_cast %min3A_274 : vector<16xi32> to vector<1x16xi32>
      tpu.vector_store %arg6[%swap3A_276, %swap3A_277], %swap3A_280 {strides = array<i32>} : memref<5x128xi32, #tpu.memory_space<vmem>>, vector<1x16xi32>,
      %get3A_281 = arith.constant 320 : index
      %get3A_282 = tpu.vector_load %arg5[%get3A_281] {strides = array<i32>} : memref<528xi32, #tpu.memory_space<vmem>>, vector<16xi32>,
      %get3A_283 = vector.shape_cast %get3A_282 : vector<16xi32> to vector<16xi32>
      %sub3A_284 = arith.subi %get3A_283, %broadcast_in_dim3A_207 : vector<16xi32>
      %add3A_285 = arith.constant 32 : i32
      %add3A_286 = vector.broadcast %add3A_285 : i32 to vector<16xi32>
      %add3A_287 = arith.addi %sub3A_284, %add3A_286 : vector<16xi32>
      %max3A_288 = arith.constant 0 : i32
      %max3A_289 = vector.broadcast %max3A_288 : i32 to vector<16xi32>
      %max3A_290 = arith.maxsi %add3A_287, %max3A_289 : vector<16xi32>
      %min3A_291 = arith.constant 64 : i32
      %min3A_292 = vector.broadcast %min3A_291 : i32 to vector<16xi32>
      %min3A_293 = arith.minsi %max3A_290, %min3A_292 : vector<16xi32>
      %swap3A_294 = arith.constant 3 : i32
      %swap3A_295 = arith.index_cast %swap3A_294 : i32 to index
      %swap3A_296 = arith.constant 64 : index
      %swap3A_297 = tpu.vector_load %arg6[%swap3A_295, %swap3A_296] {strides = array<i32>} : memref<5x128xi32, #tpu.memory_space<vmem>>, vector<1x16xi32>,
      %swap3A_298 = vector.shape_cast %swap3A_297 : vector<1x16xi32> to vector<16xi32>
      %swap3A_299 = vector.shape_cast %min3A_293 : vector<16xi32> to vector<1x16xi32>
      tpu.vector_store %arg6[%swap3A_295, %swap3A_296], %swap3A_299 {strides = array<i32>} : memref<5x128xi32, #tpu.memory_space<vmem>>, vector<1x16xi32>,
      %get3A_300 = arith.constant 336 : index
      %get3A_301 = tpu.vector_load %arg5[%get3A_300] {strides = array<i32>} : memref<528xi32, #tpu.memory_space<vmem>>, vector<16xi32>,
      %get3A_302 = vector.shape_cast %get3A_301 : vector<16xi32> to vector<16xi32>
      %sub3A_303 = arith.subi %get3A_302, %broadcast_in_dim3A_207 : vector<16xi32>
      %add3A_304 = arith.constant 32 : i32
      %add3A_305 = vector.broadcast %add3A_304 : i32 to vector<16xi32>
      %add3A_306 = arith.addi %sub3A_303, %add3A_305 : vector<16xi32>
      %max3A_307 = arith.constant 0 : i32
      %max3A_308 = vector.broadcast %max3A_307 : i32 to vector<16xi32>
      %max3A_309 = arith.maxsi %add3A_306, %max3A_308 : vector<16xi32>
      %min3A_310 = arith.constant 64 : i32
      %min3A_311 = vector.broadcast %min3A_310 : i32 to vector<16xi32>
      %min3A_312 = arith.minsi %max3A_309, %min3A_311 : vector<16xi32>
      %swap3A_313 = arith.constant 3 : i32
      %swap3A_314 = arith.index_cast %swap3A_313 : i32 to index
      %swap3A_315 = arith.constant 80 : index
      %swap3A_316 = tpu.vector_load %arg6[%swap3A_314, %swap3A_315] {strides = array<i32>} : memref<5x128xi32, #tpu.memory_space<vmem>>, vector<1x16xi32>,
      %swap3A_317 = vector.shape_cast %swap3A_316 : vector<1x16xi32> to vector<16xi32>
      %swap3A_318 = vector.shape_cast %min3A_312 : vector<16xi32> to vector<1x16xi32>
      tpu.vector_store %arg6[%swap3A_314, %swap3A_315], %swap3A_318 {strides = array<i32>} : memref<5x128xi32, #tpu.memory_space<vmem>>, vector<1x16xi32>,
      %get3A_319 = arith.constant 352 : index
      %get3A_320 = tpu.vector_load %arg5[%get3A_319] {strides = array<i32>} : memref<528xi32, #tpu.memory_space<vmem>>, vector<16xi32>,
      %get3A_321 = vector.shape_cast %get3A_320 : vector<16xi32> to vector<16xi32>
      %sub3A_322 = arith.subi %get3A_321, %broadcast_in_dim3A_207 : vector<16xi32>
      %add3A_323 = arith.constant 32 : i32
      %add3A_324 = vector.broadcast %add3A_323 : i32 to vector<16xi32>
      %add3A_325 = arith.addi %sub3A_322, %add3A_324 : vector<16xi32>
      %max3A_326 = arith.constant 0 : i32
      %max3A_327 = vector.broadcast %max3A_326 : i32 to vector<16xi32>
      %max3A_328 = arith.maxsi %add3A_325, %max3A_327 : vector<16xi32>
      %min3A_329 = arith.constant 64 : i32
      %min3A_330 = vector.broadcast %min3A_329 : i32 to vector<16xi32>
      %min3A_331 = arith.minsi %max3A_328, %min3A_330 : vector<16xi32>
      %swap3A_332 = arith.constant 3 : i32
      %swap3A_333 = arith.index_cast %swap3A_332 : i32 to index
      %swap3A_334 = arith.constant 96 : index
      %swap3A_335 = tpu.vector_load %arg6[%swap3A_333, %swap3A_334] {strides = array<i32>} : memref<5x128xi32, #tpu.memory_space<vmem>>, vector<1x16xi32>,
      %swap3A_336 = vector.shape_cast %swap3A_335 : vector<1x16xi32> to vector<16xi32>
      %swap3A_337 = vector.shape_cast %min3A_331 : vector<16xi32> to vector<1x16xi32>
      tpu.vector_store %arg6[%swap3A_333, %swap3A_334], %swap3A_337 {strides = array<i32>} : memref<5x128xi32, #tpu.memory_space<vmem>>, vector<1x16xi32>,
      %get3A_338 = arith.constant 368 : index
      %get3A_339 = tpu.vector_load %arg5[%get3A_338] {strides = array<i32>} : memref<528xi32, #tpu.memory_space<vmem>>, vector<16xi32>,
      %get3A_340 = vector.shape_cast %get3A_339 : vector<16xi32> to vector<16xi32>
      %sub3A_341 = arith.subi %get3A_340, %broadcast_in_dim3A_207 : vector<16xi32>
      %add3A_342 = arith.constant 32 : i32
      %add3A_343 = vector.broadcast %add3A_342 : i32 to vector<16xi32>
      %add3A_344 = arith.addi %sub3A_341, %add3A_343 : vector<16xi32>
      %max3A_345 = arith.constant 0 : i32
      %max3A_346 = vector.broadcast %max3A_345 : i32 to vector<16xi32>
      %max3A_347 = arith.maxsi %add3A_344, %max3A_346 : vector<16xi32>
      %min3A_348 = arith.constant 64 : i32
      %min3A_349 = vector.broadcast %min3A_348 : i32 to vector<16xi32>
      %min3A_350 = arith.minsi %max3A_347, %min3A_349 : vector<16xi32>
      %swap3A_351 = arith.constant 3 : i32
      %swap3A_352 = arith.index_cast %swap3A_351 : i32 to index
      %swap3A_353 = arith.constant 112 : index
      %swap3A_354 = tpu.vector_load %arg6[%swap3A_352, %swap3A_353] {strides = array<i32>} : memref<5x128xi32, #tpu.memory_space<vmem>>, vector<1x16xi32>,
      %swap3A_355 = vector.shape_cast %swap3A_354 : vector<1x16xi32> to vector<16xi32>
      %swap3A_356 = vector.shape_cast %min3A_350 : vector<16xi32> to vector<1x16xi32>
      tpu.vector_store %arg6[%swap3A_352, %swap3A_353], %swap3A_356 {strides = array<i32>} : memref<5x128xi32, #tpu.memory_space<vmem>>, vector<1x16xi32>,
      %dma_start3A_357 = arith.constant 3 : i32
      %dma_start3A_358 = arith.constant 2 : i32
      %dma_start3A_359 = arith.constant 0 : i32
      %dma_start3A_360 = arith.constant 0 : i32
      %dma_start3A_361 = tpu.memref_slice %arg7[%dma_start3A_358, %dma_start3A_359, %dma_start3A_360] : memref<4x128x128xf32, #tpu.memory_space<vmem>> -> memref<1x128x128xf32, #tpu.memory_space<vmem>>
      %dma_start3A_362 = tpu.memref_squeeze %dma_start3A_361 : memref<1x128x128xf32, #tpu.memory_space<vmem>> -> memref<128x128xf32, #tpu.memory_space<vmem>>
      %dma_start3A_363 = arith.constant 0 : i32
      %dma_start3A_364 = tpu.memref_slice %arg6[%dma_start3A_357, %dma_start3A_363] : memref<5x128xi32, #tpu.memory_space<vmem>> -> memref<1x128xi32, #tpu.memory_space<vmem>>
      %dma_start3A_365 = tpu.memref_squeeze %dma_start3A_364 : memref<1x128xi32, #tpu.memory_space<vmem>> -> memref<128xi32, #tpu.memory_space<vmem>>
      %dma_start3A_366 = arith.constant 0 : i32
      %dma_start3A_367 = arith.constant 0 : i32
      %dma_start3A_368 = tpu.memref_slice %arg8[%dma_start3A_366, %dma_start3A_367] : memref<65x128xf32, #tpu.memory_space<vmem_shared>> -> memref<65x128xf32, #tpu.memory_space<vmem_shared>>
      tpu.enqueue_indirect_dma source(%dma_start3A_368 : memref<65x128xf32, #tpu.memory_space<vmem_shared>>) target(%dma_start3A_362 : memref<128x128xf32, #tpu.memory_space<vmem>>) offsets(%dma_start3A_365 : memref<128xi32, #tpu.memory_space<vmem>>) semaphore(%arg14 : memref<!tpu.dma_semaphore, #tpu.memory_space<semaphore_mem>>)
    } else {
    }
    %scan3A_177 = arith.constant 0 : i32
    %scan3A_178 = arith.constant 0 : i32
    %scan3A_179 = arith.constant 16 : i32
    %scan3A_180 = arith.addi %scan3A_178, %scan3A_179 : i32
    %scan3A_181 = arith.constant 1 : i32
    scf.for %scan3A_202 = %scan3A_178 to %scan3A_180 step %scan3A_181  : i32 {
      %mul3A_203 = arith.constant 4 : i32
      %mul3A_204 = arith.muli %mul3A_203, %scan3A_202 : i32
      %add3A_205 = arith.constant 0 : i32
      %add3A_206 = arith.addi %mul3A_204, %add3A_205 : i32
      %get3A_207 = arith.index_cast %add3A_206 : i32 to index
      %get3A_208 = memref.load %arg10[%get3A_207] : memref<68xi32, #tpu.memory_space<smem>>
      %eq3A_209 = arith.constant 0 : i32
      %eq3A_210 = arith.cmpi eq, %get3A_208, %eq3A_209 : i32
      %convert_element_type3A_211 = arith.extui %eq3A_210 : i1 to i32
      %cond3A_212 = arith.constant 0 : i32
      %cond3A_213 = arith.cmpi ne, %convert_element_type3A_211, %cond3A_212 : i32
      scf.if %cond3A_213 {
        %dma_wait3A_569 = arith.constant 1 : i32
        %dma_wait3A_570 = arith.constant 0 : i32
        %dma_wait3A_571 = arith.constant 0 : i32
        %dma_wait3A_572 = arith.constant 0 : i32
        %dma_wait3A_573 = tpu.memref_slice %arg7[%dma_wait3A_570, %dma_wait3A_571, %dma_wait3A_572] : memref<4x128x128xf32, #tpu.memory_space<vmem>> -> memref<1x128x128xf32, #tpu.memory_space<vmem>>
        %dma_wait3A_574 = tpu.memref_squeeze %dma_wait3A_573 : memref<1x128x128xf32, #tpu.memory_space<vmem>> -> memref<128x128xf32, #tpu.memory_space<vmem>>
        %dma_wait3A_575 = arith.constant 0 : i32
        %dma_wait3A_576 = tpu.memref_slice %arg6[%dma_wait3A_569, %dma_wait3A_575] : memref<5x128xi32, #tpu.memory_space<vmem>> -> memref<1x128xi32, #tpu.memory_space<vmem>>
        %dma_wait3A_577 = tpu.memref_squeeze %dma_wait3A_576 : memref<1x128xi32, #tpu.memory_space<vmem>> -> memref<128xi32, #tpu.memory_space<vmem>>
        %dma_wait3A_578 = arith.constant 0 : i32
        %dma_wait3A_579 = arith.constant 0 : i32
        %dma_wait3A_580 = tpu.memref_slice %arg8[%dma_wait3A_578, %dma_wait3A_579] : memref<65x128xf32, #tpu.memory_space<vmem_shared>> -> memref<65x128xf32, #tpu.memory_space<vmem_shared>>
        tpu.wait_indirect_dma semaphore(%arg12 : memref<!tpu.dma_semaphore, #tpu.memory_space<semaphore_mem>>) src(%dma_wait3A_580 : memref<65x128xf32, #tpu.memory_space<vmem_shared>>) dst(%dma_wait3A_574 : memref<128x128xf32, #tpu.memory_space<vmem>>)
      } else {
      }
      %jit3A = arith.constant 4 : i32
      %div3A = arith.divsi %add3A_206, %jit3A : i32
      %sign3A = arith.constant 0 : i32
      %sign3A_214 = arith.cmpi sgt, %add3A_206, %sign3A : i32
      %sign3A_215 = arith.extui %sign3A_214 : i1 to i32
      %sign3A_216 = arith.constant 0 : i32
      %sign3A_217 = arith.cmpi slt, %add3A_206, %sign3A_216 : i32
      %sign3A_218 = arith.extui %sign3A_217 : i1 to i32
      %sign3A_219 = arith.subi %sign3A_215, %sign3A_218 : i32
      %sign3A_220 = arith.constant 0 : i32
      %sign3A_221 = arith.cmpi sgt, %jit3A, %sign3A_220 : i32
      %sign3A_222 = arith.extui %sign3A_221 : i1 to i32
      %sign3A_223 = arith.constant 0 : i32
      %sign3A_224 = arith.cmpi slt, %jit3A, %sign3A_223 : i32
      %sign3A_225 = arith.extui %sign3A_224 : i1 to i32
      %sign3A_226 = arith.subi %sign3A_222, %sign3A_225 : i32
      %ne3A = arith.cmpi ne, %sign3A_219, %sign3A_226 : i32
      %rem3A = arith.remsi %add3A_206, %jit3A : i32
      %ne3A_227 = arith.constant 0 : i32
      %ne3A_228 = arith.cmpi ne, %rem3A, %ne3A_227 : i32
      %and3A = arith.andi %ne3A, %ne3A_228 : i1
      %sub3A = arith.constant 1 : i32
      %sub3A_229 = arith.subi %div3A, %sub3A : i32
      %select_n3A = arith.select %and3A, %sub3A_229, %div3A : i32
      %add3A_230 = arith.addi %mul3A_2, %select_n3A : i32
      %mul3A_231 = arith.constant 512 : i32
      %mul3A_232 = arith.muli %add3A_230, %mul3A_231 : i32
      %jit3A_233 = arith.constant 4 : i32
      %eq3A_234 = arith.constant 0 : i32
      %eq3A_235 = arith.cmpi eq, %jit3A_233, %eq3A_234 : i32
      %jit3A_236 = arith.constant 1 : i32
      %select_n3A_237 = arith.select %eq3A_235, %jit3A_236, %jit3A_233 : i32
      %rem3A_238 = arith.remsi %add3A_206, %select_n3A_237 : i32
      %ne3A_239 = arith.constant 0 : i32
      %ne3A_240 = arith.cmpi ne, %rem3A_238, %ne3A_239 : i32
      %lt3A = arith.constant 0 : i32
      %lt3A_241 = arith.cmpi slt, %rem3A_238, %lt3A : i32
      %lt3A_242 = arith.constant 0 : i32
      %lt3A_243 = arith.cmpi slt, %select_n3A_237, %lt3A_242 : i32
      %ne3A_244 = arith.xori %lt3A_241, %lt3A_243 : i1
      %and3A_245 = arith.andi %ne3A_244, %ne3A_240 : i1
      %add3A_246 = arith.addi %rem3A_238, %select_n3A_237 : i32
      %select_n3A_247 = arith.select %and3A_245, %add3A_246, %rem3A_238 : i32
      %mul3A_248 = arith.constant 128 : i32
      %mul3A_249 = arith.muli %select_n3A_247, %mul3A_248 : i32
      %add3A_250 = arith.addi %mul3A_232, %mul3A_249 : i32
      %get3A_251 = arith.index_cast %add3A_206 : i32 to index
      %get3A_252 = memref.load %arg10[%get3A_251] : memref<68xi32, #tpu.memory_space<smem>>
      %eq3A_253 = arith.constant 1 : i32
      %eq3A_254 = arith.cmpi eq, %get3A_252, %eq3A_253 : i32
      %convert_element_type3A_255 = arith.extui %eq3A_254 : i1 to i32
      %cond3A_256 = arith.constant 0 : i32
      %cond3A_257 = arith.cmpi ne, %convert_element_type3A_255, %cond3A_256 : i32
      scf.if %cond3A_257 {
        %get3A_569 = arith.index_cast %add3A_206 : i32 to index
        %get3A_570 = memref.load %arg11[%get3A_569] : memref<64xi32, #tpu.memory_space<smem>>
        %dma_start3A_571 = arith.constant 0 : i32
        %dma_start3A_572 = arith.constant 0 : i32
        %dma_start3A_573 = tpu.memref_slice %arg9[%get3A_570, %dma_start3A_571, %dma_start3A_572] : memref<2x128x128xf32, #tpu.memory_space<vmem>> -> memref<1x128x128xf32, #tpu.memory_space<vmem>>
        %dma_start3A_574 = tpu.memref_squeeze %dma_start3A_573 : memref<1x128x128xf32, #tpu.memory_space<vmem>> -> memref<128x128xf32, #tpu.memory_space<vmem>>
        %dma_start3A_575 = arith.constant 0 : i32
        %dma_start3A_576 = tpu.memref_slice %arg4[%add3A_250, %dma_start3A_575] : memref<262144x128xf32, #tpu.memory_space<hbm>> -> memref<128x128xf32, #tpu.memory_space<hbm>>
        %dma_start3A_577 = arith.constant 0 : i32
        %dma_start3A_578 = tpu.memref_slice %arg4[%add3A_250, %dma_start3A_577] : memref<262144x128xf32, #tpu.memory_space<hbm>> -> memref<128x128xf32, #tpu.memory_space<hbm>>
        %dma_start3A_579 = arith.constant 0 : i32
        %dma_start3A_580 = arith.constant 0 : i32
        %dma_start3A_581 = tpu.memref_slice %arg9[%get3A_570, %dma_start3A_579, %dma_start3A_580] : memref<2x128x128xf32, #tpu.memory_space<vmem>> -> memref<1x128x128xf32, #tpu.memory_space<vmem>>
        %dma_start3A_582 = tpu.memref_squeeze %dma_start3A_581 : memref<1x128x128xf32, #tpu.memory_space<vmem>> -> memref<128x128xf32, #tpu.memory_space<vmem>>
        tpu.enqueue_dma source(%dma_start3A_582 : memref<128x128xf32, #tpu.memory_space<vmem>>) target(%dma_start3A_578 : memref<128x128xf32, #tpu.memory_space<hbm>>) target_semaphore(%arg16 : memref<!tpu.dma_semaphore, #tpu.memory_space<semaphore_mem>>)
      } else {
      }
      %get3A_258 = arith.index_cast %add3A_206 : i32 to index
      %get3A_259 = memref.load %arg10[%get3A_258] : memref<68xi32, #tpu.memory_space<smem>>
      %eq3A_260 = arith.constant 0 : i32
      %eq3A_261 = arith.cmpi eq, %get3A_259, %eq3A_260 : i32
      %convert_element_type3A_262 = arith.extui %eq3A_261 : i1 to i32
      %cond3A_263 = arith.constant 0 : i32
      %cond3A_264 = arith.cmpi ne, %convert_element_type3A_262, %cond3A_263 : i32
      scf.if %cond3A_264 {
        %dma_start3A_569 = arith.constant 0 : i32
        %dma_start3A_570 = arith.constant 0 : i32
        %dma_start3A_571 = arith.constant 0 : i32
        %dma_start3A_572 = tpu.memref_slice %arg7[%dma_start3A_569, %dma_start3A_570, %dma_start3A_571] : memref<4x128x128xf32, #tpu.memory_space<vmem>> -> memref<1x128x128xf32, #tpu.memory_space<vmem>>
        %dma_start3A_573 = tpu.memref_squeeze %dma_start3A_572 : memref<1x128x128xf32, #tpu.memory_space<vmem>> -> memref<128x128xf32, #tpu.memory_space<vmem>>
        %dma_start3A_574 = arith.constant 0 : i32
        %dma_start3A_575 = tpu.memref_slice %arg4[%add3A_250, %dma_start3A_574] : memref<262144x128xf32, #tpu.memory_space<hbm>> -> memref<128x128xf32, #tpu.memory_space<hbm>>
        %dma_start3A_576 = arith.constant 0 : i32
        %dma_start3A_577 = tpu.memref_slice %arg4[%add3A_250, %dma_start3A_576] : memref<262144x128xf32, #tpu.memory_space<hbm>> -> memref<128x128xf32, #tpu.memory_space<hbm>>
        %dma_start3A_578 = arith.constant 0 : i32
        %dma_start3A_579 = arith.constant 0 : i32
        %dma_start3A_580 = tpu.memref_slice %arg7[%dma_start3A_569, %dma_start3A_578, %dma_start3A_579] : memref<4x128x128xf32, #tpu.memory_space<vmem>> -> memref<1x128x128xf32, #tpu.memory_space<vmem>>
        %dma_start3A_581 = tpu.memref_squeeze %dma_start3A_580 : memref<1x128x128xf32, #tpu.memory_space<vmem>> -> memref<128x128xf32, #tpu.memory_space<vmem>>
        tpu.enqueue_dma source(%dma_start3A_581 : memref<128x128xf32, #tpu.memory_space<vmem>>) target(%dma_start3A_577 : memref<128x128xf32, #tpu.memory_space<hbm>>) target_semaphore(%arg16 : memref<!tpu.dma_semaphore, #tpu.memory_space<semaphore_mem>>)
      } else {
      }
      %gt3A = arith.constant 0 : i32
      %gt3A_265 = arith.cmpi sgt, %add3A_206, %gt3A : i32
      %convert_element_type3A_266 = arith.extui %gt3A_265 : i1 to i32
      %cond3A_267 = arith.constant 0 : i32
      %cond3A_268 = arith.cmpi ne, %convert_element_type3A_266, %cond3A_267 : i32
      scf.if %cond3A_268 {
        %sub3A_569 = arith.constant 1 : i32
        %sub3A_570 = arith.subi %add3A_206, %sub3A_569 : i32
        %jit3A_571 = arith.constant 4 : i32
        %div3A_572 = arith.divsi %sub3A_570, %jit3A_571 : i32
        %sign3A_573 = arith.constant 0 : i32
        %sign3A_574 = arith.cmpi sgt, %sub3A_570, %sign3A_573 : i32
        %sign3A_575 = arith.extui %sign3A_574 : i1 to i32
        %sign3A_576 = arith.constant 0 : i32
        %sign3A_577 = arith.cmpi slt, %sub3A_570, %sign3A_576 : i32
        %sign3A_578 = arith.extui %sign3A_577 : i1 to i32
        %sign3A_579 = arith.subi %sign3A_575, %sign3A_578 : i32
        %sign3A_580 = arith.constant 0 : i32
        %sign3A_581 = arith.cmpi sgt, %jit3A_571, %sign3A_580 : i32
        %sign3A_582 = arith.extui %sign3A_581 : i1 to i32
        %sign3A_583 = arith.constant 0 : i32
        %sign3A_584 = arith.cmpi slt, %jit3A_571, %sign3A_583 : i32
        %sign3A_585 = arith.extui %sign3A_584 : i1 to i32
        %sign3A_586 = arith.subi %sign3A_582, %sign3A_585 : i32
        %ne3A_587 = arith.cmpi ne, %sign3A_579, %sign3A_586 : i32
        %rem3A_588 = arith.remsi %sub3A_570, %jit3A_571 : i32
        %ne3A_589 = arith.constant 0 : i32
        %ne3A_590 = arith.cmpi ne, %rem3A_588, %ne3A_589 : i32
        %and3A_591 = arith.andi %ne3A_587, %ne3A_590 : i1
        %sub3A_592 = arith.constant 1 : i32
        %sub3A_593 = arith.subi %div3A_572, %sub3A_592 : i32
        %select_n3A_594 = arith.select %and3A_591, %sub3A_593, %div3A_572 : i32
        %add3A_595 = arith.addi %mul3A_2, %select_n3A_594 : i32
        %mul3A_596 = arith.constant 512 : i32
        %mul3A_597 = arith.muli %add3A_595, %mul3A_596 : i32
        %jit3A_598 = arith.constant 4 : i32
        %eq3A_599 = arith.constant 0 : i32
        %eq3A_600 = arith.cmpi eq, %jit3A_598, %eq3A_599 : i32
        %jit3A_601 = arith.constant 1 : i32
        %select_n3A_602 = arith.select %eq3A_600, %jit3A_601, %jit3A_598 : i32
        %rem3A_603 = arith.remsi %sub3A_570, %select_n3A_602 : i32
        %ne3A_604 = arith.constant 0 : i32
        %ne3A_605 = arith.cmpi ne, %rem3A_603, %ne3A_604 : i32
        %lt3A_606 = arith.constant 0 : i32
        %lt3A_607 = arith.cmpi slt, %rem3A_603, %lt3A_606 : i32
        %lt3A_608 = arith.constant 0 : i32
        %lt3A_609 = arith.cmpi slt, %select_n3A_602, %lt3A_608 : i32
        %ne3A_610 = arith.xori %lt3A_607, %lt3A_609 : i1
        %and3A_611 = arith.andi %ne3A_610, %ne3A_605 : i1
        %add3A_612 = arith.addi %rem3A_603, %select_n3A_602 : i32
        %select_n3A_613 = arith.select %and3A_611, %add3A_612, %rem3A_603 : i32
        %mul3A_614 = arith.constant 128 : i32
        %mul3A_615 = arith.muli %select_n3A_613, %mul3A_614 : i32
        %add3A_616 = arith.addi %mul3A_597, %mul3A_615 : i32
        %dma_wait3A_617 = arith.constant 3 : i32
        %dma_wait3A_618 = arith.constant 0 : i32
        %dma_wait3A_619 = arith.constant 0 : i32
        %dma_wait3A_620 = tpu.memref_slice %arg7[%dma_wait3A_617, %dma_wait3A_618, %dma_wait3A_619] : memref<4x128x128xf32, #tpu.memory_space<vmem>> -> memref<1x128x128xf32, #tpu.memory_space<vmem>>
        %dma_wait3A_621 = tpu.memref_squeeze %dma_wait3A_620 : memref<1x128x128xf32, #tpu.memory_space<vmem>> -> memref<128x128xf32, #tpu.memory_space<vmem>>
        %dma_wait3A_622 = arith.constant 0 : i32
        %dma_wait3A_623 = tpu.memref_slice %arg4[%add3A_616, %dma_wait3A_622] : memref<262144x128xf32, #tpu.memory_space<hbm>> -> memref<128x128xf32, #tpu.memory_space<hbm>>
        %dma_wait3A_624 = arith.constant 0 : i32
        %dma_wait3A_625 = tpu.memref_slice %arg4[%add3A_616, %dma_wait3A_624] : memref<262144x128xf32, #tpu.memory_space<hbm>> -> memref<128x128xf32, #tpu.memory_space<hbm>>
        %dma_wait3A_626 = arith.constant 0 : i32
        %dma_wait3A_627 = arith.constant 0 : i32
        %dma_wait3A_628 = tpu.memref_slice %arg7[%dma_wait3A_617, %dma_wait3A_626, %dma_wait3A_627] : memref<4x128x128xf32, #tpu.memory_space<vmem>> -> memref<1x128x128xf32, #tpu.memory_space<vmem>>
        %dma_wait3A_629 = tpu.memref_squeeze %dma_wait3A_628 : memref<1x128x128xf32, #tpu.memory_space<vmem>> -> memref<128x128xf32, #tpu.memory_space<vmem>>
        tpu.wait_dma2 semaphore(%arg19 : memref<!tpu.dma_semaphore, #tpu.memory_space<semaphore_mem>>) src(%dma_wait3A_629 : memref<128x128xf32, #tpu.memory_space<vmem>>) dst(%dma_wait3A_625 : memref<128x128xf32, #tpu.memory_space<hbm>>)
      } else {
      }
      %add3A_269 = arith.constant 4 : i32
      %add3A_270 = arith.addi %add3A_206, %add3A_269 : i32
      %sub3A_271 = arith.constant 1 : i32
      %sub3A_272 = arith.subi %add3A_270, %sub3A_271 : i32
      %lt3A_273 = arith.constant 64 : i32
      %lt3A_274 = arith.cmpi slt, %sub3A_272, %lt3A_273 : i32
      %add3A_275 = arith.constant 4 : i32
      %add3A_276 = arith.addi %add3A_206, %add3A_275 : i32
      %sub3A_277 = arith.constant 1 : i32
      %sub3A_278 = arith.subi %add3A_276, %sub3A_277 : i32
      %get3A_279 = arith.index_cast %sub3A_278 : i32 to index
      %get3A_280 = memref.load %arg10[%get3A_279] : memref<68xi32, #tpu.memory_space<smem>>
      %eq3A_281 = arith.constant 0 : i32
      %eq3A_282 = arith.cmpi eq, %get3A_280, %eq3A_281 : i32
      %and3A_283 = arith.andi %lt3A_274, %eq3A_282 : i1
      %convert_element_type3A_284 = arith.extui %and3A_283 : i1 to i32
      %cond3A_285 = arith.constant 0 : i32
      %cond3A_286 = arith.cmpi ne, %convert_element_type3A_284, %cond3A_285 : i32
      scf.if %cond3A_286 {
        %add3A_569 = arith.constant 4 : i32
        %add3A_570 = arith.addi %add3A_206, %add3A_569 : i32
        %sub3A_571 = arith.constant 1 : i32
        %sub3A_572 = arith.subi %add3A_570, %sub3A_571 : i32
        %jit3A_573 = arith.constant 4 : i32
        %div3A_574 = arith.divsi %sub3A_572, %jit3A_573 : i32
        %sign3A_575 = arith.constant 0 : i32
        %sign3A_576 = arith.cmpi sgt, %sub3A_572, %sign3A_575 : i32
        %sign3A_577 = arith.extui %sign3A_576 : i1 to i32
        %sign3A_578 = arith.constant 0 : i32
        %sign3A_579 = arith.cmpi slt, %sub3A_572, %sign3A_578 : i32
        %sign3A_580 = arith.extui %sign3A_579 : i1 to i32
        %sign3A_581 = arith.subi %sign3A_577, %sign3A_580 : i32
        %sign3A_582 = arith.constant 0 : i32
        %sign3A_583 = arith.cmpi sgt, %jit3A_573, %sign3A_582 : i32
        %sign3A_584 = arith.extui %sign3A_583 : i1 to i32
        %sign3A_585 = arith.constant 0 : i32
        %sign3A_586 = arith.cmpi slt, %jit3A_573, %sign3A_585 : i32
        %sign3A_587 = arith.extui %sign3A_586 : i1 to i32
        %sign3A_588 = arith.subi %sign3A_584, %sign3A_587 : i32
        %ne3A_589 = arith.cmpi ne, %sign3A_581, %sign3A_588 : i32
        %rem3A_590 = arith.remsi %sub3A_572, %jit3A_573 : i32
        %ne3A_591 = arith.constant 0 : i32
        %ne3A_592 = arith.cmpi ne, %rem3A_590, %ne3A_591 : i32
        %and3A_593 = arith.andi %ne3A_589, %ne3A_592 : i1
        %sub3A_594 = arith.constant 1 : i32
        %sub3A_595 = arith.subi %div3A_574, %sub3A_594 : i32
        %select_n3A_596 = arith.select %and3A_593, %sub3A_595, %div3A_574 : i32
        %add3A_597 = arith.addi %mul3A_2, %select_n3A_596 : i32
        %jit3A_598 = arith.constant 4 : i32
        %eq3A_599 = arith.constant 0 : i32
        %eq3A_600 = arith.cmpi eq, %jit3A_598, %eq3A_599 : i32
        %jit3A_601 = arith.constant 1 : i32
        %select_n3A_602 = arith.select %eq3A_600, %jit3A_601, %jit3A_598 : i32
        %rem3A_603 = arith.remsi %sub3A_572, %select_n3A_602 : i32
        %ne3A_604 = arith.constant 0 : i32
        %ne3A_605 = arith.cmpi ne, %rem3A_603, %ne3A_604 : i32
        %lt3A_606 = arith.constant 0 : i32
        %lt3A_607 = arith.cmpi slt, %rem3A_603, %lt3A_606 : i32
        %lt3A_608 = arith.constant 0 : i32
        %lt3A_609 = arith.cmpi slt, %select_n3A_602, %lt3A_608 : i32
        %ne3A_610 = arith.xori %lt3A_607, %lt3A_609 : i1
        %and3A_611 = arith.andi %ne3A_610, %ne3A_605 : i1
        %add3A_612 = arith.addi %rem3A_603, %select_n3A_602 : i32
        %select_n3A_613 = arith.select %and3A_611, %add3A_612, %rem3A_603 : i32
        %mul3A_614 = arith.constant 128 : i32
        %mul3A_615 = arith.muli %select_n3A_613, %mul3A_614 : i32
        %get3A_616 = arith.index_cast %add3A_597 : i32 to index
        %get3A_617 = tpu.vector_load %arg5[%get3A_616] {strides = array<i32>} : memref<528xi32, #tpu.memory_space<vmem>>, vector<16xi32>,
        %get3A_618 = vector.shape_cast %get3A_617 : vector<16xi32> to vector<16xi32>
        %slice3A = vector.extract_strided_slice %get3A_618 {offsets = [0], sizes = [1], strides = [1]} : vector<16xi32> to vector<1xi32>
        %squeeze3A = vector.extract %slice3A[0] : i32 from vector<1xi32>
        %broadcast_in_dim3A_619 = vector.broadcast %squeeze3A : i32 to vector<16xi32>
        %add3A_620 = arith.constant 0 : i32
        %add3A_621 = arith.addi %mul3A_615, %add3A_620 : i32
        %get3A_622 = arith.index_cast %add3A_621 : i32 to index
        %get3A_623 = tpu.vector_load %arg5[%get3A_622] {strides = array<i32>} : memref<528xi32, #tpu.memory_space<vmem>>, vector<16xi32>,
        %get3A_624 = vector.shape_cast %get3A_623 : vector<16xi32> to vector<16xi32>
        %sub3A_625 = arith.subi %get3A_624, %broadcast_in_dim3A_619 : vector<16xi32>
        %add3A_626 = arith.constant 32 : i32
        %add3A_627 = vector.broadcast %add3A_626 : i32 to vector<16xi32>
        %add3A_628 = arith.addi %sub3A_625, %add3A_627 : vector<16xi32>
        %max3A = arith.constant 0 : i32
        %max3A_629 = vector.broadcast %max3A : i32 to vector<16xi32>
        %max3A_630 = arith.maxsi %add3A_628, %max3A_629 : vector<16xi32>
        %min3A = arith.constant 64 : i32
        %min3A_631 = vector.broadcast %min3A : i32 to vector<16xi32>
        %min3A_632 = arith.minsi %max3A_630, %min3A_631 : vector<16xi32>
        %swap3A_633 = arith.constant 4 : i32
        %swap3A_634 = arith.index_cast %swap3A_633 : i32 to index
        %swap3A_635 = arith.constant 0 : index
        %swap3A_636 = tpu.vector_load %arg6[%swap3A_634, %swap3A_635] {strides = array<i32>} : memref<5x128xi32, #tpu.memory_space<vmem>>, vector<1x16xi32>,
        %swap3A_637 = vector.shape_cast %swap3A_636 : vector<1x16xi32> to vector<16xi32>
        %swap3A_638 = vector.shape_cast %min3A_632 : vector<16xi32> to vector<1x16xi32>
        tpu.vector_store %arg6[%swap3A_634, %swap3A_635], %swap3A_638 {strides = array<i32>} : memref<5x128xi32, #tpu.memory_space<vmem>>, vector<1x16xi32>,
        %add3A_639 = arith.constant 16 : i32
        %add3A_640 = arith.addi %mul3A_615, %add3A_639 : i32
        %get3A_641 = arith.index_cast %add3A_640 : i32 to index
        %get3A_642 = tpu.vector_load %arg5[%get3A_641] {strides = array<i32>} : memref<528xi32, #tpu.memory_space<vmem>>, vector<16xi32>,
        %get3A_643 = vector.shape_cast %get3A_642 : vector<16xi32> to vector<16xi32>
        %sub3A_644 = arith.subi %get3A_643, %broadcast_in_dim3A_619 : vector<16xi32>
        %add3A_645 = arith.constant 32 : i32
        %add3A_646 = vector.broadcast %add3A_645 : i32 to vector<16xi32>
        %add3A_647 = arith.addi %sub3A_644, %add3A_646 : vector<16xi32>
        %max3A_648 = arith.constant 0 : i32
        %max3A_649 = vector.broadcast %max3A_648 : i32 to vector<16xi32>
        %max3A_650 = arith.maxsi %add3A_647, %max3A_649 : vector<16xi32>
        %min3A_651 = arith.constant 64 : i32
        %min3A_652 = vector.broadcast %min3A_651 : i32 to vector<16xi32>
        %min3A_653 = arith.minsi %max3A_650, %min3A_652 : vector<16xi32>
        %swap3A_654 = arith.constant 4 : i32
        %swap3A_655 = arith.index_cast %swap3A_654 : i32 to index
        %swap3A_656 = arith.constant 16 : index
        %swap3A_657 = tpu.vector_load %arg6[%swap3A_655, %swap3A_656] {strides = array<i32>} : memref<5x128xi32, #tpu.memory_space<vmem>>, vector<1x16xi32>,
        %swap3A_658 = vector.shape_cast %swap3A_657 : vector<1x16xi32> to vector<16xi32>
        %swap3A_659 = vector.shape_cast %min3A_653 : vector<16xi32> to vector<1x16xi32>
        tpu.vector_store %arg6[%swap3A_655, %swap3A_656], %swap3A_659 {strides = array<i32>} : memref<5x128xi32, #tpu.memory_space<vmem>>, vector<1x16xi32>,
        %add3A_660 = arith.constant 32 : i32
        %add3A_661 = arith.addi %mul3A_615, %add3A_660 : i32
        %get3A_662 = arith.index_cast %add3A_661 : i32 to index
        %get3A_663 = tpu.vector_load %arg5[%get3A_662] {strides = array<i32>} : memref<528xi32, #tpu.memory_space<vmem>>, vector<16xi32>,
        %get3A_664 = vector.shape_cast %get3A_663 : vector<16xi32> to vector<16xi32>
        %sub3A_665 = arith.subi %get3A_664, %broadcast_in_dim3A_619 : vector<16xi32>
        %add3A_666 = arith.constant 32 : i32
        %add3A_667 = vector.broadcast %add3A_666 : i32 to vector<16xi32>
        %add3A_668 = arith.addi %sub3A_665, %add3A_667 : vector<16xi32>
        %max3A_669 = arith.constant 0 : i32
        %max3A_670 = vector.broadcast %max3A_669 : i32 to vector<16xi32>
        %max3A_671 = arith.maxsi %add3A_668, %max3A_670 : vector<16xi32>
        %min3A_672 = arith.constant 64 : i32
        %min3A_673 = vector.broadcast %min3A_672 : i32 to vector<16xi32>
        %min3A_674 = arith.minsi %max3A_671, %min3A_673 : vector<16xi32>
        %swap3A_675 = arith.constant 4 : i32
        %swap3A_676 = arith.index_cast %swap3A_675 : i32 to index
        %swap3A_677 = arith.constant 32 : index
        %swap3A_678 = tpu.vector_load %arg6[%swap3A_676, %swap3A_677] {strides = array<i32>} : memref<5x128xi32, #tpu.memory_space<vmem>>, vector<1x16xi32>,
        %swap3A_679 = vector.shape_cast %swap3A_678 : vector<1x16xi32> to vector<16xi32>
        %swap3A_680 = vector.shape_cast %min3A_674 : vector<16xi32> to vector<1x16xi32>
        tpu.vector_store %arg6[%swap3A_676, %swap3A_677], %swap3A_680 {strides = array<i32>} : memref<5x128xi32, #tpu.memory_space<vmem>>, vector<1x16xi32>,
        %add3A_681 = arith.constant 48 : i32
        %add3A_682 = arith.addi %mul3A_615, %add3A_681 : i32
        %get3A_683 = arith.index_cast %add3A_682 : i32 to index
        %get3A_684 = tpu.vector_load %arg5[%get3A_683] {strides = array<i32>} : memref<528xi32, #tpu.memory_space<vmem>>, vector<16xi32>,
        %get3A_685 = vector.shape_cast %get3A_684 : vector<16xi32> to vector<16xi32>
        %sub3A_686 = arith.subi %get3A_685, %broadcast_in_dim3A_619 : vector<16xi32>
        %add3A_687 = arith.constant 32 : i32
        %add3A_688 = vector.broadcast %add3A_687 : i32 to vector<16xi32>
        %add3A_689 = arith.addi %sub3A_686, %add3A_688 : vector<16xi32>
        %max3A_690 = arith.constant 0 : i32
        %max3A_691 = vector.broadcast %max3A_690 : i32 to vector<16xi32>
        %max3A_692 = arith.maxsi %add3A_689, %max3A_691 : vector<16xi32>
        %min3A_693 = arith.constant 64 : i32
        %min3A_694 = vector.broadcast %min3A_693 : i32 to vector<16xi32>
        %min3A_695 = arith.minsi %max3A_692, %min3A_694 : vector<16xi32>
        %swap3A_696 = arith.constant 4 : i32
        %swap3A_697 = arith.index_cast %swap3A_696 : i32 to index
        %swap3A_698 = arith.constant 48 : index
        %swap3A_699 = tpu.vector_load %arg6[%swap3A_697, %swap3A_698] {strides = array<i32>} : memref<5x128xi32, #tpu.memory_space<vmem>>, vector<1x16xi32>,
        %swap3A_700 = vector.shape_cast %swap3A_699 : vector<1x16xi32> to vector<16xi32>
        %swap3A_701 = vector.shape_cast %min3A_695 : vector<16xi32> to vector<1x16xi32>
        tpu.vector_store %arg6[%swap3A_697, %swap3A_698], %swap3A_701 {strides = array<i32>} : memref<5x128xi32, #tpu.memory_space<vmem>>, vector<1x16xi32>,
        %add3A_702 = arith.constant 64 : i32
        %add3A_703 = arith.addi %mul3A_615, %add3A_702 : i32
        %get3A_704 = arith.index_cast %add3A_703 : i32 to index
        %get3A_705 = tpu.vector_load %arg5[%get3A_704] {strides = array<i32>} : memref<528xi32, #tpu.memory_space<vmem>>, vector<16xi32>,
        %get3A_706 = vector.shape_cast %get3A_705 : vector<16xi32> to vector<16xi32>
        %sub3A_707 = arith.subi %get3A_706, %broadcast_in_dim3A_619 : vector<16xi32>
        %add3A_708 = arith.constant 32 : i32
        %add3A_709 = vector.broadcast %add3A_708 : i32 to vector<16xi32>
        %add3A_710 = arith.addi %sub3A_707, %add3A_709 : vector<16xi32>
        %max3A_711 = arith.constant 0 : i32
        %max3A_712 = vector.broadcast %max3A_711 : i32 to vector<16xi32>
        %max3A_713 = arith.maxsi %add3A_710, %max3A_712 : vector<16xi32>
        %min3A_714 = arith.constant 64 : i32
        %min3A_715 = vector.broadcast %min3A_714 : i32 to vector<16xi32>
        %min3A_716 = arith.minsi %max3A_713, %min3A_715 : vector<16xi32>
        %swap3A_717 = arith.constant 4 : i32
        %swap3A_718 = arith.index_cast %swap3A_717 : i32 to index
        %swap3A_719 = arith.constant 64 : index
        %swap3A_720 = tpu.vector_load %arg6[%swap3A_718, %swap3A_719] {strides = array<i32>} : memref<5x128xi32, #tpu.memory_space<vmem>>, vector<1x16xi32>,
        %swap3A_721 = vector.shape_cast %swap3A_720 : vector<1x16xi32> to vector<16xi32>
        %swap3A_722 = vector.shape_cast %min3A_716 : vector<16xi32> to vector<1x16xi32>
        tpu.vector_store %arg6[%swap3A_718, %swap3A_719], %swap3A_722 {strides = array<i32>} : memref<5x128xi32, #tpu.memory_space<vmem>>, vector<1x16xi32>,
        %add3A_723 = arith.constant 80 : i32
        %add3A_724 = arith.addi %mul3A_615, %add3A_723 : i32
        %get3A_725 = arith.index_cast %add3A_724 : i32 to index
        %get3A_726 = tpu.vector_load %arg5[%get3A_725] {strides = array<i32>} : memref<528xi32, #tpu.memory_space<vmem>>, vector<16xi32>,
        %get3A_727 = vector.shape_cast %get3A_726 : vector<16xi32> to vector<16xi32>
        %sub3A_728 = arith.subi %get3A_727, %broadcast_in_dim3A_619 : vector<16xi32>
        %add3A_729 = arith.constant 32 : i32
        %add3A_730 = vector.broadcast %add3A_729 : i32 to vector<16xi32>
        %add3A_731 = arith.addi %sub3A_728, %add3A_730 : vector<16xi32>
        %max3A_732 = arith.constant 0 : i32
        %max3A_733 = vector.broadcast %max3A_732 : i32 to vector<16xi32>
        %max3A_734 = arith.maxsi %add3A_731, %max3A_733 : vector<16xi32>
        %min3A_735 = arith.constant 64 : i32
        %min3A_736 = vector.broadcast %min3A_735 : i32 to vector<16xi32>
        %min3A_737 = arith.minsi %max3A_734, %min3A_736 : vector<16xi32>
        %swap3A_738 = arith.constant 4 : i32
        %swap3A_739 = arith.index_cast %swap3A_738 : i32 to index
        %swap3A_740 = arith.constant 80 : index
        %swap3A_741 = tpu.vector_load %arg6[%swap3A_739, %swap3A_740] {strides = array<i32>} : memref<5x128xi32, #tpu.memory_space<vmem>>, vector<1x16xi32>,
        %swap3A_742 = vector.shape_cast %swap3A_741 : vector<1x16xi32> to vector<16xi32>
        %swap3A_743 = vector.shape_cast %min3A_737 : vector<16xi32> to vector<1x16xi32>
        tpu.vector_store %arg6[%swap3A_739, %swap3A_740], %swap3A_743 {strides = array<i32>} : memref<5x128xi32, #tpu.memory_space<vmem>>, vector<1x16xi32>,
        %add3A_744 = arith.constant 96 : i32
        %add3A_745 = arith.addi %mul3A_615, %add3A_744 : i32
        %get3A_746 = arith.index_cast %add3A_745 : i32 to index
        %get3A_747 = tpu.vector_load %arg5[%get3A_746] {strides = array<i32>} : memref<528xi32, #tpu.memory_space<vmem>>, vector<16xi32>,
        %get3A_748 = vector.shape_cast %get3A_747 : vector<16xi32> to vector<16xi32>
        %sub3A_749 = arith.subi %get3A_748, %broadcast_in_dim3A_619 : vector<16xi32>
        %add3A_750 = arith.constant 32 : i32
        %add3A_751 = vector.broadcast %add3A_750 : i32 to vector<16xi32>
        %add3A_752 = arith.addi %sub3A_749, %add3A_751 : vector<16xi32>
        %max3A_753 = arith.constant 0 : i32
        %max3A_754 = vector.broadcast %max3A_753 : i32 to vector<16xi32>
        %max3A_755 = arith.maxsi %add3A_752, %max3A_754 : vector<16xi32>
        %min3A_756 = arith.constant 64 : i32
        %min3A_757 = vector.broadcast %min3A_756 : i32 to vector<16xi32>
        %min3A_758 = arith.minsi %max3A_755, %min3A_757 : vector<16xi32>
        %swap3A_759 = arith.constant 4 : i32
        %swap3A_760 = arith.index_cast %swap3A_759 : i32 to index
        %swap3A_761 = arith.constant 96 : index
        %swap3A_762 = tpu.vector_load %arg6[%swap3A_760, %swap3A_761] {strides = array<i32>} : memref<5x128xi32, #tpu.memory_space<vmem>>, vector<1x16xi32>,
        %swap3A_763 = vector.shape_cast %swap3A_762 : vector<1x16xi32> to vector<16xi32>
        %swap3A_764 = vector.shape_cast %min3A_758 : vector<16xi32> to vector<1x16xi32>
        tpu.vector_store %arg6[%swap3A_760, %swap3A_761], %swap3A_764 {strides = array<i32>} : memref<5x128xi32, #tpu.memory_space<vmem>>, vector<1x16xi32>,
        %add3A_765 = arith.constant 112 : i32
        %add3A_766 = arith.addi %mul3A_615, %add3A_765 : i32
        %get3A_767 = arith.index_cast %add3A_766 : i32 to index
        %get3A_768 = tpu.vector_load %arg5[%get3A_767] {strides = array<i32>} : memref<528xi32, #tpu.memory_space<vmem>>, vector<16xi32>,
        %get3A_769 = vector.shape_cast %get3A_768 : vector<16xi32> to vector<16xi32>
        %sub3A_770 = arith.subi %get3A_769, %broadcast_in_dim3A_619 : vector<16xi32>
        %add3A_771 = arith.constant 32 : i32
        %add3A_772 = vector.broadcast %add3A_771 : i32 to vector<16xi32>
        %add3A_773 = arith.addi %sub3A_770, %add3A_772 : vector<16xi32>
        %max3A_774 = arith.constant 0 : i32
        %max3A_775 = vector.broadcast %max3A_774 : i32 to vector<16xi32>
        %max3A_776 = arith.maxsi %add3A_773, %max3A_775 : vector<16xi32>
        %min3A_777 = arith.constant 64 : i32
        %min3A_778 = vector.broadcast %min3A_777 : i32 to vector<16xi32>
        %min3A_779 = arith.minsi %max3A_776, %min3A_778 : vector<16xi32>
        %swap3A_780 = arith.constant 4 : i32
        %swap3A_781 = arith.index_cast %swap3A_780 : i32 to index
        %swap3A_782 = arith.constant 112 : index
        %swap3A_783 = tpu.vector_load %arg6[%swap3A_781, %swap3A_782] {strides = array<i32>} : memref<5x128xi32, #tpu.memory_space<vmem>>, vector<1x16xi32>,
        %swap3A_784 = vector.shape_cast %swap3A_783 : vector<1x16xi32> to vector<16xi32>
        %swap3A_785 = vector.shape_cast %min3A_779 : vector<16xi32> to vector<1x16xi32>
        tpu.vector_store %arg6[%swap3A_781, %swap3A_782], %swap3A_785 {strides = array<i32>} : memref<5x128xi32, #tpu.memory_space<vmem>>, vector<1x16xi32>,
        %dma_start3A_786 = arith.constant 4 : i32
        %dma_start3A_787 = arith.constant 3 : i32
        %dma_start3A_788 = arith.constant 0 : i32
        %dma_start3A_789 = arith.constant 0 : i32
        %dma_start3A_790 = tpu.memref_slice %arg7[%dma_start3A_787, %dma_start3A_788, %dma_start3A_789] : memref<4x128x128xf32, #tpu.memory_space<vmem>> -> memref<1x128x128xf32, #tpu.memory_space<vmem>>
        %dma_start3A_791 = tpu.memref_squeeze %dma_start3A_790 : memref<1x128x128xf32, #tpu.memory_space<vmem>> -> memref<128x128xf32, #tpu.memory_space<vmem>>
        %dma_start3A_792 = arith.constant 0 : i32
        %dma_start3A_793 = tpu.memref_slice %arg6[%dma_start3A_786, %dma_start3A_792] : memref<5x128xi32, #tpu.memory_space<vmem>> -> memref<1x128xi32, #tpu.memory_space<vmem>>
        %dma_start3A_794 = tpu.memref_squeeze %dma_start3A_793 : memref<1x128xi32, #tpu.memory_space<vmem>> -> memref<128xi32, #tpu.memory_space<vmem>>
        %dma_start3A_795 = arith.constant 0 : i32
        %dma_start3A_796 = arith.constant 0 : i32
        %dma_start3A_797 = tpu.memref_slice %arg8[%dma_start3A_795, %dma_start3A_796] : memref<65x128xf32, #tpu.memory_space<vmem_shared>> -> memref<65x128xf32, #tpu.memory_space<vmem_shared>>
        tpu.enqueue_indirect_dma source(%dma_start3A_797 : memref<65x128xf32, #tpu.memory_space<vmem_shared>>) target(%dma_start3A_791 : memref<128x128xf32, #tpu.memory_space<vmem>>) offsets(%dma_start3A_794 : memref<128xi32, #tpu.memory_space<vmem>>) semaphore(%arg15 : memref<!tpu.dma_semaphore, #tpu.memory_space<semaphore_mem>>)
      } else {
      }
      %mul3A_287 = arith.constant 4 : i32
      %mul3A_288 = arith.muli %mul3A_287, %scan3A_202 : i32
      %add3A_289 = arith.constant 1 : i32
      %add3A_290 = arith.addi %mul3A_288, %add3A_289 : i32
      %get3A_291 = arith.index_cast %add3A_290 : i32 to index
      %get3A_292 = memref.load %arg10[%get3A_291] : memref<68xi32, #tpu.memory_space<smem>>
      %eq3A_293 = arith.constant 0 : i32
      %eq3A_294 = arith.cmpi eq, %get3A_292, %eq3A_293 : i32
      %convert_element_type3A_295 = arith.extui %eq3A_294 : i1 to i32
      %cond3A_296 = arith.constant 0 : i32
      %cond3A_297 = arith.cmpi ne, %convert_element_type3A_295, %cond3A_296 : i32
      scf.if %cond3A_297 {
        %dma_wait3A_569 = arith.constant 2 : i32
        %dma_wait3A_570 = arith.constant 1 : i32
        %dma_wait3A_571 = arith.constant 0 : i32
        %dma_wait3A_572 = arith.constant 0 : i32
        %dma_wait3A_573 = tpu.memref_slice %arg7[%dma_wait3A_570, %dma_wait3A_571, %dma_wait3A_572] : memref<4x128x128xf32, #tpu.memory_space<vmem>> -> memref<1x128x128xf32, #tpu.memory_space<vmem>>
        %dma_wait3A_574 = tpu.memref_squeeze %dma_wait3A_573 : memref<1x128x128xf32, #tpu.memory_space<vmem>> -> memref<128x128xf32, #tpu.memory_space<vmem>>
        %dma_wait3A_575 = arith.constant 0 : i32
        %dma_wait3A_576 = tpu.memref_slice %arg6[%dma_wait3A_569, %dma_wait3A_575] : memref<5x128xi32, #tpu.memory_space<vmem>> -> memref<1x128xi32, #tpu.memory_space<vmem>>
        %dma_wait3A_577 = tpu.memref_squeeze %dma_wait3A_576 : memref<1x128xi32, #tpu.memory_space<vmem>> -> memref<128xi32, #tpu.memory_space<vmem>>
        %dma_wait3A_578 = arith.constant 0 : i32
        %dma_wait3A_579 = arith.constant 0 : i32
        %dma_wait3A_580 = tpu.memref_slice %arg8[%dma_wait3A_578, %dma_wait3A_579] : memref<65x128xf32, #tpu.memory_space<vmem_shared>> -> memref<65x128xf32, #tpu.memory_space<vmem_shared>>
        tpu.wait_indirect_dma semaphore(%arg13 : memref<!tpu.dma_semaphore, #tpu.memory_space<semaphore_mem>>) src(%dma_wait3A_580 : memref<65x128xf32, #tpu.memory_space<vmem_shared>>) dst(%dma_wait3A_574 : memref<128x128xf32, #tpu.memory_space<vmem>>)
      } else {
      }
      %jit3A_298 = arith.constant 4 : i32
      %div3A_299 = arith.divsi %add3A_290, %jit3A_298 : i32
      %sign3A_300 = arith.constant 0 : i32
      %sign3A_301 = arith.cmpi sgt, %add3A_290, %sign3A_300 : i32
      %sign3A_302 = arith.extui %sign3A_301 : i1 to i32
      %sign3A_303 = arith.constant 0 : i32
      %sign3A_304 = arith.cmpi slt, %add3A_290, %sign3A_303 : i32
      %sign3A_305 = arith.extui %sign3A_304 : i1 to i32
      %sign3A_306 = arith.subi %sign3A_302, %sign3A_305 : i32
      %sign3A_307 = arith.constant 0 : i32
      %sign3A_308 = arith.cmpi sgt, %jit3A_298, %sign3A_307 : i32
      %sign3A_309 = arith.extui %sign3A_308 : i1 to i32
      %sign3A_310 = arith.constant 0 : i32
      %sign3A_311 = arith.cmpi slt, %jit3A_298, %sign3A_310 : i32
      %sign3A_312 = arith.extui %sign3A_311 : i1 to i32
      %sign3A_313 = arith.subi %sign3A_309, %sign3A_312 : i32
      %ne3A_314 = arith.cmpi ne, %sign3A_306, %sign3A_313 : i32
      %rem3A_315 = arith.remsi %add3A_290, %jit3A_298 : i32
      %ne3A_316 = arith.constant 0 : i32
      %ne3A_317 = arith.cmpi ne, %rem3A_315, %ne3A_316 : i32
      %and3A_318 = arith.andi %ne3A_314, %ne3A_317 : i1
      %sub3A_319 = arith.constant 1 : i32
      %sub3A_320 = arith.subi %div3A_299, %sub3A_319 : i32
      %select_n3A_321 = arith.select %and3A_318, %sub3A_320, %div3A_299 : i32
      %add3A_322 = arith.addi %mul3A_2, %select_n3A_321 : i32
      %mul3A_323 = arith.constant 512 : i32
      %mul3A_324 = arith.muli %add3A_322, %mul3A_323 : i32
      %jit3A_325 = arith.constant 4 : i32
      %eq3A_326 = arith.constant 0 : i32
      %eq3A_327 = arith.cmpi eq, %jit3A_325, %eq3A_326 : i32
      %jit3A_328 = arith.constant 1 : i32
      %select_n3A_329 = arith.select %eq3A_327, %jit3A_328, %jit3A_325 : i32
      %rem3A_330 = arith.remsi %add3A_290, %select_n3A_329 : i32
      %ne3A_331 = arith.constant 0 : i32
      %ne3A_332 = arith.cmpi ne, %rem3A_330, %ne3A_331 : i32
      %lt3A_333 = arith.constant 0 : i32
      %lt3A_334 = arith.cmpi slt, %rem3A_330, %lt3A_333 : i32
      %lt3A_335 = arith.constant 0 : i32
      %lt3A_336 = arith.cmpi slt, %select_n3A_329, %lt3A_335 : i32
      %ne3A_337 = arith.xori %lt3A_334, %lt3A_336 : i1
      %and3A_338 = arith.andi %ne3A_337, %ne3A_332 : i1
      %add3A_339 = arith.addi %rem3A_330, %select_n3A_329 : i32
      %select_n3A_340 = arith.select %and3A_338, %add3A_339, %rem3A_330 : i32
      %mul3A_341 = arith.constant 128 : i32
      %mul3A_342 = arith.muli %select_n3A_340, %mul3A_341 : i32
      %add3A_343 = arith.addi %mul3A_324, %mul3A_342 : i32
      %get3A_344 = arith.index_cast %add3A_290 : i32 to index
      %get3A_345 = memref.load %arg10[%get3A_344] : memref<68xi32, #tpu.memory_space<smem>>
      %eq3A_346 = arith.constant 1 : i32
      %eq3A_347 = arith.cmpi eq, %get3A_345, %eq3A_346 : i32
      %convert_element_type3A_348 = arith.extui %eq3A_347 : i1 to i32
      %cond3A_349 = arith.constant 0 : i32
      %cond3A_350 = arith.cmpi ne, %convert_element_type3A_348, %cond3A_349 : i32
      scf.if %cond3A_350 {
        %get3A_569 = arith.index_cast %add3A_290 : i32 to index
        %get3A_570 = memref.load %arg11[%get3A_569] : memref<64xi32, #tpu.memory_space<smem>>
        %dma_start3A_571 = arith.constant 0 : i32
        %dma_start3A_572 = arith.constant 0 : i32
        %dma_start3A_573 = tpu.memref_slice %arg9[%get3A_570, %dma_start3A_571, %dma_start3A_572] : memref<2x128x128xf32, #tpu.memory_space<vmem>> -> memref<1x128x128xf32, #tpu.memory_space<vmem>>
        %dma_start3A_574 = tpu.memref_squeeze %dma_start3A_573 : memref<1x128x128xf32, #tpu.memory_space<vmem>> -> memref<128x128xf32, #tpu.memory_space<vmem>>
        %dma_start3A_575 = arith.constant 0 : i32
        %dma_start3A_576 = tpu.memref_slice %arg4[%add3A_343, %dma_start3A_575] : memref<262144x128xf32, #tpu.memory_space<hbm>> -> memref<128x128xf32, #tpu.memory_space<hbm>>
        %dma_start3A_577 = arith.constant 0 : i32
        %dma_start3A_578 = tpu.memref_slice %arg4[%add3A_343, %dma_start3A_577] : memref<262144x128xf32, #tpu.memory_space<hbm>> -> memref<128x128xf32, #tpu.memory_space<hbm>>
        %dma_start3A_579 = arith.constant 0 : i32
        %dma_start3A_580 = arith.constant 0 : i32
        %dma_start3A_581 = tpu.memref_slice %arg9[%get3A_570, %dma_start3A_579, %dma_start3A_580] : memref<2x128x128xf32, #tpu.memory_space<vmem>> -> memref<1x128x128xf32, #tpu.memory_space<vmem>>
        %dma_start3A_582 = tpu.memref_squeeze %dma_start3A_581 : memref<1x128x128xf32, #tpu.memory_space<vmem>> -> memref<128x128xf32, #tpu.memory_space<vmem>>
        tpu.enqueue_dma source(%dma_start3A_582 : memref<128x128xf32, #tpu.memory_space<vmem>>) target(%dma_start3A_578 : memref<128x128xf32, #tpu.memory_space<hbm>>) target_semaphore(%arg17 : memref<!tpu.dma_semaphore, #tpu.memory_space<semaphore_mem>>)
      } else {
      }
      %get3A_351 = arith.index_cast %add3A_290 : i32 to index
      %get3A_352 = memref.load %arg10[%get3A_351] : memref<68xi32, #tpu.memory_space<smem>>
      %eq3A_353 = arith.constant 0 : i32
      %eq3A_354 = arith.cmpi eq, %get3A_352, %eq3A_353 : i32
      %convert_element_type3A_355 = arith.extui %eq3A_354 : i1 to i32
      %cond3A_356 = arith.constant 0 : i32
      %cond3A_357 = arith.cmpi ne, %convert_element_type3A_355, %cond3A_356 : i32
      scf.if %cond3A_357 {
        %dma_start3A_569 = arith.constant 1 : i32
        %dma_start3A_570 = arith.constant 0 : i32
        %dma_start3A_571 = arith.constant 0 : i32
        %dma_start3A_572 = tpu.memref_slice %arg7[%dma_start3A_569, %dma_start3A_570, %dma_start3A_571] : memref<4x128x128xf32, #tpu.memory_space<vmem>> -> memref<1x128x128xf32, #tpu.memory_space<vmem>>
        %dma_start3A_573 = tpu.memref_squeeze %dma_start3A_572 : memref<1x128x128xf32, #tpu.memory_space<vmem>> -> memref<128x128xf32, #tpu.memory_space<vmem>>
        %dma_start3A_574 = arith.constant 0 : i32
        %dma_start3A_575 = tpu.memref_slice %arg4[%add3A_343, %dma_start3A_574] : memref<262144x128xf32, #tpu.memory_space<hbm>> -> memref<128x128xf32, #tpu.memory_space<hbm>>
        %dma_start3A_576 = arith.constant 0 : i32
        %dma_start3A_577 = tpu.memref_slice %arg4[%add3A_343, %dma_start3A_576] : memref<262144x128xf32, #tpu.memory_space<hbm>> -> memref<128x128xf32, #tpu.memory_space<hbm>>
        %dma_start3A_578 = arith.constant 0 : i32
        %dma_start3A_579 = arith.constant 0 : i32
        %dma_start3A_580 = tpu.memref_slice %arg7[%dma_start3A_569, %dma_start3A_578, %dma_start3A_579] : memref<4x128x128xf32, #tpu.memory_space<vmem>> -> memref<1x128x128xf32, #tpu.memory_space<vmem>>
        %dma_start3A_581 = tpu.memref_squeeze %dma_start3A_580 : memref<1x128x128xf32, #tpu.memory_space<vmem>> -> memref<128x128xf32, #tpu.memory_space<vmem>>
        tpu.enqueue_dma source(%dma_start3A_581 : memref<128x128xf32, #tpu.memory_space<vmem>>) target(%dma_start3A_577 : memref<128x128xf32, #tpu.memory_space<hbm>>) target_semaphore(%arg17 : memref<!tpu.dma_semaphore, #tpu.memory_space<semaphore_mem>>)
      } else {
      }
      %gt3A_358 = arith.constant 0 : i32
      %gt3A_359 = arith.cmpi sgt, %add3A_290, %gt3A_358 : i32
      %convert_element_type3A_360 = arith.extui %gt3A_359 : i1 to i32
      %cond3A_361 = arith.constant 0 : i32
      %cond3A_362 = arith.cmpi ne, %convert_element_type3A_360, %cond3A_361 : i32
      scf.if %cond3A_362 {
        %sub3A_569 = arith.constant 1 : i32
        %sub3A_570 = arith.subi %add3A_290, %sub3A_569 : i32
        %jit3A_571 = arith.constant 4 : i32
        %div3A_572 = arith.divsi %sub3A_570, %jit3A_571 : i32
        %sign3A_573 = arith.constant 0 : i32
        %sign3A_574 = arith.cmpi sgt, %sub3A_570, %sign3A_573 : i32
        %sign3A_575 = arith.extui %sign3A_574 : i1 to i32
        %sign3A_576 = arith.constant 0 : i32
        %sign3A_577 = arith.cmpi slt, %sub3A_570, %sign3A_576 : i32
        %sign3A_578 = arith.extui %sign3A_577 : i1 to i32
        %sign3A_579 = arith.subi %sign3A_575, %sign3A_578 : i32
        %sign3A_580 = arith.constant 0 : i32
        %sign3A_581 = arith.cmpi sgt, %jit3A_571, %sign3A_580 : i32
        %sign3A_582 = arith.extui %sign3A_581 : i1 to i32
        %sign3A_583 = arith.constant 0 : i32
        %sign3A_584 = arith.cmpi slt, %jit3A_571, %sign3A_583 : i32
        %sign3A_585 = arith.extui %sign3A_584 : i1 to i32
        %sign3A_586 = arith.subi %sign3A_582, %sign3A_585 : i32
        %ne3A_587 = arith.cmpi ne, %sign3A_579, %sign3A_586 : i32
        %rem3A_588 = arith.remsi %sub3A_570, %jit3A_571 : i32
        %ne3A_589 = arith.constant 0 : i32
        %ne3A_590 = arith.cmpi ne, %rem3A_588, %ne3A_589 : i32
        %and3A_591 = arith.andi %ne3A_587, %ne3A_590 : i1
        %sub3A_592 = arith.constant 1 : i32
        %sub3A_593 = arith.subi %div3A_572, %sub3A_592 : i32
        %select_n3A_594 = arith.select %and3A_591, %sub3A_593, %div3A_572 : i32
        %add3A_595 = arith.addi %mul3A_2, %select_n3A_594 : i32
        %mul3A_596 = arith.constant 512 : i32
        %mul3A_597 = arith.muli %add3A_595, %mul3A_596 : i32
        %jit3A_598 = arith.constant 4 : i32
        %eq3A_599 = arith.constant 0 : i32
        %eq3A_600 = arith.cmpi eq, %jit3A_598, %eq3A_599 : i32
        %jit3A_601 = arith.constant 1 : i32
        %select_n3A_602 = arith.select %eq3A_600, %jit3A_601, %jit3A_598 : i32
        %rem3A_603 = arith.remsi %sub3A_570, %select_n3A_602 : i32
        %ne3A_604 = arith.constant 0 : i32
        %ne3A_605 = arith.cmpi ne, %rem3A_603, %ne3A_604 : i32
        %lt3A_606 = arith.constant 0 : i32
        %lt3A_607 = arith.cmpi slt, %rem3A_603, %lt3A_606 : i32
        %lt3A_608 = arith.constant 0 : i32
        %lt3A_609 = arith.cmpi slt, %select_n3A_602, %lt3A_608 : i32
        %ne3A_610 = arith.xori %lt3A_607, %lt3A_609 : i1
        %and3A_611 = arith.andi %ne3A_610, %ne3A_605 : i1
        %add3A_612 = arith.addi %rem3A_603, %select_n3A_602 : i32
        %select_n3A_613 = arith.select %and3A_611, %add3A_612, %rem3A_603 : i32
        %mul3A_614 = arith.constant 128 : i32
        %mul3A_615 = arith.muli %select_n3A_613, %mul3A_614 : i32
        %add3A_616 = arith.addi %mul3A_597, %mul3A_615 : i32
        %dma_wait3A_617 = arith.constant 0 : i32
        %dma_wait3A_618 = arith.constant 0 : i32
        %dma_wait3A_619 = arith.constant 0 : i32
        %dma_wait3A_620 = tpu.memref_slice %arg7[%dma_wait3A_617, %dma_wait3A_618, %dma_wait3A_619] : memref<4x128x128xf32, #tpu.memory_space<vmem>> -> memref<1x128x128xf32, #tpu.memory_space<vmem>>
        %dma_wait3A_621 = tpu.memref_squeeze %dma_wait3A_620 : memref<1x128x128xf32, #tpu.memory_space<vmem>> -> memref<128x128xf32, #tpu.memory_space<vmem>>
        %dma_wait3A_622 = arith.constant 0 : i32
        %dma_wait3A_623 = tpu.memref_slice %arg4[%add3A_616, %dma_wait3A_622] : memref<262144x128xf32, #tpu.memory_space<hbm>> -> memref<128x128xf32, #tpu.memory_space<hbm>>
        %dma_wait3A_624 = arith.constant 0 : i32
        %dma_wait3A_625 = tpu.memref_slice %arg4[%add3A_616, %dma_wait3A_624] : memref<262144x128xf32, #tpu.memory_space<hbm>> -> memref<128x128xf32, #tpu.memory_space<hbm>>
        %dma_wait3A_626 = arith.constant 0 : i32
        %dma_wait3A_627 = arith.constant 0 : i32
        %dma_wait3A_628 = tpu.memref_slice %arg7[%dma_wait3A_617, %dma_wait3A_626, %dma_wait3A_627] : memref<4x128x128xf32, #tpu.memory_space<vmem>> -> memref<1x128x128xf32, #tpu.memory_space<vmem>>
        %dma_wait3A_629 = tpu.memref_squeeze %dma_wait3A_628 : memref<1x128x128xf32, #tpu.memory_space<vmem>> -> memref<128x128xf32, #tpu.memory_space<vmem>>
        tpu.wait_dma2 semaphore(%arg16 : memref<!tpu.dma_semaphore, #tpu.memory_space<semaphore_mem>>) src(%dma_wait3A_629 : memref<128x128xf32, #tpu.memory_space<vmem>>) dst(%dma_wait3A_625 : memref<128x128xf32, #tpu.memory_space<hbm>>)
      } else {
      }
      %add3A_363 = arith.constant 4 : i32
      %add3A_364 = arith.addi %add3A_290, %add3A_363 : i32
      %sub3A_365 = arith.constant 1 : i32
      %sub3A_366 = arith.subi %add3A_364, %sub3A_365 : i32
      %lt3A_367 = arith.constant 64 : i32
      %lt3A_368 = arith.cmpi slt, %sub3A_366, %lt3A_367 : i32
      %add3A_369 = arith.constant 4 : i32
      %add3A_370 = arith.addi %add3A_290, %add3A_369 : i32
      %sub3A_371 = arith.constant 1 : i32
      %sub3A_372 = arith.subi %add3A_370, %sub3A_371 : i32
      %get3A_373 = arith.index_cast %sub3A_372 : i32 to index
      %get3A_374 = memref.load %arg10[%get3A_373] : memref<68xi32, #tpu.memory_space<smem>>
      %eq3A_375 = arith.constant 0 : i32
      %eq3A_376 = arith.cmpi eq, %get3A_374, %eq3A_375 : i32
      %and3A_377 = arith.andi %lt3A_368, %eq3A_376 : i1
      %convert_element_type3A_378 = arith.extui %and3A_377 : i1 to i32
      %cond3A_379 = arith.constant 0 : i32
      %cond3A_380 = arith.cmpi ne, %convert_element_type3A_378, %cond3A_379 : i32
      scf.if %cond3A_380 {
        %add3A_569 = arith.constant 4 : i32
        %add3A_570 = arith.addi %add3A_290, %add3A_569 : i32
        %sub3A_571 = arith.constant 1 : i32
        %sub3A_572 = arith.subi %add3A_570, %sub3A_571 : i32
        %jit3A_573 = arith.constant 4 : i32
        %div3A_574 = arith.divsi %sub3A_572, %jit3A_573 : i32
        %sign3A_575 = arith.constant 0 : i32
        %sign3A_576 = arith.cmpi sgt, %sub3A_572, %sign3A_575 : i32
        %sign3A_577 = arith.extui %sign3A_576 : i1 to i32
        %sign3A_578 = arith.constant 0 : i32
        %sign3A_579 = arith.cmpi slt, %sub3A_572, %sign3A_578 : i32
        %sign3A_580 = arith.extui %sign3A_579 : i1 to i32
        %sign3A_581 = arith.subi %sign3A_577, %sign3A_580 : i32
        %sign3A_582 = arith.constant 0 : i32
        %sign3A_583 = arith.cmpi sgt, %jit3A_573, %sign3A_582 : i32
        %sign3A_584 = arith.extui %sign3A_583 : i1 to i32
        %sign3A_585 = arith.constant 0 : i32
        %sign3A_586 = arith.cmpi slt, %jit3A_573, %sign3A_585 : i32
        %sign3A_587 = arith.extui %sign3A_586 : i1 to i32
        %sign3A_588 = arith.subi %sign3A_584, %sign3A_587 : i32
        %ne3A_589 = arith.cmpi ne, %sign3A_581, %sign3A_588 : i32
        %rem3A_590 = arith.remsi %sub3A_572, %jit3A_573 : i32
        %ne3A_591 = arith.constant 0 : i32
        %ne3A_592 = arith.cmpi ne, %rem3A_590, %ne3A_591 : i32
        %and3A_593 = arith.andi %ne3A_589, %ne3A_592 : i1
        %sub3A_594 = arith.constant 1 : i32
        %sub3A_595 = arith.subi %div3A_574, %sub3A_594 : i32
        %select_n3A_596 = arith.select %and3A_593, %sub3A_595, %div3A_574 : i32
        %add3A_597 = arith.addi %mul3A_2, %select_n3A_596 : i32
        %jit3A_598 = arith.constant 4 : i32
        %eq3A_599 = arith.constant 0 : i32
        %eq3A_600 = arith.cmpi eq, %jit3A_598, %eq3A_599 : i32
        %jit3A_601 = arith.constant 1 : i32
        %select_n3A_602 = arith.select %eq3A_600, %jit3A_601, %jit3A_598 : i32
        %rem3A_603 = arith.remsi %sub3A_572, %select_n3A_602 : i32
        %ne3A_604 = arith.constant 0 : i32
        %ne3A_605 = arith.cmpi ne, %rem3A_603, %ne3A_604 : i32
        %lt3A_606 = arith.constant 0 : i32
        %lt3A_607 = arith.cmpi slt, %rem3A_603, %lt3A_606 : i32
        %lt3A_608 = arith.constant 0 : i32
        %lt3A_609 = arith.cmpi slt, %select_n3A_602, %lt3A_608 : i32
        %ne3A_610 = arith.xori %lt3A_607, %lt3A_609 : i1
        %and3A_611 = arith.andi %ne3A_610, %ne3A_605 : i1
        %add3A_612 = arith.addi %rem3A_603, %select_n3A_602 : i32
        %select_n3A_613 = arith.select %and3A_611, %add3A_612, %rem3A_603 : i32
        %mul3A_614 = arith.constant 128 : i32
        %mul3A_615 = arith.muli %select_n3A_613, %mul3A_614 : i32
        %get3A_616 = arith.index_cast %add3A_597 : i32 to index
        %get3A_617 = tpu.vector_load %arg5[%get3A_616] {strides = array<i32>} : memref<528xi32, #tpu.memory_space<vmem>>, vector<16xi32>,
        %get3A_618 = vector.shape_cast %get3A_617 : vector<16xi32> to vector<16xi32>
        %slice3A = vector.extract_strided_slice %get3A_618 {offsets = [0], sizes = [1], strides = [1]} : vector<16xi32> to vector<1xi32>
        %squeeze3A = vector.extract %slice3A[0] : i32 from vector<1xi32>
        %broadcast_in_dim3A_619 = vector.broadcast %squeeze3A : i32 to vector<16xi32>
        %add3A_620 = arith.constant 0 : i32
        %add3A_621 = arith.addi %mul3A_615, %add3A_620 : i32
        %get3A_622 = arith.index_cast %add3A_621 : i32 to index
        %get3A_623 = tpu.vector_load %arg5[%get3A_622] {strides = array<i32>} : memref<528xi32, #tpu.memory_space<vmem>>, vector<16xi32>,
        %get3A_624 = vector.shape_cast %get3A_623 : vector<16xi32> to vector<16xi32>
        %sub3A_625 = arith.subi %get3A_624, %broadcast_in_dim3A_619 : vector<16xi32>
        %add3A_626 = arith.constant 32 : i32
        %add3A_627 = vector.broadcast %add3A_626 : i32 to vector<16xi32>
        %add3A_628 = arith.addi %sub3A_625, %add3A_627 : vector<16xi32>
        %max3A = arith.constant 0 : i32
        %max3A_629 = vector.broadcast %max3A : i32 to vector<16xi32>
        %max3A_630 = arith.maxsi %add3A_628, %max3A_629 : vector<16xi32>
        %min3A = arith.constant 64 : i32
        %min3A_631 = vector.broadcast %min3A : i32 to vector<16xi32>
        %min3A_632 = arith.minsi %max3A_630, %min3A_631 : vector<16xi32>
        %swap3A_633 = arith.constant 1 : i32
        %swap3A_634 = arith.index_cast %swap3A_633 : i32 to index
        %swap3A_635 = arith.constant 0 : index
        %swap3A_636 = tpu.vector_load %arg6[%swap3A_634, %swap3A_635] {strides = array<i32>} : memref<5x128xi32, #tpu.memory_space<vmem>>, vector<1x16xi32>,
        %swap3A_637 = vector.shape_cast %swap3A_636 : vector<1x16xi32> to vector<16xi32>
        %swap3A_638 = vector.shape_cast %min3A_632 : vector<16xi32> to vector<1x16xi32>
        tpu.vector_store %arg6[%swap3A_634, %swap3A_635], %swap3A_638 {strides = array<i32>} : memref<5x128xi32, #tpu.memory_space<vmem>>, vector<1x16xi32>,
        %add3A_639 = arith.constant 16 : i32
        %add3A_640 = arith.addi %mul3A_615, %add3A_639 : i32
        %get3A_641 = arith.index_cast %add3A_640 : i32 to index
        %get3A_642 = tpu.vector_load %arg5[%get3A_641] {strides = array<i32>} : memref<528xi32, #tpu.memory_space<vmem>>, vector<16xi32>,
        %get3A_643 = vector.shape_cast %get3A_642 : vector<16xi32> to vector<16xi32>
        %sub3A_644 = arith.subi %get3A_643, %broadcast_in_dim3A_619 : vector<16xi32>
        %add3A_645 = arith.constant 32 : i32
        %add3A_646 = vector.broadcast %add3A_645 : i32 to vector<16xi32>
        %add3A_647 = arith.addi %sub3A_644, %add3A_646 : vector<16xi32>
        %max3A_648 = arith.constant 0 : i32
        %max3A_649 = vector.broadcast %max3A_648 : i32 to vector<16xi32>
        %max3A_650 = arith.maxsi %add3A_647, %max3A_649 : vector<16xi32>
        %min3A_651 = arith.constant 64 : i32
        %min3A_652 = vector.broadcast %min3A_651 : i32 to vector<16xi32>
        %min3A_653 = arith.minsi %max3A_650, %min3A_652 : vector<16xi32>
        %swap3A_654 = arith.constant 1 : i32
        %swap3A_655 = arith.index_cast %swap3A_654 : i32 to index
        %swap3A_656 = arith.constant 16 : index
        %swap3A_657 = tpu.vector_load %arg6[%swap3A_655, %swap3A_656] {strides = array<i32>} : memref<5x128xi32, #tpu.memory_space<vmem>>, vector<1x16xi32>,
        %swap3A_658 = vector.shape_cast %swap3A_657 : vector<1x16xi32> to vector<16xi32>
        %swap3A_659 = vector.shape_cast %min3A_653 : vector<16xi32> to vector<1x16xi32>
        tpu.vector_store %arg6[%swap3A_655, %swap3A_656], %swap3A_659 {strides = array<i32>} : memref<5x128xi32, #tpu.memory_space<vmem>>, vector<1x16xi32>,
        %add3A_660 = arith.constant 32 : i32
        %add3A_661 = arith.addi %mul3A_615, %add3A_660 : i32
        %get3A_662 = arith.index_cast %add3A_661 : i32 to index
        %get3A_663 = tpu.vector_load %arg5[%get3A_662] {strides = array<i32>} : memref<528xi32, #tpu.memory_space<vmem>>, vector<16xi32>,
        %get3A_664 = vector.shape_cast %get3A_663 : vector<16xi32> to vector<16xi32>
        %sub3A_665 = arith.subi %get3A_664, %broadcast_in_dim3A_619 : vector<16xi32>
        %add3A_666 = arith.constant 32 : i32
        %add3A_667 = vector.broadcast %add3A_666 : i32 to vector<16xi32>
        %add3A_668 = arith.addi %sub3A_665, %add3A_667 : vector<16xi32>
        %max3A_669 = arith.constant 0 : i32
        %max3A_670 = vector.broadcast %max3A_669 : i32 to vector<16xi32>
        %max3A_671 = arith.maxsi %add3A_668, %max3A_670 : vector<16xi32>
        %min3A_672 = arith.constant 64 : i32
        %min3A_673 = vector.broadcast %min3A_672 : i32 to vector<16xi32>
        %min3A_674 = arith.minsi %max3A_671, %min3A_673 : vector<16xi32>
        %swap3A_675 = arith.constant 1 : i32
        %swap3A_676 = arith.index_cast %swap3A_675 : i32 to index
        %swap3A_677 = arith.constant 32 : index
        %swap3A_678 = tpu.vector_load %arg6[%swap3A_676, %swap3A_677] {strides = array<i32>} : memref<5x128xi32, #tpu.memory_space<vmem>>, vector<1x16xi32>,
        %swap3A_679 = vector.shape_cast %swap3A_678 : vector<1x16xi32> to vector<16xi32>
        %swap3A_680 = vector.shape_cast %min3A_674 : vector<16xi32> to vector<1x16xi32>
        tpu.vector_store %arg6[%swap3A_676, %swap3A_677], %swap3A_680 {strides = array<i32>} : memref<5x128xi32, #tpu.memory_space<vmem>>, vector<1x16xi32>,
        %add3A_681 = arith.constant 48 : i32
        %add3A_682 = arith.addi %mul3A_615, %add3A_681 : i32
        %get3A_683 = arith.index_cast %add3A_682 : i32 to index
        %get3A_684 = tpu.vector_load %arg5[%get3A_683] {strides = array<i32>} : memref<528xi32, #tpu.memory_space<vmem>>, vector<16xi32>,
        %get3A_685 = vector.shape_cast %get3A_684 : vector<16xi32> to vector<16xi32>
        %sub3A_686 = arith.subi %get3A_685, %broadcast_in_dim3A_619 : vector<16xi32>
        %add3A_687 = arith.constant 32 : i32
        %add3A_688 = vector.broadcast %add3A_687 : i32 to vector<16xi32>
        %add3A_689 = arith.addi %sub3A_686, %add3A_688 : vector<16xi32>
        %max3A_690 = arith.constant 0 : i32
        %max3A_691 = vector.broadcast %max3A_690 : i32 to vector<16xi32>
        %max3A_692 = arith.maxsi %add3A_689, %max3A_691 : vector<16xi32>
        %min3A_693 = arith.constant 64 : i32
        %min3A_694 = vector.broadcast %min3A_693 : i32 to vector<16xi32>
        %min3A_695 = arith.minsi %max3A_692, %min3A_694 : vector<16xi32>
        %swap3A_696 = arith.constant 1 : i32
        %swap3A_697 = arith.index_cast %swap3A_696 : i32 to index
        %swap3A_698 = arith.constant 48 : index
        %swap3A_699 = tpu.vector_load %arg6[%swap3A_697, %swap3A_698] {strides = array<i32>} : memref<5x128xi32, #tpu.memory_space<vmem>>, vector<1x16xi32>,
        %swap3A_700 = vector.shape_cast %swap3A_699 : vector<1x16xi32> to vector<16xi32>
        %swap3A_701 = vector.shape_cast %min3A_695 : vector<16xi32> to vector<1x16xi32>
        tpu.vector_store %arg6[%swap3A_697, %swap3A_698], %swap3A_701 {strides = array<i32>} : memref<5x128xi32, #tpu.memory_space<vmem>>, vector<1x16xi32>,
        %add3A_702 = arith.constant 64 : i32
        %add3A_703 = arith.addi %mul3A_615, %add3A_702 : i32
        %get3A_704 = arith.index_cast %add3A_703 : i32 to index
        %get3A_705 = tpu.vector_load %arg5[%get3A_704] {strides = array<i32>} : memref<528xi32, #tpu.memory_space<vmem>>, vector<16xi32>,
        %get3A_706 = vector.shape_cast %get3A_705 : vector<16xi32> to vector<16xi32>
        %sub3A_707 = arith.subi %get3A_706, %broadcast_in_dim3A_619 : vector<16xi32>
        %add3A_708 = arith.constant 32 : i32
        %add3A_709 = vector.broadcast %add3A_708 : i32 to vector<16xi32>
        %add3A_710 = arith.addi %sub3A_707, %add3A_709 : vector<16xi32>
        %max3A_711 = arith.constant 0 : i32
        %max3A_712 = vector.broadcast %max3A_711 : i32 to vector<16xi32>
        %max3A_713 = arith.maxsi %add3A_710, %max3A_712 : vector<16xi32>
        %min3A_714 = arith.constant 64 : i32
        %min3A_715 = vector.broadcast %min3A_714 : i32 to vector<16xi32>
        %min3A_716 = arith.minsi %max3A_713, %min3A_715 : vector<16xi32>
        %swap3A_717 = arith.constant 1 : i32
        %swap3A_718 = arith.index_cast %swap3A_717 : i32 to index
        %swap3A_719 = arith.constant 64 : index
        %swap3A_720 = tpu.vector_load %arg6[%swap3A_718, %swap3A_719] {strides = array<i32>} : memref<5x128xi32, #tpu.memory_space<vmem>>, vector<1x16xi32>,
        %swap3A_721 = vector.shape_cast %swap3A_720 : vector<1x16xi32> to vector<16xi32>
        %swap3A_722 = vector.shape_cast %min3A_716 : vector<16xi32> to vector<1x16xi32>
        tpu.vector_store %arg6[%swap3A_718, %swap3A_719], %swap3A_722 {strides = array<i32>} : memref<5x128xi32, #tpu.memory_space<vmem>>, vector<1x16xi32>,
        %add3A_723 = arith.constant 80 : i32
        %add3A_724 = arith.addi %mul3A_615, %add3A_723 : i32
        %get3A_725 = arith.index_cast %add3A_724 : i32 to index
        %get3A_726 = tpu.vector_load %arg5[%get3A_725] {strides = array<i32>} : memref<528xi32, #tpu.memory_space<vmem>>, vector<16xi32>,
        %get3A_727 = vector.shape_cast %get3A_726 : vector<16xi32> to vector<16xi32>
        %sub3A_728 = arith.subi %get3A_727, %broadcast_in_dim3A_619 : vector<16xi32>
        %add3A_729 = arith.constant 32 : i32
        %add3A_730 = vector.broadcast %add3A_729 : i32 to vector<16xi32>
        %add3A_731 = arith.addi %sub3A_728, %add3A_730 : vector<16xi32>
        %max3A_732 = arith.constant 0 : i32
        %max3A_733 = vector.broadcast %max3A_732 : i32 to vector<16xi32>
        %max3A_734 = arith.maxsi %add3A_731, %max3A_733 : vector<16xi32>
        %min3A_735 = arith.constant 64 : i32
        %min3A_736 = vector.broadcast %min3A_735 : i32 to vector<16xi32>
        %min3A_737 = arith.minsi %max3A_734, %min3A_736 : vector<16xi32>
        %swap3A_738 = arith.constant 1 : i32
        %swap3A_739 = arith.index_cast %swap3A_738 : i32 to index
        %swap3A_740 = arith.constant 80 : index
        %swap3A_741 = tpu.vector_load %arg6[%swap3A_739, %swap3A_740] {strides = array<i32>} : memref<5x128xi32, #tpu.memory_space<vmem>>, vector<1x16xi32>,
        %swap3A_742 = vector.shape_cast %swap3A_741 : vector<1x16xi32> to vector<16xi32>
        %swap3A_743 = vector.shape_cast %min3A_737 : vector<16xi32> to vector<1x16xi32>
        tpu.vector_store %arg6[%swap3A_739, %swap3A_740], %swap3A_743 {strides = array<i32>} : memref<5x128xi32, #tpu.memory_space<vmem>>, vector<1x16xi32>,
        %add3A_744 = arith.constant 96 : i32
        %add3A_745 = arith.addi %mul3A_615, %add3A_744 : i32
        %get3A_746 = arith.index_cast %add3A_745 : i32 to index
        %get3A_747 = tpu.vector_load %arg5[%get3A_746] {strides = array<i32>} : memref<528xi32, #tpu.memory_space<vmem>>, vector<16xi32>,
        %get3A_748 = vector.shape_cast %get3A_747 : vector<16xi32> to vector<16xi32>
        %sub3A_749 = arith.subi %get3A_748, %broadcast_in_dim3A_619 : vector<16xi32>
        %add3A_750 = arith.constant 32 : i32
        %add3A_751 = vector.broadcast %add3A_750 : i32 to vector<16xi32>
        %add3A_752 = arith.addi %sub3A_749, %add3A_751 : vector<16xi32>
        %max3A_753 = arith.constant 0 : i32
        %max3A_754 = vector.broadcast %max3A_753 : i32 to vector<16xi32>
        %max3A_755 = arith.maxsi %add3A_752, %max3A_754 : vector<16xi32>
        %min3A_756 = arith.constant 64 : i32
        %min3A_757 = vector.broadcast %min3A_756 : i32 to vector<16xi32>
        %min3A_758 = arith.minsi %max3A_755, %min3A_757 : vector<16xi32>
        %swap3A_759 = arith.constant 1 : i32
        %swap3A_760 = arith.index_cast %swap3A_759 : i32 to index
        %swap3A_761 = arith.constant 96 : index
        %swap3A_762 = tpu.vector_load %arg6[%swap3A_760, %swap3A_761] {strides = array<i32>} : memref<5x128xi32, #tpu.memory_space<vmem>>, vector<1x16xi32>,
        %swap3A_763 = vector.shape_cast %swap3A_762 : vector<1x16xi32> to vector<16xi32>
        %swap3A_764 = vector.shape_cast %min3A_758 : vector<16xi32> to vector<1x16xi32>
        tpu.vector_store %arg6[%swap3A_760, %swap3A_761], %swap3A_764 {strides = array<i32>} : memref<5x128xi32, #tpu.memory_space<vmem>>, vector<1x16xi32>,
        %add3A_765 = arith.constant 112 : i32
        %add3A_766 = arith.addi %mul3A_615, %add3A_765 : i32
        %get3A_767 = arith.index_cast %add3A_766 : i32 to index
        %get3A_768 = tpu.vector_load %arg5[%get3A_767] {strides = array<i32>} : memref<528xi32, #tpu.memory_space<vmem>>, vector<16xi32>,
        %get3A_769 = vector.shape_cast %get3A_768 : vector<16xi32> to vector<16xi32>
        %sub3A_770 = arith.subi %get3A_769, %broadcast_in_dim3A_619 : vector<16xi32>
        %add3A_771 = arith.constant 32 : i32
        %add3A_772 = vector.broadcast %add3A_771 : i32 to vector<16xi32>
        %add3A_773 = arith.addi %sub3A_770, %add3A_772 : vector<16xi32>
        %max3A_774 = arith.constant 0 : i32
        %max3A_775 = vector.broadcast %max3A_774 : i32 to vector<16xi32>
        %max3A_776 = arith.maxsi %add3A_773, %max3A_775 : vector<16xi32>
        %min3A_777 = arith.constant 64 : i32
        %min3A_778 = vector.broadcast %min3A_777 : i32 to vector<16xi32>
        %min3A_779 = arith.minsi %max3A_776, %min3A_778 : vector<16xi32>
        %swap3A_780 = arith.constant 1 : i32
        %swap3A_781 = arith.index_cast %swap3A_780 : i32 to index
        %swap3A_782 = arith.constant 112 : index
        %swap3A_783 = tpu.vector_load %arg6[%swap3A_781, %swap3A_782] {strides = array<i32>} : memref<5x128xi32, #tpu.memory_space<vmem>>, vector<1x16xi32>,
        %swap3A_784 = vector.shape_cast %swap3A_783 : vector<1x16xi32> to vector<16xi32>
        %swap3A_785 = vector.shape_cast %min3A_779 : vector<16xi32> to vector<1x16xi32>
        tpu.vector_store %arg6[%swap3A_781, %swap3A_782], %swap3A_785 {strides = array<i32>} : memref<5x128xi32, #tpu.memory_space<vmem>>, vector<1x16xi32>,
        %dma_start3A_786 = arith.constant 1 : i32
        %dma_start3A_787 = arith.constant 0 : i32
        %dma_start3A_788 = arith.constant 0 : i32
        %dma_start3A_789 = arith.constant 0 : i32
        %dma_start3A_790 = tpu.memref_slice %arg7[%dma_start3A_787, %dma_start3A_788, %dma_start3A_789] : memref<4x128x128xf32, #tpu.memory_space<vmem>> -> memref<1x128x128xf32, #tpu.memory_space<vmem>>
        %dma_start3A_791 = tpu.memref_squeeze %dma_start3A_790 : memref<1x128x128xf32, #tpu.memory_space<vmem>> -> memref<128x128xf32, #tpu.memory_space<vmem>>
        %dma_start3A_792 = arith.constant 0 : i32
        %dma_start3A_793 = tpu.memref_slice %arg6[%dma_start3A_786, %dma_start3A_792] : memref<5x128xi32, #tpu.memory_space<vmem>> -> memref<1x128xi32, #tpu.memory_space<vmem>>
        %dma_start3A_794 = tpu.memref_squeeze %dma_start3A_793 : memref<1x128xi32, #tpu.memory_space<vmem>> -> memref<128xi32, #tpu.memory_space<vmem>>
        %dma_start3A_795 = arith.constant 0 : i32
        %dma_start3A_796 = arith.constant 0 : i32
        %dma_start3A_797 = tpu.memref_slice %arg8[%dma_start3A_795, %dma_start3A_796] : memref<65x128xf32, #tpu.memory_space<vmem_shared>> -> memref<65x128xf32, #tpu.memory_space<vmem_shared>>
        tpu.enqueue_indirect_dma source(%dma_start3A_797 : memref<65x128xf32, #tpu.memory_space<vmem_shared>>) target(%dma_start3A_791 : memref<128x128xf32, #tpu.memory_space<vmem>>) offsets(%dma_start3A_794 : memref<128xi32, #tpu.memory_space<vmem>>) semaphore(%arg12 : memref<!tpu.dma_semaphore, #tpu.memory_space<semaphore_mem>>)
      } else {
      }
      %mul3A_381 = arith.constant 4 : i32
      %mul3A_382 = arith.muli %mul3A_381, %scan3A_202 : i32
      %add3A_383 = arith.constant 2 : i32
      %add3A_384 = arith.addi %mul3A_382, %add3A_383 : i32
      %get3A_385 = arith.index_cast %add3A_384 : i32 to index
      %get3A_386 = memref.load %arg10[%get3A_385] : memref<68xi32, #tpu.memory_space<smem>>
      %eq3A_387 = arith.constant 0 : i32
      %eq3A_388 = arith.cmpi eq, %get3A_386, %eq3A_387 : i32
      %convert_element_type3A_389 = arith.extui %eq3A_388 : i1 to i32
      %cond3A_390 = arith.constant 0 : i32
      %cond3A_391 = arith.cmpi ne, %convert_element_type3A_389, %cond3A_390 : i32
      scf.if %cond3A_391 {
        %dma_wait3A_569 = arith.constant 3 : i32
        %dma_wait3A_570 = arith.constant 2 : i32
        %dma_wait3A_571 = arith.constant 0 : i32
        %dma_wait3A_572 = arith.constant 0 : i32
        %dma_wait3A_573 = tpu.memref_slice %arg7[%dma_wait3A_570, %dma_wait3A_571, %dma_wait3A_572] : memref<4x128x128xf32, #tpu.memory_space<vmem>> -> memref<1x128x128xf32, #tpu.memory_space<vmem>>
        %dma_wait3A_574 = tpu.memref_squeeze %dma_wait3A_573 : memref<1x128x128xf32, #tpu.memory_space<vmem>> -> memref<128x128xf32, #tpu.memory_space<vmem>>
        %dma_wait3A_575 = arith.constant 0 : i32
        %dma_wait3A_576 = tpu.memref_slice %arg6[%dma_wait3A_569, %dma_wait3A_575] : memref<5x128xi32, #tpu.memory_space<vmem>> -> memref<1x128xi32, #tpu.memory_space<vmem>>
        %dma_wait3A_577 = tpu.memref_squeeze %dma_wait3A_576 : memref<1x128xi32, #tpu.memory_space<vmem>> -> memref<128xi32, #tpu.memory_space<vmem>>
        %dma_wait3A_578 = arith.constant 0 : i32
        %dma_wait3A_579 = arith.constant 0 : i32
        %dma_wait3A_580 = tpu.memref_slice %arg8[%dma_wait3A_578, %dma_wait3A_579] : memref<65x128xf32, #tpu.memory_space<vmem_shared>> -> memref<65x128xf32, #tpu.memory_space<vmem_shared>>
        tpu.wait_indirect_dma semaphore(%arg14 : memref<!tpu.dma_semaphore, #tpu.memory_space<semaphore_mem>>) src(%dma_wait3A_580 : memref<65x128xf32, #tpu.memory_space<vmem_shared>>) dst(%dma_wait3A_574 : memref<128x128xf32, #tpu.memory_space<vmem>>)
      } else {
      }
      %jit3A_392 = arith.constant 4 : i32
      %div3A_393 = arith.divsi %add3A_384, %jit3A_392 : i32
      %sign3A_394 = arith.constant 0 : i32
      %sign3A_395 = arith.cmpi sgt, %add3A_384, %sign3A_394 : i32
      %sign3A_396 = arith.extui %sign3A_395 : i1 to i32
      %sign3A_397 = arith.constant 0 : i32
      %sign3A_398 = arith.cmpi slt, %add3A_384, %sign3A_397 : i32
      %sign3A_399 = arith.extui %sign3A_398 : i1 to i32
      %sign3A_400 = arith.subi %sign3A_396, %sign3A_399 : i32
      %sign3A_401 = arith.constant 0 : i32
      %sign3A_402 = arith.cmpi sgt, %jit3A_392, %sign3A_401 : i32
      %sign3A_403 = arith.extui %sign3A_402 : i1 to i32
      %sign3A_404 = arith.constant 0 : i32
      %sign3A_405 = arith.cmpi slt, %jit3A_392, %sign3A_404 : i32
      %sign3A_406 = arith.extui %sign3A_405 : i1 to i32
      %sign3A_407 = arith.subi %sign3A_403, %sign3A_406 : i32
      %ne3A_408 = arith.cmpi ne, %sign3A_400, %sign3A_407 : i32
      %rem3A_409 = arith.remsi %add3A_384, %jit3A_392 : i32
      %ne3A_410 = arith.constant 0 : i32
      %ne3A_411 = arith.cmpi ne, %rem3A_409, %ne3A_410 : i32
      %and3A_412 = arith.andi %ne3A_408, %ne3A_411 : i1
      %sub3A_413 = arith.constant 1 : i32
      %sub3A_414 = arith.subi %div3A_393, %sub3A_413 : i32
      %select_n3A_415 = arith.select %and3A_412, %sub3A_414, %div3A_393 : i32
      %add3A_416 = arith.addi %mul3A_2, %select_n3A_415 : i32
      %mul3A_417 = arith.constant 512 : i32
      %mul3A_418 = arith.muli %add3A_416, %mul3A_417 : i32
      %jit3A_419 = arith.constant 4 : i32
      %eq3A_420 = arith.constant 0 : i32
      %eq3A_421 = arith.cmpi eq, %jit3A_419, %eq3A_420 : i32
      %jit3A_422 = arith.constant 1 : i32
      %select_n3A_423 = arith.select %eq3A_421, %jit3A_422, %jit3A_419 : i32
      %rem3A_424 = arith.remsi %add3A_384, %select_n3A_423 : i32
      %ne3A_425 = arith.constant 0 : i32
      %ne3A_426 = arith.cmpi ne, %rem3A_424, %ne3A_425 : i32
      %lt3A_427 = arith.constant 0 : i32
      %lt3A_428 = arith.cmpi slt, %rem3A_424, %lt3A_427 : i32
      %lt3A_429 = arith.constant 0 : i32
      %lt3A_430 = arith.cmpi slt, %select_n3A_423, %lt3A_429 : i32
      %ne3A_431 = arith.xori %lt3A_428, %lt3A_430 : i1
      %and3A_432 = arith.andi %ne3A_431, %ne3A_426 : i1
      %add3A_433 = arith.addi %rem3A_424, %select_n3A_423 : i32
      %select_n3A_434 = arith.select %and3A_432, %add3A_433, %rem3A_424 : i32
      %mul3A_435 = arith.constant 128 : i32
      %mul3A_436 = arith.muli %select_n3A_434, %mul3A_435 : i32
      %add3A_437 = arith.addi %mul3A_418, %mul3A_436 : i32
      %get3A_438 = arith.index_cast %add3A_384 : i32 to index
      %get3A_439 = memref.load %arg10[%get3A_438] : memref<68xi32, #tpu.memory_space<smem>>
      %eq3A_440 = arith.constant 1 : i32
      %eq3A_441 = arith.cmpi eq, %get3A_439, %eq3A_440 : i32
      %convert_element_type3A_442 = arith.extui %eq3A_441 : i1 to i32
      %cond3A_443 = arith.constant 0 : i32
      %cond3A_444 = arith.cmpi ne, %convert_element_type3A_442, %cond3A_443 : i32
      scf.if %cond3A_444 {
        %get3A_569 = arith.index_cast %add3A_384 : i32 to index
        %get3A_570 = memref.load %arg11[%get3A_569] : memref<64xi32, #tpu.memory_space<smem>>
        %dma_start3A_571 = arith.constant 0 : i32
        %dma_start3A_572 = arith.constant 0 : i32
        %dma_start3A_573 = tpu.memref_slice %arg9[%get3A_570, %dma_start3A_571, %dma_start3A_572] : memref<2x128x128xf32, #tpu.memory_space<vmem>> -> memref<1x128x128xf32, #tpu.memory_space<vmem>>
        %dma_start3A_574 = tpu.memref_squeeze %dma_start3A_573 : memref<1x128x128xf32, #tpu.memory_space<vmem>> -> memref<128x128xf32, #tpu.memory_space<vmem>>
        %dma_start3A_575 = arith.constant 0 : i32
        %dma_start3A_576 = tpu.memref_slice %arg4[%add3A_437, %dma_start3A_575] : memref<262144x128xf32, #tpu.memory_space<hbm>> -> memref<128x128xf32, #tpu.memory_space<hbm>>
        %dma_start3A_577 = arith.constant 0 : i32
        %dma_start3A_578 = tpu.memref_slice %arg4[%add3A_437, %dma_start3A_577] : memref<262144x128xf32, #tpu.memory_space<hbm>> -> memref<128x128xf32, #tpu.memory_space<hbm>>
        %dma_start3A_579 = arith.constant 0 : i32
        %dma_start3A_580 = arith.constant 0 : i32
        %dma_start3A_581 = tpu.memref_slice %arg9[%get3A_570, %dma_start3A_579, %dma_start3A_580] : memref<2x128x128xf32, #tpu.memory_space<vmem>> -> memref<1x128x128xf32, #tpu.memory_space<vmem>>
        %dma_start3A_582 = tpu.memref_squeeze %dma_start3A_581 : memref<1x128x128xf32, #tpu.memory_space<vmem>> -> memref<128x128xf32, #tpu.memory_space<vmem>>
        tpu.enqueue_dma source(%dma_start3A_582 : memref<128x128xf32, #tpu.memory_space<vmem>>) target(%dma_start3A_578 : memref<128x128xf32, #tpu.memory_space<hbm>>) target_semaphore(%arg18 : memref<!tpu.dma_semaphore, #tpu.memory_space<semaphore_mem>>)
      } else {
      }
      %get3A_445 = arith.index_cast %add3A_384 : i32 to index
      %get3A_446 = memref.load %arg10[%get3A_445] : memref<68xi32, #tpu.memory_space<smem>>
      %eq3A_447 = arith.constant 0 : i32
      %eq3A_448 = arith.cmpi eq, %get3A_446, %eq3A_447 : i32
      %convert_element_type3A_449 = arith.extui %eq3A_448 : i1 to i32
      %cond3A_450 = arith.constant 0 : i32
      %cond3A_451 = arith.cmpi ne, %convert_element_type3A_449, %cond3A_450 : i32
      scf.if %cond3A_451 {
        %dma_start3A_569 = arith.constant 2 : i32
        %dma_start3A_570 = arith.constant 0 : i32
        %dma_start3A_571 = arith.constant 0 : i32
        %dma_start3A_572 = tpu.memref_slice %arg7[%dma_start3A_569, %dma_start3A_570, %dma_start3A_571] : memref<4x128x128xf32, #tpu.memory_space<vmem>> -> memref<1x128x128xf32, #tpu.memory_space<vmem>>
        %dma_start3A_573 = tpu.memref_squeeze %dma_start3A_572 : memref<1x128x128xf32, #tpu.memory_space<vmem>> -> memref<128x128xf32, #tpu.memory_space<vmem>>
        %dma_start3A_574 = arith.constant 0 : i32
        %dma_start3A_575 = tpu.memref_slice %arg4[%add3A_437, %dma_start3A_574] : memref<262144x128xf32, #tpu.memory_space<hbm>> -> memref<128x128xf32, #tpu.memory_space<hbm>>
        %dma_start3A_576 = arith.constant 0 : i32
        %dma_start3A_577 = tpu.memref_slice %arg4[%add3A_437, %dma_start3A_576] : memref<262144x128xf32, #tpu.memory_space<hbm>> -> memref<128x128xf32, #tpu.memory_space<hbm>>
        %dma_start3A_578 = arith.constant 0 : i32
        %dma_start3A_579 = arith.constant 0 : i32
        %dma_start3A_580 = tpu.memref_slice %arg7[%dma_start3A_569, %dma_start3A_578, %dma_start3A_579] : memref<4x128x128xf32, #tpu.memory_space<vmem>> -> memref<1x128x128xf32, #tpu.memory_space<vmem>>
        %dma_start3A_581 = tpu.memref_squeeze %dma_start3A_580 : memref<1x128x128xf32, #tpu.memory_space<vmem>> -> memref<128x128xf32, #tpu.memory_space<vmem>>
        tpu.enqueue_dma source(%dma_start3A_581 : memref<128x128xf32, #tpu.memory_space<vmem>>) target(%dma_start3A_577 : memref<128x128xf32, #tpu.memory_space<hbm>>) target_semaphore(%arg18 : memref<!tpu.dma_semaphore, #tpu.memory_space<semaphore_mem>>)
      } else {
      }
      %gt3A_452 = arith.constant 0 : i32
      %gt3A_453 = arith.cmpi sgt, %add3A_384, %gt3A_452 : i32
      %convert_element_type3A_454 = arith.extui %gt3A_453 : i1 to i32
      %cond3A_455 = arith.constant 0 : i32
      %cond3A_456 = arith.cmpi ne, %convert_element_type3A_454, %cond3A_455 : i32
      scf.if %cond3A_456 {
        %sub3A_569 = arith.constant 1 : i32
        %sub3A_570 = arith.subi %add3A_384, %sub3A_569 : i32
        %jit3A_571 = arith.constant 4 : i32
        %div3A_572 = arith.divsi %sub3A_570, %jit3A_571 : i32
        %sign3A_573 = arith.constant 0 : i32
        %sign3A_574 = arith.cmpi sgt, %sub3A_570, %sign3A_573 : i32
        %sign3A_575 = arith.extui %sign3A_574 : i1 to i32
        %sign3A_576 = arith.constant 0 : i32
        %sign3A_577 = arith.cmpi slt, %sub3A_570, %sign3A_576 : i32
        %sign3A_578 = arith.extui %sign3A_577 : i1 to i32
        %sign3A_579 = arith.subi %sign3A_575, %sign3A_578 : i32
        %sign3A_580 = arith.constant 0 : i32
        %sign3A_581 = arith.cmpi sgt, %jit3A_571, %sign3A_580 : i32
        %sign3A_582 = arith.extui %sign3A_581 : i1 to i32
        %sign3A_583 = arith.constant 0 : i32
        %sign3A_584 = arith.cmpi slt, %jit3A_571, %sign3A_583 : i32
        %sign3A_585 = arith.extui %sign3A_584 : i1 to i32
        %sign3A_586 = arith.subi %sign3A_582, %sign3A_585 : i32
        %ne3A_587 = arith.cmpi ne, %sign3A_579, %sign3A_586 : i32
        %rem3A_588 = arith.remsi %sub3A_570, %jit3A_571 : i32
        %ne3A_589 = arith.constant 0 : i32
        %ne3A_590 = arith.cmpi ne, %rem3A_588, %ne3A_589 : i32
        %and3A_591 = arith.andi %ne3A_587, %ne3A_590 : i1
        %sub3A_592 = arith.constant 1 : i32
        %sub3A_593 = arith.subi %div3A_572, %sub3A_592 : i32
        %select_n3A_594 = arith.select %and3A_591, %sub3A_593, %div3A_572 : i32
        %add3A_595 = arith.addi %mul3A_2, %select_n3A_594 : i32
        %mul3A_596 = arith.constant 512 : i32
        %mul3A_597 = arith.muli %add3A_595, %mul3A_596 : i32
        %jit3A_598 = arith.constant 4 : i32
        %eq3A_599 = arith.constant 0 : i32
        %eq3A_600 = arith.cmpi eq, %jit3A_598, %eq3A_599 : i32
        %jit3A_601 = arith.constant 1 : i32
        %select_n3A_602 = arith.select %eq3A_600, %jit3A_601, %jit3A_598 : i32
        %rem3A_603 = arith.remsi %sub3A_570, %select_n3A_602 : i32
        %ne3A_604 = arith.constant 0 : i32
        %ne3A_605 = arith.cmpi ne, %rem3A_603, %ne3A_604 : i32
        %lt3A_606 = arith.constant 0 : i32
        %lt3A_607 = arith.cmpi slt, %rem3A_603, %lt3A_606 : i32
        %lt3A_608 = arith.constant 0 : i32
        %lt3A_609 = arith.cmpi slt, %select_n3A_602, %lt3A_608 : i32
        %ne3A_610 = arith.xori %lt3A_607, %lt3A_609 : i1
        %and3A_611 = arith.andi %ne3A_610, %ne3A_605 : i1
        %add3A_612 = arith.addi %rem3A_603, %select_n3A_602 : i32
        %select_n3A_613 = arith.select %and3A_611, %add3A_612, %rem3A_603 : i32
        %mul3A_614 = arith.constant 128 : i32
        %mul3A_615 = arith.muli %select_n3A_613, %mul3A_614 : i32
        %add3A_616 = arith.addi %mul3A_597, %mul3A_615 : i32
        %dma_wait3A_617 = arith.constant 1 : i32
        %dma_wait3A_618 = arith.constant 0 : i32
        %dma_wait3A_619 = arith.constant 0 : i32
        %dma_wait3A_620 = tpu.memref_slice %arg7[%dma_wait3A_617, %dma_wait3A_618, %dma_wait3A_619] : memref<4x128x128xf32, #tpu.memory_space<vmem>> -> memref<1x128x128xf32, #tpu.memory_space<vmem>>
        %dma_wait3A_621 = tpu.memref_squeeze %dma_wait3A_620 : memref<1x128x128xf32, #tpu.memory_space<vmem>> -> memref<128x128xf32, #tpu.memory_space<vmem>>
        %dma_wait3A_622 = arith.constant 0 : i32
        %dma_wait3A_623 = tpu.memref_slice %arg4[%add3A_616, %dma_wait3A_622] : memref<262144x128xf32, #tpu.memory_space<hbm>> -> memref<128x128xf32, #tpu.memory_space<hbm>>
        %dma_wait3A_624 = arith.constant 0 : i32
        %dma_wait3A_625 = tpu.memref_slice %arg4[%add3A_616, %dma_wait3A_624] : memref<262144x128xf32, #tpu.memory_space<hbm>> -> memref<128x128xf32, #tpu.memory_space<hbm>>
        %dma_wait3A_626 = arith.constant 0 : i32
        %dma_wait3A_627 = arith.constant 0 : i32
        %dma_wait3A_628 = tpu.memref_slice %arg7[%dma_wait3A_617, %dma_wait3A_626, %dma_wait3A_627] : memref<4x128x128xf32, #tpu.memory_space<vmem>> -> memref<1x128x128xf32, #tpu.memory_space<vmem>>
        %dma_wait3A_629 = tpu.memref_squeeze %dma_wait3A_628 : memref<1x128x128xf32, #tpu.memory_space<vmem>> -> memref<128x128xf32, #tpu.memory_space<vmem>>
        tpu.wait_dma2 semaphore(%arg17 : memref<!tpu.dma_semaphore, #tpu.memory_space<semaphore_mem>>) src(%dma_wait3A_629 : memref<128x128xf32, #tpu.memory_space<vmem>>) dst(%dma_wait3A_625 : memref<128x128xf32, #tpu.memory_space<hbm>>)
      } else {
      }
      %add3A_457 = arith.constant 4 : i32
      %add3A_458 = arith.addi %add3A_384, %add3A_457 : i32
      %sub3A_459 = arith.constant 1 : i32
      %sub3A_460 = arith.subi %add3A_458, %sub3A_459 : i32
      %lt3A_461 = arith.constant 64 : i32
      %lt3A_462 = arith.cmpi slt, %sub3A_460, %lt3A_461 : i32
      %add3A_463 = arith.constant 4 : i32
      %add3A_464 = arith.addi %add3A_384, %add3A_463 : i32
      %sub3A_465 = arith.constant 1 : i32
      %sub3A_466 = arith.subi %add3A_464, %sub3A_465 : i32
      %get3A_467 = arith.index_cast %sub3A_466 : i32 to index
      %get3A_468 = memref.load %arg10[%get3A_467] : memref<68xi32, #tpu.memory_space<smem>>
      %eq3A_469 = arith.constant 0 : i32
      %eq3A_470 = arith.cmpi eq, %get3A_468, %eq3A_469 : i32
      %and3A_471 = arith.andi %lt3A_462, %eq3A_470 : i1
      %convert_element_type3A_472 = arith.extui %and3A_471 : i1 to i32
      %cond3A_473 = arith.constant 0 : i32
      %cond3A_474 = arith.cmpi ne, %convert_element_type3A_472, %cond3A_473 : i32
      scf.if %cond3A_474 {
        %add3A_569 = arith.constant 4 : i32
        %add3A_570 = arith.addi %add3A_384, %add3A_569 : i32
        %sub3A_571 = arith.constant 1 : i32
        %sub3A_572 = arith.subi %add3A_570, %sub3A_571 : i32
        %jit3A_573 = arith.constant 4 : i32
        %div3A_574 = arith.divsi %sub3A_572, %jit3A_573 : i32
        %sign3A_575 = arith.constant 0 : i32
        %sign3A_576 = arith.cmpi sgt, %sub3A_572, %sign3A_575 : i32
        %sign3A_577 = arith.extui %sign3A_576 : i1 to i32
        %sign3A_578 = arith.constant 0 : i32
        %sign3A_579 = arith.cmpi slt, %sub3A_572, %sign3A_578 : i32
        %sign3A_580 = arith.extui %sign3A_579 : i1 to i32
        %sign3A_581 = arith.subi %sign3A_577, %sign3A_580 : i32
        %sign3A_582 = arith.constant 0 : i32
        %sign3A_583 = arith.cmpi sgt, %jit3A_573, %sign3A_582 : i32
        %sign3A_584 = arith.extui %sign3A_583 : i1 to i32
        %sign3A_585 = arith.constant 0 : i32
        %sign3A_586 = arith.cmpi slt, %jit3A_573, %sign3A_585 : i32
        %sign3A_587 = arith.extui %sign3A_586 : i1 to i32
        %sign3A_588 = arith.subi %sign3A_584, %sign3A_587 : i32
        %ne3A_589 = arith.cmpi ne, %sign3A_581, %sign3A_588 : i32
        %rem3A_590 = arith.remsi %sub3A_572, %jit3A_573 : i32
        %ne3A_591 = arith.constant 0 : i32
        %ne3A_592 = arith.cmpi ne, %rem3A_590, %ne3A_591 : i32
        %and3A_593 = arith.andi %ne3A_589, %ne3A_592 : i1
        %sub3A_594 = arith.constant 1 : i32
        %sub3A_595 = arith.subi %div3A_574, %sub3A_594 : i32
        %select_n3A_596 = arith.select %and3A_593, %sub3A_595, %div3A_574 : i32
        %add3A_597 = arith.addi %mul3A_2, %select_n3A_596 : i32
        %jit3A_598 = arith.constant 4 : i32
        %eq3A_599 = arith.constant 0 : i32
        %eq3A_600 = arith.cmpi eq, %jit3A_598, %eq3A_599 : i32
        %jit3A_601 = arith.constant 1 : i32
        %select_n3A_602 = arith.select %eq3A_600, %jit3A_601, %jit3A_598 : i32
        %rem3A_603 = arith.remsi %sub3A_572, %select_n3A_602 : i32
        %ne3A_604 = arith.constant 0 : i32
        %ne3A_605 = arith.cmpi ne, %rem3A_603, %ne3A_604 : i32
        %lt3A_606 = arith.constant 0 : i32
        %lt3A_607 = arith.cmpi slt, %rem3A_603, %lt3A_606 : i32
        %lt3A_608 = arith.constant 0 : i32
        %lt3A_609 = arith.cmpi slt, %select_n3A_602, %lt3A_608 : i32
        %ne3A_610 = arith.xori %lt3A_607, %lt3A_609 : i1
        %and3A_611 = arith.andi %ne3A_610, %ne3A_605 : i1
        %add3A_612 = arith.addi %rem3A_603, %select_n3A_602 : i32
        %select_n3A_613 = arith.select %and3A_611, %add3A_612, %rem3A_603 : i32
        %mul3A_614 = arith.constant 128 : i32
        %mul3A_615 = arith.muli %select_n3A_613, %mul3A_614 : i32
        %get3A_616 = arith.index_cast %add3A_597 : i32 to index
        %get3A_617 = tpu.vector_load %arg5[%get3A_616] {strides = array<i32>} : memref<528xi32, #tpu.memory_space<vmem>>, vector<16xi32>,
        %get3A_618 = vector.shape_cast %get3A_617 : vector<16xi32> to vector<16xi32>
        %slice3A = vector.extract_strided_slice %get3A_618 {offsets = [0], sizes = [1], strides = [1]} : vector<16xi32> to vector<1xi32>
        %squeeze3A = vector.extract %slice3A[0] : i32 from vector<1xi32>
        %broadcast_in_dim3A_619 = vector.broadcast %squeeze3A : i32 to vector<16xi32>
        %add3A_620 = arith.constant 0 : i32
        %add3A_621 = arith.addi %mul3A_615, %add3A_620 : i32
        %get3A_622 = arith.index_cast %add3A_621 : i32 to index
        %get3A_623 = tpu.vector_load %arg5[%get3A_622] {strides = array<i32>} : memref<528xi32, #tpu.memory_space<vmem>>, vector<16xi32>,
        %get3A_624 = vector.shape_cast %get3A_623 : vector<16xi32> to vector<16xi32>
        %sub3A_625 = arith.subi %get3A_624, %broadcast_in_dim3A_619 : vector<16xi32>
        %add3A_626 = arith.constant 32 : i32
        %add3A_627 = vector.broadcast %add3A_626 : i32 to vector<16xi32>
        %add3A_628 = arith.addi %sub3A_625, %add3A_627 : vector<16xi32>
        %max3A = arith.constant 0 : i32
        %max3A_629 = vector.broadcast %max3A : i32 to vector<16xi32>
        %max3A_630 = arith.maxsi %add3A_628, %max3A_629 : vector<16xi32>
        %min3A = arith.constant 64 : i32
        %min3A_631 = vector.broadcast %min3A : i32 to vector<16xi32>
        %min3A_632 = arith.minsi %max3A_630, %min3A_631 : vector<16xi32>
        %swap3A_633 = arith.constant 2 : i32
        %swap3A_634 = arith.index_cast %swap3A_633 : i32 to index
        %swap3A_635 = arith.constant 0 : index
        %swap3A_636 = tpu.vector_load %arg6[%swap3A_634, %swap3A_635] {strides = array<i32>} : memref<5x128xi32, #tpu.memory_space<vmem>>, vector<1x16xi32>,
        %swap3A_637 = vector.shape_cast %swap3A_636 : vector<1x16xi32> to vector<16xi32>
        %swap3A_638 = vector.shape_cast %min3A_632 : vector<16xi32> to vector<1x16xi32>
        tpu.vector_store %arg6[%swap3A_634, %swap3A_635], %swap3A_638 {strides = array<i32>} : memref<5x128xi32, #tpu.memory_space<vmem>>, vector<1x16xi32>,
        %add3A_639 = arith.constant 16 : i32
        %add3A_640 = arith.addi %mul3A_615, %add3A_639 : i32
        %get3A_641 = arith.index_cast %add3A_640 : i32 to index
        %get3A_642 = tpu.vector_load %arg5[%get3A_641] {strides = array<i32>} : memref<528xi32, #tpu.memory_space<vmem>>, vector<16xi32>,
        %get3A_643 = vector.shape_cast %get3A_642 : vector<16xi32> to vector<16xi32>
        %sub3A_644 = arith.subi %get3A_643, %broadcast_in_dim3A_619 : vector<16xi32>
        %add3A_645 = arith.constant 32 : i32
        %add3A_646 = vector.broadcast %add3A_645 : i32 to vector<16xi32>
        %add3A_647 = arith.addi %sub3A_644, %add3A_646 : vector<16xi32>
        %max3A_648 = arith.constant 0 : i32
        %max3A_649 = vector.broadcast %max3A_648 : i32 to vector<16xi32>
        %max3A_650 = arith.maxsi %add3A_647, %max3A_649 : vector<16xi32>
        %min3A_651 = arith.constant 64 : i32
        %min3A_652 = vector.broadcast %min3A_651 : i32 to vector<16xi32>
        %min3A_653 = arith.minsi %max3A_650, %min3A_652 : vector<16xi32>
        %swap3A_654 = arith.constant 2 : i32
        %swap3A_655 = arith.index_cast %swap3A_654 : i32 to index
        %swap3A_656 = arith.constant 16 : index
        %swap3A_657 = tpu.vector_load %arg6[%swap3A_655, %swap3A_656] {strides = array<i32>} : memref<5x128xi32, #tpu.memory_space<vmem>>, vector<1x16xi32>,
        %swap3A_658 = vector.shape_cast %swap3A_657 : vector<1x16xi32> to vector<16xi32>
        %swap3A_659 = vector.shape_cast %min3A_653 : vector<16xi32> to vector<1x16xi32>
        tpu.vector_store %arg6[%swap3A_655, %swap3A_656], %swap3A_659 {strides = array<i32>} : memref<5x128xi32, #tpu.memory_space<vmem>>, vector<1x16xi32>,
        %add3A_660 = arith.constant 32 : i32
        %add3A_661 = arith.addi %mul3A_615, %add3A_660 : i32
        %get3A_662 = arith.index_cast %add3A_661 : i32 to index
        %get3A_663 = tpu.vector_load %arg5[%get3A_662] {strides = array<i32>} : memref<528xi32, #tpu.memory_space<vmem>>, vector<16xi32>,
        %get3A_664 = vector.shape_cast %get3A_663 : vector<16xi32> to vector<16xi32>
        %sub3A_665 = arith.subi %get3A_664, %broadcast_in_dim3A_619 : vector<16xi32>
        %add3A_666 = arith.constant 32 : i32
        %add3A_667 = vector.broadcast %add3A_666 : i32 to vector<16xi32>
        %add3A_668 = arith.addi %sub3A_665, %add3A_667 : vector<16xi32>
        %max3A_669 = arith.constant 0 : i32
        %max3A_670 = vector.broadcast %max3A_669 : i32 to vector<16xi32>
        %max3A_671 = arith.maxsi %add3A_668, %max3A_670 : vector<16xi32>
        %min3A_672 = arith.constant 64 : i32
        %min3A_673 = vector.broadcast %min3A_672 : i32 to vector<16xi32>
        %min3A_674 = arith.minsi %max3A_671, %min3A_673 : vector<16xi32>
        %swap3A_675 = arith.constant 2 : i32
        %swap3A_676 = arith.index_cast %swap3A_675 : i32 to index
        %swap3A_677 = arith.constant 32 : index
        %swap3A_678 = tpu.vector_load %arg6[%swap3A_676, %swap3A_677] {strides = array<i32>} : memref<5x128xi32, #tpu.memory_space<vmem>>, vector<1x16xi32>,
        %swap3A_679 = vector.shape_cast %swap3A_678 : vector<1x16xi32> to vector<16xi32>
        %swap3A_680 = vector.shape_cast %min3A_674 : vector<16xi32> to vector<1x16xi32>
        tpu.vector_store %arg6[%swap3A_676, %swap3A_677], %swap3A_680 {strides = array<i32>} : memref<5x128xi32, #tpu.memory_space<vmem>>, vector<1x16xi32>,
        %add3A_681 = arith.constant 48 : i32
        %add3A_682 = arith.addi %mul3A_615, %add3A_681 : i32
        %get3A_683 = arith.index_cast %add3A_682 : i32 to index
        %get3A_684 = tpu.vector_load %arg5[%get3A_683] {strides = array<i32>} : memref<528xi32, #tpu.memory_space<vmem>>, vector<16xi32>,
        %get3A_685 = vector.shape_cast %get3A_684 : vector<16xi32> to vector<16xi32>
        %sub3A_686 = arith.subi %get3A_685, %broadcast_in_dim3A_619 : vector<16xi32>
        %add3A_687 = arith.constant 32 : i32
        %add3A_688 = vector.broadcast %add3A_687 : i32 to vector<16xi32>
        %add3A_689 = arith.addi %sub3A_686, %add3A_688 : vector<16xi32>
        %max3A_690 = arith.constant 0 : i32
        %max3A_691 = vector.broadcast %max3A_690 : i32 to vector<16xi32>
        %max3A_692 = arith.maxsi %add3A_689, %max3A_691 : vector<16xi32>
        %min3A_693 = arith.constant 64 : i32
        %min3A_694 = vector.broadcast %min3A_693 : i32 to vector<16xi32>
        %min3A_695 = arith.minsi %max3A_692, %min3A_694 : vector<16xi32>
        %swap3A_696 = arith.constant 2 : i32
        %swap3A_697 = arith.index_cast %swap3A_696 : i32 to index
        %swap3A_698 = arith.constant 48 : index
        %swap3A_699 = tpu.vector_load %arg6[%swap3A_697, %swap3A_698] {strides = array<i32>} : memref<5x128xi32, #tpu.memory_space<vmem>>, vector<1x16xi32>,
        %swap3A_700 = vector.shape_cast %swap3A_699 : vector<1x16xi32> to vector<16xi32>
        %swap3A_701 = vector.shape_cast %min3A_695 : vector<16xi32> to vector<1x16xi32>
        tpu.vector_store %arg6[%swap3A_697, %swap3A_698], %swap3A_701 {strides = array<i32>} : memref<5x128xi32, #tpu.memory_space<vmem>>, vector<1x16xi32>,
        %add3A_702 = arith.constant 64 : i32
        %add3A_703 = arith.addi %mul3A_615, %add3A_702 : i32
        %get3A_704 = arith.index_cast %add3A_703 : i32 to index
        %get3A_705 = tpu.vector_load %arg5[%get3A_704] {strides = array<i32>} : memref<528xi32, #tpu.memory_space<vmem>>, vector<16xi32>,
        %get3A_706 = vector.shape_cast %get3A_705 : vector<16xi32> to vector<16xi32>
        %sub3A_707 = arith.subi %get3A_706, %broadcast_in_dim3A_619 : vector<16xi32>
        %add3A_708 = arith.constant 32 : i32
        %add3A_709 = vector.broadcast %add3A_708 : i32 to vector<16xi32>
        %add3A_710 = arith.addi %sub3A_707, %add3A_709 : vector<16xi32>
        %max3A_711 = arith.constant 0 : i32
        %max3A_712 = vector.broadcast %max3A_711 : i32 to vector<16xi32>
        %max3A_713 = arith.maxsi %add3A_710, %max3A_712 : vector<16xi32>
        %min3A_714 = arith.constant 64 : i32
        %min3A_715 = vector.broadcast %min3A_714 : i32 to vector<16xi32>
        %min3A_716 = arith.minsi %max3A_713, %min3A_715 : vector<16xi32>
        %swap3A_717 = arith.constant 2 : i32
        %swap3A_718 = arith.index_cast %swap3A_717 : i32 to index
        %swap3A_719 = arith.constant 64 : index
        %swap3A_720 = tpu.vector_load %arg6[%swap3A_718, %swap3A_719] {strides = array<i32>} : memref<5x128xi32, #tpu.memory_space<vmem>>, vector<1x16xi32>,
        %swap3A_721 = vector.shape_cast %swap3A_720 : vector<1x16xi32> to vector<16xi32>
        %swap3A_722 = vector.shape_cast %min3A_716 : vector<16xi32> to vector<1x16xi32>
        tpu.vector_store %arg6[%swap3A_718, %swap3A_719], %swap3A_722 {strides = array<i32>} : memref<5x128xi32, #tpu.memory_space<vmem>>, vector<1x16xi32>,
        %add3A_723 = arith.constant 80 : i32
        %add3A_724 = arith.addi %mul3A_615, %add3A_723 : i32
        %get3A_725 = arith.index_cast %add3A_724 : i32 to index
        %get3A_726 = tpu.vector_load %arg5[%get3A_725] {strides = array<i32>} : memref<528xi32, #tpu.memory_space<vmem>>, vector<16xi32>,
        %get3A_727 = vector.shape_cast %get3A_726 : vector<16xi32> to vector<16xi32>
        %sub3A_728 = arith.subi %get3A_727, %broadcast_in_dim3A_619 : vector<16xi32>
        %add3A_729 = arith.constant 32 : i32
        %add3A_730 = vector.broadcast %add3A_729 : i32 to vector<16xi32>
        %add3A_731 = arith.addi %sub3A_728, %add3A_730 : vector<16xi32>
        %max3A_732 = arith.constant 0 : i32
        %max3A_733 = vector.broadcast %max3A_732 : i32 to vector<16xi32>
        %max3A_734 = arith.maxsi %add3A_731, %max3A_733 : vector<16xi32>
        %min3A_735 = arith.constant 64 : i32
        %min3A_736 = vector.broadcast %min3A_735 : i32 to vector<16xi32>
        %min3A_737 = arith.minsi %max3A_734, %min3A_736 : vector<16xi32>
        %swap3A_738 = arith.constant 2 : i32
        %swap3A_739 = arith.index_cast %swap3A_738 : i32 to index
        %swap3A_740 = arith.constant 80 : index
        %swap3A_741 = tpu.vector_load %arg6[%swap3A_739, %swap3A_740] {strides = array<i32>} : memref<5x128xi32, #tpu.memory_space<vmem>>, vector<1x16xi32>,
        %swap3A_742 = vector.shape_cast %swap3A_741 : vector<1x16xi32> to vector<16xi32>
        %swap3A_743 = vector.shape_cast %min3A_737 : vector<16xi32> to vector<1x16xi32>
        tpu.vector_store %arg6[%swap3A_739, %swap3A_740], %swap3A_743 {strides = array<i32>} : memref<5x128xi32, #tpu.memory_space<vmem>>, vector<1x16xi32>,
        %add3A_744 = arith.constant 96 : i32
        %add3A_745 = arith.addi %mul3A_615, %add3A_744 : i32
        %get3A_746 = arith.index_cast %add3A_745 : i32 to index
        %get3A_747 = tpu.vector_load %arg5[%get3A_746] {strides = array<i32>} : memref<528xi32, #tpu.memory_space<vmem>>, vector<16xi32>,
        %get3A_748 = vector.shape_cast %get3A_747 : vector<16xi32> to vector<16xi32>
        %sub3A_749 = arith.subi %get3A_748, %broadcast_in_dim3A_619 : vector<16xi32>
        %add3A_750 = arith.constant 32 : i32
        %add3A_751 = vector.broadcast %add3A_750 : i32 to vector<16xi32>
        %add3A_752 = arith.addi %sub3A_749, %add3A_751 : vector<16xi32>
        %max3A_753 = arith.constant 0 : i32
        %max3A_754 = vector.broadcast %max3A_753 : i32 to vector<16xi32>
        %max3A_755 = arith.maxsi %add3A_752, %max3A_754 : vector<16xi32>
        %min3A_756 = arith.constant 64 : i32
        %min3A_757 = vector.broadcast %min3A_756 : i32 to vector<16xi32>
        %min3A_758 = arith.minsi %max3A_755, %min3A_757 : vector<16xi32>
        %swap3A_759 = arith.constant 2 : i32
        %swap3A_760 = arith.index_cast %swap3A_759 : i32 to index
        %swap3A_761 = arith.constant 96 : index
        %swap3A_762 = tpu.vector_load %arg6[%swap3A_760, %swap3A_761] {strides = array<i32>} : memref<5x128xi32, #tpu.memory_space<vmem>>, vector<1x16xi32>,
        %swap3A_763 = vector.shape_cast %swap3A_762 : vector<1x16xi32> to vector<16xi32>
        %swap3A_764 = vector.shape_cast %min3A_758 : vector<16xi32> to vector<1x16xi32>
        tpu.vector_store %arg6[%swap3A_760, %swap3A_761], %swap3A_764 {strides = array<i32>} : memref<5x128xi32, #tpu.memory_space<vmem>>, vector<1x16xi32>,
        %add3A_765 = arith.constant 112 : i32
        %add3A_766 = arith.addi %mul3A_615, %add3A_765 : i32
        %get3A_767 = arith.index_cast %add3A_766 : i32 to index
        %get3A_768 = tpu.vector_load %arg5[%get3A_767] {strides = array<i32>} : memref<528xi32, #tpu.memory_space<vmem>>, vector<16xi32>,
        %get3A_769 = vector.shape_cast %get3A_768 : vector<16xi32> to vector<16xi32>
        %sub3A_770 = arith.subi %get3A_769, %broadcast_in_dim3A_619 : vector<16xi32>
        %add3A_771 = arith.constant 32 : i32
        %add3A_772 = vector.broadcast %add3A_771 : i32 to vector<16xi32>
        %add3A_773 = arith.addi %sub3A_770, %add3A_772 : vector<16xi32>
        %max3A_774 = arith.constant 0 : i32
        %max3A_775 = vector.broadcast %max3A_774 : i32 to vector<16xi32>
        %max3A_776 = arith.maxsi %add3A_773, %max3A_775 : vector<16xi32>
        %min3A_777 = arith.constant 64 : i32
        %min3A_778 = vector.broadcast %min3A_777 : i32 to vector<16xi32>
        %min3A_779 = arith.minsi %max3A_776, %min3A_778 : vector<16xi32>
        %swap3A_780 = arith.constant 2 : i32
        %swap3A_781 = arith.index_cast %swap3A_780 : i32 to index
        %swap3A_782 = arith.constant 112 : index
        %swap3A_783 = tpu.vector_load %arg6[%swap3A_781, %swap3A_782] {strides = array<i32>} : memref<5x128xi32, #tpu.memory_space<vmem>>, vector<1x16xi32>,
        %swap3A_784 = vector.shape_cast %swap3A_783 : vector<1x16xi32> to vector<16xi32>
        %swap3A_785 = vector.shape_cast %min3A_779 : vector<16xi32> to vector<1x16xi32>
        tpu.vector_store %arg6[%swap3A_781, %swap3A_782], %swap3A_785 {strides = array<i32>} : memref<5x128xi32, #tpu.memory_space<vmem>>, vector<1x16xi32>,
        %dma_start3A_786 = arith.constant 2 : i32
        %dma_start3A_787 = arith.constant 1 : i32
        %dma_start3A_788 = arith.constant 0 : i32
        %dma_start3A_789 = arith.constant 0 : i32
        %dma_start3A_790 = tpu.memref_slice %arg7[%dma_start3A_787, %dma_start3A_788, %dma_start3A_789] : memref<4x128x128xf32, #tpu.memory_space<vmem>> -> memref<1x128x128xf32, #tpu.memory_space<vmem>>
        %dma_start3A_791 = tpu.memref_squeeze %dma_start3A_790 : memref<1x128x128xf32, #tpu.memory_space<vmem>> -> memref<128x128xf32, #tpu.memory_space<vmem>>
        %dma_start3A_792 = arith.constant 0 : i32
        %dma_start3A_793 = tpu.memref_slice %arg6[%dma_start3A_786, %dma_start3A_792] : memref<5x128xi32, #tpu.memory_space<vmem>> -> memref<1x128xi32, #tpu.memory_space<vmem>>
        %dma_start3A_794 = tpu.memref_squeeze %dma_start3A_793 : memref<1x128xi32, #tpu.memory_space<vmem>> -> memref<128xi32, #tpu.memory_space<vmem>>
        %dma_start3A_795 = arith.constant 0 : i32
        %dma_start3A_796 = arith.constant 0 : i32
        %dma_start3A_797 = tpu.memref_slice %arg8[%dma_start3A_795, %dma_start3A_796] : memref<65x128xf32, #tpu.memory_space<vmem_shared>> -> memref<65x128xf32, #tpu.memory_space<vmem_shared>>
        tpu.enqueue_indirect_dma source(%dma_start3A_797 : memref<65x128xf32, #tpu.memory_space<vmem_shared>>) target(%dma_start3A_791 : memref<128x128xf32, #tpu.memory_space<vmem>>) offsets(%dma_start3A_794 : memref<128xi32, #tpu.memory_space<vmem>>) semaphore(%arg13 : memref<!tpu.dma_semaphore, #tpu.memory_space<semaphore_mem>>)
      } else {
      }
      %mul3A_475 = arith.constant 4 : i32
      %mul3A_476 = arith.muli %mul3A_475, %scan3A_202 : i32
      %add3A_477 = arith.constant 3 : i32
      %add3A_478 = arith.addi %mul3A_476, %add3A_477 : i32
      %get3A_479 = arith.index_cast %add3A_478 : i32 to index
      %get3A_480 = memref.load %arg10[%get3A_479] : memref<68xi32, #tpu.memory_space<smem>>
      %eq3A_481 = arith.constant 0 : i32
      %eq3A_482 = arith.cmpi eq, %get3A_480, %eq3A_481 : i32
      %convert_element_type3A_483 = arith.extui %eq3A_482 : i1 to i32
      %cond3A_484 = arith.constant 0 : i32
      %cond3A_485 = arith.cmpi ne, %convert_element_type3A_483, %cond3A_484 : i32
      scf.if %cond3A_485 {
        %dma_wait3A_569 = arith.constant 4 : i32
        %dma_wait3A_570 = arith.constant 3 : i32
        %dma_wait3A_571 = arith.constant 0 : i32
        %dma_wait3A_572 = arith.constant 0 : i32
        %dma_wait3A_573 = tpu.memref_slice %arg7[%dma_wait3A_570, %dma_wait3A_571, %dma_wait3A_572] : memref<4x128x128xf32, #tpu.memory_space<vmem>> -> memref<1x128x128xf32, #tpu.memory_space<vmem>>
        %dma_wait3A_574 = tpu.memref_squeeze %dma_wait3A_573 : memref<1x128x128xf32, #tpu.memory_space<vmem>> -> memref<128x128xf32, #tpu.memory_space<vmem>>
        %dma_wait3A_575 = arith.constant 0 : i32
        %dma_wait3A_576 = tpu.memref_slice %arg6[%dma_wait3A_569, %dma_wait3A_575] : memref<5x128xi32, #tpu.memory_space<vmem>> -> memref<1x128xi32, #tpu.memory_space<vmem>>
        %dma_wait3A_577 = tpu.memref_squeeze %dma_wait3A_576 : memref<1x128xi32, #tpu.memory_space<vmem>> -> memref<128xi32, #tpu.memory_space<vmem>>
        %dma_wait3A_578 = arith.constant 0 : i32
        %dma_wait3A_579 = arith.constant 0 : i32
        %dma_wait3A_580 = tpu.memref_slice %arg8[%dma_wait3A_578, %dma_wait3A_579] : memref<65x128xf32, #tpu.memory_space<vmem_shared>> -> memref<65x128xf32, #tpu.memory_space<vmem_shared>>
        tpu.wait_indirect_dma semaphore(%arg15 : memref<!tpu.dma_semaphore, #tpu.memory_space<semaphore_mem>>) src(%dma_wait3A_580 : memref<65x128xf32, #tpu.memory_space<vmem_shared>>) dst(%dma_wait3A_574 : memref<128x128xf32, #tpu.memory_space<vmem>>)
      } else {
      }
      %jit3A_486 = arith.constant 4 : i32
      %div3A_487 = arith.divsi %add3A_478, %jit3A_486 : i32
      %sign3A_488 = arith.constant 0 : i32
      %sign3A_489 = arith.cmpi sgt, %add3A_478, %sign3A_488 : i32
      %sign3A_490 = arith.extui %sign3A_489 : i1 to i32
      %sign3A_491 = arith.constant 0 : i32
      %sign3A_492 = arith.cmpi slt, %add3A_478, %sign3A_491 : i32
      %sign3A_493 = arith.extui %sign3A_492 : i1 to i32
      %sign3A_494 = arith.subi %sign3A_490, %sign3A_493 : i32
      %sign3A_495 = arith.constant 0 : i32
      %sign3A_496 = arith.cmpi sgt, %jit3A_486, %sign3A_495 : i32
      %sign3A_497 = arith.extui %sign3A_496 : i1 to i32
      %sign3A_498 = arith.constant 0 : i32
      %sign3A_499 = arith.cmpi slt, %jit3A_486, %sign3A_498 : i32
      %sign3A_500 = arith.extui %sign3A_499 : i1 to i32
      %sign3A_501 = arith.subi %sign3A_497, %sign3A_500 : i32
      %ne3A_502 = arith.cmpi ne, %sign3A_494, %sign3A_501 : i32
      %rem3A_503 = arith.remsi %add3A_478, %jit3A_486 : i32
      %ne3A_504 = arith.constant 0 : i32
      %ne3A_505 = arith.cmpi ne, %rem3A_503, %ne3A_504 : i32
      %and3A_506 = arith.andi %ne3A_502, %ne3A_505 : i1
      %sub3A_507 = arith.constant 1 : i32
      %sub3A_508 = arith.subi %div3A_487, %sub3A_507 : i32
      %select_n3A_509 = arith.select %and3A_506, %sub3A_508, %div3A_487 : i32
      %add3A_510 = arith.addi %mul3A_2, %select_n3A_509 : i32
      %mul3A_511 = arith.constant 512 : i32
      %mul3A_512 = arith.muli %add3A_510, %mul3A_511 : i32
      %jit3A_513 = arith.constant 4 : i32
      %eq3A_514 = arith.constant 0 : i32
      %eq3A_515 = arith.cmpi eq, %jit3A_513, %eq3A_514 : i32
      %jit3A_516 = arith.constant 1 : i32
      %select_n3A_517 = arith.select %eq3A_515, %jit3A_516, %jit3A_513 : i32
      %rem3A_518 = arith.remsi %add3A_478, %select_n3A_517 : i32
      %ne3A_519 = arith.constant 0 : i32
      %ne3A_520 = arith.cmpi ne, %rem3A_518, %ne3A_519 : i32
      %lt3A_521 = arith.constant 0 : i32
      %lt3A_522 = arith.cmpi slt, %rem3A_518, %lt3A_521 : i32
      %lt3A_523 = arith.constant 0 : i32
      %lt3A_524 = arith.cmpi slt, %select_n3A_517, %lt3A_523 : i32
      %ne3A_525 = arith.xori %lt3A_522, %lt3A_524 : i1
      %and3A_526 = arith.andi %ne3A_525, %ne3A_520 : i1
      %add3A_527 = arith.addi %rem3A_518, %select_n3A_517 : i32
      %select_n3A_528 = arith.select %and3A_526, %add3A_527, %rem3A_518 : i32
      %mul3A_529 = arith.constant 128 : i32
      %mul3A_530 = arith.muli %select_n3A_528, %mul3A_529 : i32
      %add3A_531 = arith.addi %mul3A_512, %mul3A_530 : i32
      %get3A_532 = arith.index_cast %add3A_478 : i32 to index
      %get3A_533 = memref.load %arg10[%get3A_532] : memref<68xi32, #tpu.memory_space<smem>>
      %eq3A_534 = arith.constant 1 : i32
      %eq3A_535 = arith.cmpi eq, %get3A_533, %eq3A_534 : i32
      %convert_element_type3A_536 = arith.extui %eq3A_535 : i1 to i32
      %cond3A_537 = arith.constant 0 : i32
      %cond3A_538 = arith.cmpi ne, %convert_element_type3A_536, %cond3A_537 : i32
      scf.if %cond3A_538 {
        %get3A_569 = arith.index_cast %add3A_478 : i32 to index
        %get3A_570 = memref.load %arg11[%get3A_569] : memref<64xi32, #tpu.memory_space<smem>>
        %dma_start3A_571 = arith.constant 0 : i32
        %dma_start3A_572 = arith.constant 0 : i32
        %dma_start3A_573 = tpu.memref_slice %arg9[%get3A_570, %dma_start3A_571, %dma_start3A_572] : memref<2x128x128xf32, #tpu.memory_space<vmem>> -> memref<1x128x128xf32, #tpu.memory_space<vmem>>
        %dma_start3A_574 = tpu.memref_squeeze %dma_start3A_573 : memref<1x128x128xf32, #tpu.memory_space<vmem>> -> memref<128x128xf32, #tpu.memory_space<vmem>>
        %dma_start3A_575 = arith.constant 0 : i32
        %dma_start3A_576 = tpu.memref_slice %arg4[%add3A_531, %dma_start3A_575] : memref<262144x128xf32, #tpu.memory_space<hbm>> -> memref<128x128xf32, #tpu.memory_space<hbm>>
        %dma_start3A_577 = arith.constant 0 : i32
        %dma_start3A_578 = tpu.memref_slice %arg4[%add3A_531, %dma_start3A_577] : memref<262144x128xf32, #tpu.memory_space<hbm>> -> memref<128x128xf32, #tpu.memory_space<hbm>>
        %dma_start3A_579 = arith.constant 0 : i32
        %dma_start3A_580 = arith.constant 0 : i32
        %dma_start3A_581 = tpu.memref_slice %arg9[%get3A_570, %dma_start3A_579, %dma_start3A_580] : memref<2x128x128xf32, #tpu.memory_space<vmem>> -> memref<1x128x128xf32, #tpu.memory_space<vmem>>
        %dma_start3A_582 = tpu.memref_squeeze %dma_start3A_581 : memref<1x128x128xf32, #tpu.memory_space<vmem>> -> memref<128x128xf32, #tpu.memory_space<vmem>>
        tpu.enqueue_dma source(%dma_start3A_582 : memref<128x128xf32, #tpu.memory_space<vmem>>) target(%dma_start3A_578 : memref<128x128xf32, #tpu.memory_space<hbm>>) target_semaphore(%arg19 : memref<!tpu.dma_semaphore, #tpu.memory_space<semaphore_mem>>)
      } else {
      }
      %get3A_539 = arith.index_cast %add3A_478 : i32 to index
      %get3A_540 = memref.load %arg10[%get3A_539] : memref<68xi32, #tpu.memory_space<smem>>
      %eq3A_541 = arith.constant 0 : i32
      %eq3A_542 = arith.cmpi eq, %get3A_540, %eq3A_541 : i32
      %convert_element_type3A_543 = arith.extui %eq3A_542 : i1 to i32
      %cond3A_544 = arith.constant 0 : i32
      %cond3A_545 = arith.cmpi ne, %convert_element_type3A_543, %cond3A_544 : i32
      scf.if %cond3A_545 {
        %dma_start3A_569 = arith.constant 3 : i32
        %dma_start3A_570 = arith.constant 0 : i32
        %dma_start3A_571 = arith.constant 0 : i32
        %dma_start3A_572 = tpu.memref_slice %arg7[%dma_start3A_569, %dma_start3A_570, %dma_start3A_571] : memref<4x128x128xf32, #tpu.memory_space<vmem>> -> memref<1x128x128xf32, #tpu.memory_space<vmem>>
        %dma_start3A_573 = tpu.memref_squeeze %dma_start3A_572 : memref<1x128x128xf32, #tpu.memory_space<vmem>> -> memref<128x128xf32, #tpu.memory_space<vmem>>
        %dma_start3A_574 = arith.constant 0 : i32
        %dma_start3A_575 = tpu.memref_slice %arg4[%add3A_531, %dma_start3A_574] : memref<262144x128xf32, #tpu.memory_space<hbm>> -> memref<128x128xf32, #tpu.memory_space<hbm>>
        %dma_start3A_576 = arith.constant 0 : i32
        %dma_start3A_577 = tpu.memref_slice %arg4[%add3A_531, %dma_start3A_576] : memref<262144x128xf32, #tpu.memory_space<hbm>> -> memref<128x128xf32, #tpu.memory_space<hbm>>
        %dma_start3A_578 = arith.constant 0 : i32
        %dma_start3A_579 = arith.constant 0 : i32
        %dma_start3A_580 = tpu.memref_slice %arg7[%dma_start3A_569, %dma_start3A_578, %dma_start3A_579] : memref<4x128x128xf32, #tpu.memory_space<vmem>> -> memref<1x128x128xf32, #tpu.memory_space<vmem>>
        %dma_start3A_581 = tpu.memref_squeeze %dma_start3A_580 : memref<1x128x128xf32, #tpu.memory_space<vmem>> -> memref<128x128xf32, #tpu.memory_space<vmem>>
        tpu.enqueue_dma source(%dma_start3A_581 : memref<128x128xf32, #tpu.memory_space<vmem>>) target(%dma_start3A_577 : memref<128x128xf32, #tpu.memory_space<hbm>>) target_semaphore(%arg19 : memref<!tpu.dma_semaphore, #tpu.memory_space<semaphore_mem>>)
      } else {
      }
      %gt3A_546 = arith.constant 0 : i32
      %gt3A_547 = arith.cmpi sgt, %add3A_478, %gt3A_546 : i32
      %convert_element_type3A_548 = arith.extui %gt3A_547 : i1 to i32
      %cond3A_549 = arith.constant 0 : i32
      %cond3A_550 = arith.cmpi ne, %convert_element_type3A_548, %cond3A_549 : i32
      scf.if %cond3A_550 {
        %sub3A_569 = arith.constant 1 : i32
        %sub3A_570 = arith.subi %add3A_478, %sub3A_569 : i32
        %jit3A_571 = arith.constant 4 : i32
        %div3A_572 = arith.divsi %sub3A_570, %jit3A_571 : i32
        %sign3A_573 = arith.constant 0 : i32
        %sign3A_574 = arith.cmpi sgt, %sub3A_570, %sign3A_573 : i32
        %sign3A_575 = arith.extui %sign3A_574 : i1 to i32
        %sign3A_576 = arith.constant 0 : i32
        %sign3A_577 = arith.cmpi slt, %sub3A_570, %sign3A_576 : i32
        %sign3A_578 = arith.extui %sign3A_577 : i1 to i32
        %sign3A_579 = arith.subi %sign3A_575, %sign3A_578 : i32
        %sign3A_580 = arith.constant 0 : i32
        %sign3A_581 = arith.cmpi sgt, %jit3A_571, %sign3A_580 : i32
        %sign3A_582 = arith.extui %sign3A_581 : i1 to i32
        %sign3A_583 = arith.constant 0 : i32
        %sign3A_584 = arith.cmpi slt, %jit3A_571, %sign3A_583 : i32
        %sign3A_585 = arith.extui %sign3A_584 : i1 to i32
        %sign3A_586 = arith.subi %sign3A_582, %sign3A_585 : i32
        %ne3A_587 = arith.cmpi ne, %sign3A_579, %sign3A_586 : i32
        %rem3A_588 = arith.remsi %sub3A_570, %jit3A_571 : i32
        %ne3A_589 = arith.constant 0 : i32
        %ne3A_590 = arith.cmpi ne, %rem3A_588, %ne3A_589 : i32
        %and3A_591 = arith.andi %ne3A_587, %ne3A_590 : i1
        %sub3A_592 = arith.constant 1 : i32
        %sub3A_593 = arith.subi %div3A_572, %sub3A_592 : i32
        %select_n3A_594 = arith.select %and3A_591, %sub3A_593, %div3A_572 : i32
        %add3A_595 = arith.addi %mul3A_2, %select_n3A_594 : i32
        %mul3A_596 = arith.constant 512 : i32
        %mul3A_597 = arith.muli %add3A_595, %mul3A_596 : i32
        %jit3A_598 = arith.constant 4 : i32
        %eq3A_599 = arith.constant 0 : i32
        %eq3A_600 = arith.cmpi eq, %jit3A_598, %eq3A_599 : i32
        %jit3A_601 = arith.constant 1 : i32
        %select_n3A_602 = arith.select %eq3A_600, %jit3A_601, %jit3A_598 : i32
        %rem3A_603 = arith.remsi %sub3A_570, %select_n3A_602 : i32
        %ne3A_604 = arith.constant 0 : i32
        %ne3A_605 = arith.cmpi ne, %rem3A_603, %ne3A_604 : i32
        %lt3A_606 = arith.constant 0 : i32
        %lt3A_607 = arith.cmpi slt, %rem3A_603, %lt3A_606 : i32
        %lt3A_608 = arith.constant 0 : i32
        %lt3A_609 = arith.cmpi slt, %select_n3A_602, %lt3A_608 : i32
        %ne3A_610 = arith.xori %lt3A_607, %lt3A_609 : i1
        %and3A_611 = arith.andi %ne3A_610, %ne3A_605 : i1
        %add3A_612 = arith.addi %rem3A_603, %select_n3A_602 : i32
        %select_n3A_613 = arith.select %and3A_611, %add3A_612, %rem3A_603 : i32
        %mul3A_614 = arith.constant 128 : i32
        %mul3A_615 = arith.muli %select_n3A_613, %mul3A_614 : i32
        %add3A_616 = arith.addi %mul3A_597, %mul3A_615 : i32
        %dma_wait3A_617 = arith.constant 2 : i32
        %dma_wait3A_618 = arith.constant 0 : i32
        %dma_wait3A_619 = arith.constant 0 : i32
        %dma_wait3A_620 = tpu.memref_slice %arg7[%dma_wait3A_617, %dma_wait3A_618, %dma_wait3A_619] : memref<4x128x128xf32, #tpu.memory_space<vmem>> -> memref<1x128x128xf32, #tpu.memory_space<vmem>>
        %dma_wait3A_621 = tpu.memref_squeeze %dma_wait3A_620 : memref<1x128x128xf32, #tpu.memory_space<vmem>> -> memref<128x128xf32, #tpu.memory_space<vmem>>
        %dma_wait3A_622 = arith.constant 0 : i32
        %dma_wait3A_623 = tpu.memref_slice %arg4[%add3A_616, %dma_wait3A_622] : memref<262144x128xf32, #tpu.memory_space<hbm>> -> memref<128x128xf32, #tpu.memory_space<hbm>>
        %dma_wait3A_624 = arith.constant 0 : i32
        %dma_wait3A_625 = tpu.memref_slice %arg4[%add3A_616, %dma_wait3A_624] : memref<262144x128xf32, #tpu.memory_space<hbm>> -> memref<128x128xf32, #tpu.memory_space<hbm>>
        %dma_wait3A_626 = arith.constant 0 : i32
        %dma_wait3A_627 = arith.constant 0 : i32
        %dma_wait3A_628 = tpu.memref_slice %arg7[%dma_wait3A_617, %dma_wait3A_626, %dma_wait3A_627] : memref<4x128x128xf32, #tpu.memory_space<vmem>> -> memref<1x128x128xf32, #tpu.memory_space<vmem>>
        %dma_wait3A_629 = tpu.memref_squeeze %dma_wait3A_628 : memref<1x128x128xf32, #tpu.memory_space<vmem>> -> memref<128x128xf32, #tpu.memory_space<vmem>>
        tpu.wait_dma2 semaphore(%arg18 : memref<!tpu.dma_semaphore, #tpu.memory_space<semaphore_mem>>) src(%dma_wait3A_629 : memref<128x128xf32, #tpu.memory_space<vmem>>) dst(%dma_wait3A_625 : memref<128x128xf32, #tpu.memory_space<hbm>>)
      } else {
      }
      %add3A_551 = arith.constant 4 : i32
      %add3A_552 = arith.addi %add3A_478, %add3A_551 : i32
      %sub3A_553 = arith.constant 1 : i32
      %sub3A_554 = arith.subi %add3A_552, %sub3A_553 : i32
      %lt3A_555 = arith.constant 64 : i32
      %lt3A_556 = arith.cmpi slt, %sub3A_554, %lt3A_555 : i32
      %add3A_557 = arith.constant 4 : i32
      %add3A_558 = arith.addi %add3A_478, %add3A_557 : i32
      %sub3A_559 = arith.constant 1 : i32
      %sub3A_560 = arith.subi %add3A_558, %sub3A_559 : i32
      %get3A_561 = arith.index_cast %sub3A_560 : i32 to index
      %get3A_562 = memref.load %arg10[%get3A_561] : memref<68xi32, #tpu.memory_space<smem>>
      %eq3A_563 = arith.constant 0 : i32
      %eq3A_564 = arith.cmpi eq, %get3A_562, %eq3A_563 : i32
      %and3A_565 = arith.andi %lt3A_556, %eq3A_564 : i1
      %convert_element_type3A_566 = arith.extui %and3A_565 : i1 to i32
      %cond3A_567 = arith.constant 0 : i32
      %cond3A_568 = arith.cmpi ne, %convert_element_type3A_566, %cond3A_567 : i32
      scf.if %cond3A_568 {
        %add3A_569 = arith.constant 4 : i32
        %add3A_570 = arith.addi %add3A_478, %add3A_569 : i32
        %sub3A_571 = arith.constant 1 : i32
        %sub3A_572 = arith.subi %add3A_570, %sub3A_571 : i32
        %jit3A_573 = arith.constant 4 : i32
        %div3A_574 = arith.divsi %sub3A_572, %jit3A_573 : i32
        %sign3A_575 = arith.constant 0 : i32
        %sign3A_576 = arith.cmpi sgt, %sub3A_572, %sign3A_575 : i32
        %sign3A_577 = arith.extui %sign3A_576 : i1 to i32
        %sign3A_578 = arith.constant 0 : i32
        %sign3A_579 = arith.cmpi slt, %sub3A_572, %sign3A_578 : i32
        %sign3A_580 = arith.extui %sign3A_579 : i1 to i32
        %sign3A_581 = arith.subi %sign3A_577, %sign3A_580 : i32
        %sign3A_582 = arith.constant 0 : i32
        %sign3A_583 = arith.cmpi sgt, %jit3A_573, %sign3A_582 : i32
        %sign3A_584 = arith.extui %sign3A_583 : i1 to i32
        %sign3A_585 = arith.constant 0 : i32
        %sign3A_586 = arith.cmpi slt, %jit3A_573, %sign3A_585 : i32
        %sign3A_587 = arith.extui %sign3A_586 : i1 to i32
        %sign3A_588 = arith.subi %sign3A_584, %sign3A_587 : i32
        %ne3A_589 = arith.cmpi ne, %sign3A_581, %sign3A_588 : i32
        %rem3A_590 = arith.remsi %sub3A_572, %jit3A_573 : i32
        %ne3A_591 = arith.constant 0 : i32
        %ne3A_592 = arith.cmpi ne, %rem3A_590, %ne3A_591 : i32
        %and3A_593 = arith.andi %ne3A_589, %ne3A_592 : i1
        %sub3A_594 = arith.constant 1 : i32
        %sub3A_595 = arith.subi %div3A_574, %sub3A_594 : i32
        %select_n3A_596 = arith.select %and3A_593, %sub3A_595, %div3A_574 : i32
        %add3A_597 = arith.addi %mul3A_2, %select_n3A_596 : i32
        %jit3A_598 = arith.constant 4 : i32
        %eq3A_599 = arith.constant 0 : i32
        %eq3A_600 = arith.cmpi eq, %jit3A_598, %eq3A_599 : i32
        %jit3A_601 = arith.constant 1 : i32
        %select_n3A_602 = arith.select %eq3A_600, %jit3A_601, %jit3A_598 : i32
        %rem3A_603 = arith.remsi %sub3A_572, %select_n3A_602 : i32
        %ne3A_604 = arith.constant 0 : i32
        %ne3A_605 = arith.cmpi ne, %rem3A_603, %ne3A_604 : i32
        %lt3A_606 = arith.constant 0 : i32
        %lt3A_607 = arith.cmpi slt, %rem3A_603, %lt3A_606 : i32
        %lt3A_608 = arith.constant 0 : i32
        %lt3A_609 = arith.cmpi slt, %select_n3A_602, %lt3A_608 : i32
        %ne3A_610 = arith.xori %lt3A_607, %lt3A_609 : i1
        %and3A_611 = arith.andi %ne3A_610, %ne3A_605 : i1
        %add3A_612 = arith.addi %rem3A_603, %select_n3A_602 : i32
        %select_n3A_613 = arith.select %and3A_611, %add3A_612, %rem3A_603 : i32
        %mul3A_614 = arith.constant 128 : i32
        %mul3A_615 = arith.muli %select_n3A_613, %mul3A_614 : i32
        %get3A_616 = arith.index_cast %add3A_597 : i32 to index
        %get3A_617 = tpu.vector_load %arg5[%get3A_616] {strides = array<i32>} : memref<528xi32, #tpu.memory_space<vmem>>, vector<16xi32>,
        %get3A_618 = vector.shape_cast %get3A_617 : vector<16xi32> to vector<16xi32>
        %slice3A = vector.extract_strided_slice %get3A_618 {offsets = [0], sizes = [1], strides = [1]} : vector<16xi32> to vector<1xi32>
        %squeeze3A = vector.extract %slice3A[0] : i32 from vector<1xi32>
        %broadcast_in_dim3A_619 = vector.broadcast %squeeze3A : i32 to vector<16xi32>
        %add3A_620 = arith.constant 0 : i32
        %add3A_621 = arith.addi %mul3A_615, %add3A_620 : i32
        %get3A_622 = arith.index_cast %add3A_621 : i32 to index
        %get3A_623 = tpu.vector_load %arg5[%get3A_622] {strides = array<i32>} : memref<528xi32, #tpu.memory_space<vmem>>, vector<16xi32>,
        %get3A_624 = vector.shape_cast %get3A_623 : vector<16xi32> to vector<16xi32>
        %sub3A_625 = arith.subi %get3A_624, %broadcast_in_dim3A_619 : vector<16xi32>
        %add3A_626 = arith.constant 32 : i32
        %add3A_627 = vector.broadcast %add3A_626 : i32 to vector<16xi32>
        %add3A_628 = arith.addi %sub3A_625, %add3A_627 : vector<16xi32>
        %max3A = arith.constant 0 : i32
        %max3A_629 = vector.broadcast %max3A : i32 to vector<16xi32>
        %max3A_630 = arith.maxsi %add3A_628, %max3A_629 : vector<16xi32>
        %min3A = arith.constant 64 : i32
        %min3A_631 = vector.broadcast %min3A : i32 to vector<16xi32>
        %min3A_632 = arith.minsi %max3A_630, %min3A_631 : vector<16xi32>
        %swap3A_633 = arith.constant 3 : i32
        %swap3A_634 = arith.index_cast %swap3A_633 : i32 to index
        %swap3A_635 = arith.constant 0 : index
        %swap3A_636 = tpu.vector_load %arg6[%swap3A_634, %swap3A_635] {strides = array<i32>} : memref<5x128xi32, #tpu.memory_space<vmem>>, vector<1x16xi32>,
        %swap3A_637 = vector.shape_cast %swap3A_636 : vector<1x16xi32> to vector<16xi32>
        %swap3A_638 = vector.shape_cast %min3A_632 : vector<16xi32> to vector<1x16xi32>
        tpu.vector_store %arg6[%swap3A_634, %swap3A_635], %swap3A_638 {strides = array<i32>} : memref<5x128xi32, #tpu.memory_space<vmem>>, vector<1x16xi32>,
        %add3A_639 = arith.constant 16 : i32
        %add3A_640 = arith.addi %mul3A_615, %add3A_639 : i32
        %get3A_641 = arith.index_cast %add3A_640 : i32 to index
        %get3A_642 = tpu.vector_load %arg5[%get3A_641] {strides = array<i32>} : memref<528xi32, #tpu.memory_space<vmem>>, vector<16xi32>,
        %get3A_643 = vector.shape_cast %get3A_642 : vector<16xi32> to vector<16xi32>
        %sub3A_644 = arith.subi %get3A_643, %broadcast_in_dim3A_619 : vector<16xi32>
        %add3A_645 = arith.constant 32 : i32
        %add3A_646 = vector.broadcast %add3A_645 : i32 to vector<16xi32>
        %add3A_647 = arith.addi %sub3A_644, %add3A_646 : vector<16xi32>
        %max3A_648 = arith.constant 0 : i32
        %max3A_649 = vector.broadcast %max3A_648 : i32 to vector<16xi32>
        %max3A_650 = arith.maxsi %add3A_647, %max3A_649 : vector<16xi32>
        %min3A_651 = arith.constant 64 : i32
        %min3A_652 = vector.broadcast %min3A_651 : i32 to vector<16xi32>
        %min3A_653 = arith.minsi %max3A_650, %min3A_652 : vector<16xi32>
        %swap3A_654 = arith.constant 3 : i32
        %swap3A_655 = arith.index_cast %swap3A_654 : i32 to index
        %swap3A_656 = arith.constant 16 : index
        %swap3A_657 = tpu.vector_load %arg6[%swap3A_655, %swap3A_656] {strides = array<i32>} : memref<5x128xi32, #tpu.memory_space<vmem>>, vector<1x16xi32>,
        %swap3A_658 = vector.shape_cast %swap3A_657 : vector<1x16xi32> to vector<16xi32>
        %swap3A_659 = vector.shape_cast %min3A_653 : vector<16xi32> to vector<1x16xi32>
        tpu.vector_store %arg6[%swap3A_655, %swap3A_656], %swap3A_659 {strides = array<i32>} : memref<5x128xi32, #tpu.memory_space<vmem>>, vector<1x16xi32>,
        %add3A_660 = arith.constant 32 : i32
        %add3A_661 = arith.addi %mul3A_615, %add3A_660 : i32
        %get3A_662 = arith.index_cast %add3A_661 : i32 to index
        %get3A_663 = tpu.vector_load %arg5[%get3A_662] {strides = array<i32>} : memref<528xi32, #tpu.memory_space<vmem>>, vector<16xi32>,
        %get3A_664 = vector.shape_cast %get3A_663 : vector<16xi32> to vector<16xi32>
        %sub3A_665 = arith.subi %get3A_664, %broadcast_in_dim3A_619 : vector<16xi32>
        %add3A_666 = arith.constant 32 : i32
        %add3A_667 = vector.broadcast %add3A_666 : i32 to vector<16xi32>
        %add3A_668 = arith.addi %sub3A_665, %add3A_667 : vector<16xi32>
        %max3A_669 = arith.constant 0 : i32
        %max3A_670 = vector.broadcast %max3A_669 : i32 to vector<16xi32>
        %max3A_671 = arith.maxsi %add3A_668, %max3A_670 : vector<16xi32>
        %min3A_672 = arith.constant 64 : i32
        %min3A_673 = vector.broadcast %min3A_672 : i32 to vector<16xi32>
        %min3A_674 = arith.minsi %max3A_671, %min3A_673 : vector<16xi32>
        %swap3A_675 = arith.constant 3 : i32
        %swap3A_676 = arith.index_cast %swap3A_675 : i32 to index
        %swap3A_677 = arith.constant 32 : index
        %swap3A_678 = tpu.vector_load %arg6[%swap3A_676, %swap3A_677] {strides = array<i32>} : memref<5x128xi32, #tpu.memory_space<vmem>>, vector<1x16xi32>,
        %swap3A_679 = vector.shape_cast %swap3A_678 : vector<1x16xi32> to vector<16xi32>
        %swap3A_680 = vector.shape_cast %min3A_674 : vector<16xi32> to vector<1x16xi32>
        tpu.vector_store %arg6[%swap3A_676, %swap3A_677], %swap3A_680 {strides = array<i32>} : memref<5x128xi32, #tpu.memory_space<vmem>>, vector<1x16xi32>,
        %add3A_681 = arith.constant 48 : i32
        %add3A_682 = arith.addi %mul3A_615, %add3A_681 : i32
        %get3A_683 = arith.index_cast %add3A_682 : i32 to index
        %get3A_684 = tpu.vector_load %arg5[%get3A_683] {strides = array<i32>} : memref<528xi32, #tpu.memory_space<vmem>>, vector<16xi32>,
        %get3A_685 = vector.shape_cast %get3A_684 : vector<16xi32> to vector<16xi32>
        %sub3A_686 = arith.subi %get3A_685, %broadcast_in_dim3A_619 : vector<16xi32>
        %add3A_687 = arith.constant 32 : i32
        %add3A_688 = vector.broadcast %add3A_687 : i32 to vector<16xi32>
        %add3A_689 = arith.addi %sub3A_686, %add3A_688 : vector<16xi32>
        %max3A_690 = arith.constant 0 : i32
        %max3A_691 = vector.broadcast %max3A_690 : i32 to vector<16xi32>
        %max3A_692 = arith.maxsi %add3A_689, %max3A_691 : vector<16xi32>
        %min3A_693 = arith.constant 64 : i32
        %min3A_694 = vector.broadcast %min3A_693 : i32 to vector<16xi32>
        %min3A_695 = arith.minsi %max3A_692, %min3A_694 : vector<16xi32>
        %swap3A_696 = arith.constant 3 : i32
        %swap3A_697 = arith.index_cast %swap3A_696 : i32 to index
        %swap3A_698 = arith.constant 48 : index
        %swap3A_699 = tpu.vector_load %arg6[%swap3A_697, %swap3A_698] {strides = array<i32>} : memref<5x128xi32, #tpu.memory_space<vmem>>, vector<1x16xi32>,
        %swap3A_700 = vector.shape_cast %swap3A_699 : vector<1x16xi32> to vector<16xi32>
        %swap3A_701 = vector.shape_cast %min3A_695 : vector<16xi32> to vector<1x16xi32>
        tpu.vector_store %arg6[%swap3A_697, %swap3A_698], %swap3A_701 {strides = array<i32>} : memref<5x128xi32, #tpu.memory_space<vmem>>, vector<1x16xi32>,
        %add3A_702 = arith.constant 64 : i32
        %add3A_703 = arith.addi %mul3A_615, %add3A_702 : i32
        %get3A_704 = arith.index_cast %add3A_703 : i32 to index
        %get3A_705 = tpu.vector_load %arg5[%get3A_704] {strides = array<i32>} : memref<528xi32, #tpu.memory_space<vmem>>, vector<16xi32>,
        %get3A_706 = vector.shape_cast %get3A_705 : vector<16xi32> to vector<16xi32>
        %sub3A_707 = arith.subi %get3A_706, %broadcast_in_dim3A_619 : vector<16xi32>
        %add3A_708 = arith.constant 32 : i32
        %add3A_709 = vector.broadcast %add3A_708 : i32 to vector<16xi32>
        %add3A_710 = arith.addi %sub3A_707, %add3A_709 : vector<16xi32>
        %max3A_711 = arith.constant 0 : i32
        %max3A_712 = vector.broadcast %max3A_711 : i32 to vector<16xi32>
        %max3A_713 = arith.maxsi %add3A_710, %max3A_712 : vector<16xi32>
        %min3A_714 = arith.constant 64 : i32
        %min3A_715 = vector.broadcast %min3A_714 : i32 to vector<16xi32>
        %min3A_716 = arith.minsi %max3A_713, %min3A_715 : vector<16xi32>
        %swap3A_717 = arith.constant 3 : i32
        %swap3A_718 = arith.index_cast %swap3A_717 : i32 to index
        %swap3A_719 = arith.constant 64 : index
        %swap3A_720 = tpu.vector_load %arg6[%swap3A_718, %swap3A_719] {strides = array<i32>} : memref<5x128xi32, #tpu.memory_space<vmem>>, vector<1x16xi32>,
        %swap3A_721 = vector.shape_cast %swap3A_720 : vector<1x16xi32> to vector<16xi32>
        %swap3A_722 = vector.shape_cast %min3A_716 : vector<16xi32> to vector<1x16xi32>
        tpu.vector_store %arg6[%swap3A_718, %swap3A_719], %swap3A_722 {strides = array<i32>} : memref<5x128xi32, #tpu.memory_space<vmem>>, vector<1x16xi32>,
        %add3A_723 = arith.constant 80 : i32
        %add3A_724 = arith.addi %mul3A_615, %add3A_723 : i32
        %get3A_725 = arith.index_cast %add3A_724 : i32 to index
        %get3A_726 = tpu.vector_load %arg5[%get3A_725] {strides = array<i32>} : memref<528xi32, #tpu.memory_space<vmem>>, vector<16xi32>,
        %get3A_727 = vector.shape_cast %get3A_726 : vector<16xi32> to vector<16xi32>
        %sub3A_728 = arith.subi %get3A_727, %broadcast_in_dim3A_619 : vector<16xi32>
        %add3A_729 = arith.constant 32 : i32
        %add3A_730 = vector.broadcast %add3A_729 : i32 to vector<16xi32>
        %add3A_731 = arith.addi %sub3A_728, %add3A_730 : vector<16xi32>
        %max3A_732 = arith.constant 0 : i32
        %max3A_733 = vector.broadcast %max3A_732 : i32 to vector<16xi32>
        %max3A_734 = arith.maxsi %add3A_731, %max3A_733 : vector<16xi32>
        %min3A_735 = arith.constant 64 : i32
        %min3A_736 = vector.broadcast %min3A_735 : i32 to vector<16xi32>
        %min3A_737 = arith.minsi %max3A_734, %min3A_736 : vector<16xi32>
        %swap3A_738 = arith.constant 3 : i32
        %swap3A_739 = arith.index_cast %swap3A_738 : i32 to index
        %swap3A_740 = arith.constant 80 : index
        %swap3A_741 = tpu.vector_load %arg6[%swap3A_739, %swap3A_740] {strides = array<i32>} : memref<5x128xi32, #tpu.memory_space<vmem>>, vector<1x16xi32>,
        %swap3A_742 = vector.shape_cast %swap3A_741 : vector<1x16xi32> to vector<16xi32>
        %swap3A_743 = vector.shape_cast %min3A_737 : vector<16xi32> to vector<1x16xi32>
        tpu.vector_store %arg6[%swap3A_739, %swap3A_740], %swap3A_743 {strides = array<i32>} : memref<5x128xi32, #tpu.memory_space<vmem>>, vector<1x16xi32>,
        %add3A_744 = arith.constant 96 : i32
        %add3A_745 = arith.addi %mul3A_615, %add3A_744 : i32
        %get3A_746 = arith.index_cast %add3A_745 : i32 to index
        %get3A_747 = tpu.vector_load %arg5[%get3A_746] {strides = array<i32>} : memref<528xi32, #tpu.memory_space<vmem>>, vector<16xi32>,
        %get3A_748 = vector.shape_cast %get3A_747 : vector<16xi32> to vector<16xi32>
        %sub3A_749 = arith.subi %get3A_748, %broadcast_in_dim3A_619 : vector<16xi32>
        %add3A_750 = arith.constant 32 : i32
        %add3A_751 = vector.broadcast %add3A_750 : i32 to vector<16xi32>
        %add3A_752 = arith.addi %sub3A_749, %add3A_751 : vector<16xi32>
        %max3A_753 = arith.constant 0 : i32
        %max3A_754 = vector.broadcast %max3A_753 : i32 to vector<16xi32>
        %max3A_755 = arith.maxsi %add3A_752, %max3A_754 : vector<16xi32>
        %min3A_756 = arith.constant 64 : i32
        %min3A_757 = vector.broadcast %min3A_756 : i32 to vector<16xi32>
        %min3A_758 = arith.minsi %max3A_755, %min3A_757 : vector<16xi32>
        %swap3A_759 = arith.constant 3 : i32
        %swap3A_760 = arith.index_cast %swap3A_759 : i32 to index
        %swap3A_761 = arith.constant 96 : index
        %swap3A_762 = tpu.vector_load %arg6[%swap3A_760, %swap3A_761] {strides = array<i32>} : memref<5x128xi32, #tpu.memory_space<vmem>>, vector<1x16xi32>,
        %swap3A_763 = vector.shape_cast %swap3A_762 : vector<1x16xi32> to vector<16xi32>
        %swap3A_764 = vector.shape_cast %min3A_758 : vector<16xi32> to vector<1x16xi32>
        tpu.vector_store %arg6[%swap3A_760, %swap3A_761], %swap3A_764 {strides = array<i32>} : memref<5x128xi32, #tpu.memory_space<vmem>>, vector<1x16xi32>,
        %add3A_765 = arith.constant 112 : i32
        %add3A_766 = arith.addi %mul3A_615, %add3A_765 : i32
        %get3A_767 = arith.index_cast %add3A_766 : i32 to index
        %get3A_768 = tpu.vector_load %arg5[%get3A_767] {strides = array<i32>} : memref<528xi32, #tpu.memory_space<vmem>>, vector<16xi32>,
        %get3A_769 = vector.shape_cast %get3A_768 : vector<16xi32> to vector<16xi32>
        %sub3A_770 = arith.subi %get3A_769, %broadcast_in_dim3A_619 : vector<16xi32>
        %add3A_771 = arith.constant 32 : i32
        %add3A_772 = vector.broadcast %add3A_771 : i32 to vector<16xi32>
        %add3A_773 = arith.addi %sub3A_770, %add3A_772 : vector<16xi32>
        %max3A_774 = arith.constant 0 : i32
        %max3A_775 = vector.broadcast %max3A_774 : i32 to vector<16xi32>
        %max3A_776 = arith.maxsi %add3A_773, %max3A_775 : vector<16xi32>
        %min3A_777 = arith.constant 64 : i32
        %min3A_778 = vector.broadcast %min3A_777 : i32 to vector<16xi32>
        %min3A_779 = arith.minsi %max3A_776, %min3A_778 : vector<16xi32>
        %swap3A_780 = arith.constant 3 : i32
        %swap3A_781 = arith.index_cast %swap3A_780 : i32 to index
        %swap3A_782 = arith.constant 112 : index
        %swap3A_783 = tpu.vector_load %arg6[%swap3A_781, %swap3A_782] {strides = array<i32>} : memref<5x128xi32, #tpu.memory_space<vmem>>, vector<1x16xi32>,
        %swap3A_784 = vector.shape_cast %swap3A_783 : vector<1x16xi32> to vector<16xi32>
        %swap3A_785 = vector.shape_cast %min3A_779 : vector<16xi32> to vector<1x16xi32>
        tpu.vector_store %arg6[%swap3A_781, %swap3A_782], %swap3A_785 {strides = array<i32>} : memref<5x128xi32, #tpu.memory_space<vmem>>, vector<1x16xi32>,
        %dma_start3A_786 = arith.constant 3 : i32
        %dma_start3A_787 = arith.constant 2 : i32
        %dma_start3A_788 = arith.constant 0 : i32
        %dma_start3A_789 = arith.constant 0 : i32
        %dma_start3A_790 = tpu.memref_slice %arg7[%dma_start3A_787, %dma_start3A_788, %dma_start3A_789] : memref<4x128x128xf32, #tpu.memory_space<vmem>> -> memref<1x128x128xf32, #tpu.memory_space<vmem>>
        %dma_start3A_791 = tpu.memref_squeeze %dma_start3A_790 : memref<1x128x128xf32, #tpu.memory_space<vmem>> -> memref<128x128xf32, #tpu.memory_space<vmem>>
        %dma_start3A_792 = arith.constant 0 : i32
        %dma_start3A_793 = tpu.memref_slice %arg6[%dma_start3A_786, %dma_start3A_792] : memref<5x128xi32, #tpu.memory_space<vmem>> -> memref<1x128xi32, #tpu.memory_space<vmem>>
        %dma_start3A_794 = tpu.memref_squeeze %dma_start3A_793 : memref<1x128xi32, #tpu.memory_space<vmem>> -> memref<128xi32, #tpu.memory_space<vmem>>
        %dma_start3A_795 = arith.constant 0 : i32
        %dma_start3A_796 = arith.constant 0 : i32
        %dma_start3A_797 = tpu.memref_slice %arg8[%dma_start3A_795, %dma_start3A_796] : memref<65x128xf32, #tpu.memory_space<vmem_shared>> -> memref<65x128xf32, #tpu.memory_space<vmem_shared>>
        tpu.enqueue_indirect_dma source(%dma_start3A_797 : memref<65x128xf32, #tpu.memory_space<vmem_shared>>) target(%dma_start3A_791 : memref<128x128xf32, #tpu.memory_space<vmem>>) offsets(%dma_start3A_794 : memref<128xi32, #tpu.memory_space<vmem>>) semaphore(%arg14 : memref<!tpu.dma_semaphore, #tpu.memory_space<semaphore_mem>>)
      } else {
      }
    }
    %scan3A_182 = arith.constant 16 : i32
    %add3A_183 = arith.constant 15 : i32
    %add3A_184 = arith.addi %mul3A_2, %add3A_183 : i32
    %mul3A_185 = arith.constant 512 : i32
    %mul3A_186 = arith.muli %add3A_184, %mul3A_185 : i32
    %add3A_187 = arith.constant 384 : i32
    %add3A_188 = arith.addi %mul3A_186, %add3A_187 : i32
    %dma_wait3A_189 = arith.constant 3 : i32
    %dma_wait3A_190 = arith.constant 0 : i32
    %dma_wait3A_191 = arith.constant 0 : i32
    %dma_wait3A_192 = tpu.memref_slice %arg7[%dma_wait3A_189, %dma_wait3A_190, %dma_wait3A_191] : memref<4x128x128xf32, #tpu.memory_space<vmem>> -> memref<1x128x128xf32, #tpu.memory_space<vmem>>
    %dma_wait3A_193 = tpu.memref_squeeze %dma_wait3A_192 : memref<1x128x128xf32, #tpu.memory_space<vmem>> -> memref<128x128xf32, #tpu.memory_space<vmem>>
    %dma_wait3A_194 = arith.constant 0 : i32
    %dma_wait3A_195 = tpu.memref_slice %arg4[%add3A_188, %dma_wait3A_194] : memref<262144x128xf32, #tpu.memory_space<hbm>> -> memref<128x128xf32, #tpu.memory_space<hbm>>
    %dma_wait3A_196 = arith.constant 0 : i32
    %dma_wait3A_197 = tpu.memref_slice %arg4[%add3A_188, %dma_wait3A_196] : memref<262144x128xf32, #tpu.memory_space<hbm>> -> memref<128x128xf32, #tpu.memory_space<hbm>>
    %dma_wait3A_198 = arith.constant 0 : i32
    %dma_wait3A_199 = arith.constant 0 : i32
    %dma_wait3A_200 = tpu.memref_slice %arg7[%dma_wait3A_189, %dma_wait3A_198, %dma_wait3A_199] : memref<4x128x128xf32, #tpu.memory_space<vmem>> -> memref<1x128x128xf32, #tpu.memory_space<vmem>>
    %dma_wait3A_201 = tpu.memref_squeeze %dma_wait3A_200 : memref<1x128x128xf32, #tpu.memory_space<vmem>> -> memref<128x128xf32, #tpu.memory_space<vmem>>
    tpu.wait_dma2 semaphore(%arg19 : memref<!tpu.dma_semaphore, #tpu.memory_space<semaphore_mem>>) src(%dma_wait3A_201 : memref<128x128xf32, #tpu.memory_space<vmem>>) dst(%dma_wait3A_197 : memref<128x128xf32, #tpu.memory_space<hbm>>)
    return
  }
}

</mosaic_0001>

<sc_bundles>
// kernel: kernel.3.cloned.1.call-start
scs
__scs_entry_jumppad:
0x0: {  	(pc) =	sbr.rel $0x88, $3  }
0x1: {  	(tag) =	ssettag $0x0;
	lr =	simm.s32 $0x1  }
0x2: {  	[smem:$0x3F9F] =	sst lr;
	_ =	strace $0xD0000000  }
0x3: {  	_ = 	snop  }
0x4: {  	_ = 	snop  }
0x5: {  	_ = 	snop  }
0x6: {  	_ = 	snop  }
0x7: {  	_ = 	snop  }
__scs_overlays_trampoline_lowered:
0x8: {  	[smem:$0x3FAE] =	sst s0  }
0x9: {  	[smem:$0x3FAF] =	sst s1  }
0xa: {  	[smem:$0x3FB0] =	sst s2  }
0xb: {  	[smem:$0x3FB1] =	sst s3  }
0xc: {  	[smem:$0x3FB2] =	sst s4  }
0xd: {  	[smem:$0x3FB3] =	sst s5  }
0xe: {  	[smem:$0x3FB4] =	sst s6  }
0xf: {  	[smem:$0x3FB5] =	sst s7  }
0x10: {  	[smem:$0x3FB6] =	sst s8  }
0x11: {  	[smem:$0x3FB7] =	sst s9;
	s0 =	simm.s32 @!p0 $0x0  }
0x12: {  	s1 =	sld [smem:$0x3F9D];
	s0 =	simm.s32 @p0 $0x1  }
0x13: {  	[smem:$0x3FB8] =	sst s0;
	s0 =	simm.s32 @!p1 $0x0  }
0x14: {  	s2 =	sld [smem:$0x3F9C];
	s0 =	simm.s32 @p1 $0x1  }
0x15: {  	[smem:$0x3FB9] =	sst s0;
	s0 =	simm.s32 @!p2 $0x0  }
0x16: {  	s3 =	sld [smem:$0x3FDB];
	s0 =	simm.s32 @p2 $0x1  }
0x17: {  	s4 =	simm.s32 $0x1BF5;
	[smem:$0x3FBB] =	sst s0  }
0x18: {  	s0 =	sld [smem:$0x3F9E];
	_ =	swait.ge [sflag:s4], $0x0  }
0x19: {  	s7 =	sld [smem:$0x3F9F]  }
0x1a: {  	s8 =	sadd.s32 $0xFFFFE003, lr  }
0x1b: {  	s9 =	sadd.s32 $0xFFFFFEF7, lr;
	s5 =	simm.s32 $0xFFFFFFFF;
	p2 =	slt.u32 s8, $0xFFFFF086  }
0x1c: {  	p1 =	slt.u32 s9, $0xF7A;
	s5 =	simm.s32 @!p2 $0x0  }
0x1d: {  	s5 =	simm.s32 @p1 $0x1;
	p0 =	seq.s32 s7, s2  }
0x1e: {  	s7 =	smul.u32 @!p0 $0xF7A, s2;
	p2 =	seq.s32 @!p0 s5, $0x0  }
0x1f: {  	s9 =	smul.u32 $0xF7A, s1;
	s8 =	simm.s32 @!p0 $0x1BF5;
	p2 =	por !p2, p0  }
0x20: {  	[sflag:s8] =	ssyncset.s32 @!p0 $0xFFFFF086;
	s6 =	sadd.s32 @!p0 s3, s7;
	s7 =	simm.s32 @!p0 $0x108  }
0x21: {  	s3 =	sadd.s32 s3, s9;
	s6 =	sadd.s32 @!p0 $0x88, s6;
	s7 =	simm.s32 @p2 $0x1082  }
0x22: {  	[simem:s7], [sflag:s8] =	dma.local @!p0 [hbm:s6], $0xF7A  }
0x23: {  	s9 =	sor.u32 $0xD0000000, s2;
	s6 =	simm.s32 $0x108;
	_ =	swait.ge @!p0 [sflag:s8], $0x0  }
0x24: {  	s3 =	sadd.s32 $0x88, s3;
	s6 =	simm.s32 @!p1 $0x1082;
	[sflag:s4] =	ssyncset.s32 $0xFFFFF086  }
0x25: {  	[simem:s6], [sflag:s4] =	dma.local [hbm:s3], $0xF7A  }
0x26: {  	[smem:$0x3F9F] =	sst s1;
	(tag) =	ssettag s2;
	_ =	strace s9  }
0x27: {  	s1 =	sld [smem:$0x3FAF]  }
0x28: {  	s2 =	sld [smem:$0x3FB0]  }
0x29: {  	s4 =	sld [smem:$0x3FB2]  }
0x2a: {  	p0 =	seq.s32 s5, $0x0;
	s5 =	sld [smem:$0x3FB3]  }
0x2b: {  	s6 =	sld [smem:$0x3FB4]  }
0x2c: {  	s7 =	sld [smem:$0x3FB5]  }
0x2d: {  	s3 =	simm.s32 $0x108;
	s8 =	sld [smem:$0x3FB6]  }
0x2e: {  	s3 =	simm.s32 @!p0 $0x1082;
	s9 =	sld [smem:$0x3FB7]  }
0x2f: {  	lr =	sadd.s32 s0, s3;
	s0 =	sld [smem:$0x3FAE]  }
0x30: {  	s3 =	sld [smem:$0x3FB1]  }
0x31: {  	[smem:$0x3FBA] =	sst s10  }
0x32: {  	s10 =	sld [smem:$0x3FB8];
	_ =	sdelay $0x3  }
0x33: {  	p0 =	seq.s32 s10, $0x1;
	s10 =	sld [smem:$0x3FBA];
	_ =	sdelay $0x3  }
0x34: {  	[smem:$0x3FBA] =	sst s10  }
0x35: {  	s10 =	sld [smem:$0x3FB9];
	_ =	sdelay $0x3  }
0x36: {  	p1 =	seq.s32 s10, $0x1;
	s10 =	sld [smem:$0x3FBA];
	_ =	sdelay $0x3  }
0x37: {  	[smem:$0x3FBA] =	sst s10  }
0x38: {  	s10 =	sld [smem:$0x3FBB]  }
0x39: {  	_ = 	snop;
	(pc) =	sbr.ind lr, $3  }
0x3a: {  	_ = 	snop  }
0x3b: {  	_ = 	snop  }
0x3c: {  	p2 =	seq.s32 s10, $0x1;
	s10 =	sld [smem:$0x3FBA]  }
0x3d: {  	_ =	shalt  }
0x3e: {  	_ =	shalt  }
0x3f: {  	_ =	shalt  }
0x40: {  	_ =	shalt  }
0x41: {  	_ =	shalt  }
0x42: {  	_ =	shalt  }
0x43: {  	_ =	shalt  }
0x44: {  	_ =	shalt  }
0x45: {  	_ =	shalt  }
0x46: {  	_ =	shalt  }
0x47: {  	_ =	shalt  }
0x48: {  	_ =	shalt  }
0x49: {  	_ =	shalt  }
0x4a: {  	_ =	shalt  }
0x4b: {  	_ =	shalt  }
0x4c: {  	_ =	shalt  }
0x4d: {  	_ =	shalt  }
0x4e: {  	_ =	shalt  }
0x4f: {  	_ =	shalt  }
0x50: {  	_ =	shalt  }
0x51: {  	_ =	shalt  }
0x52: {  	_ =	shalt  }
0x53: {  	_ =	shalt  }
0x54: {  	_ =	shalt  }
0x55: {  	_ =	shalt  }
0x56: {  	_ =	shalt  }
0x57: {  	_ =	shalt  }
0x58: {  	_ =	shalt  }
0x59: {  	_ =	shalt  }
0x5a: {  	_ =	shalt  }
0x5b: {  	_ =	shalt  }
0x5c: {  	_ =	shalt  }
0x5d: {  	_ =	shalt  }
0x5e: {  	_ =	shalt  }
0x5f: {  	_ =	shalt  }
0x60: {  	_ =	shalt  }
0x61: {  	_ =	shalt  }
0x62: {  	_ =	shalt  }
0x63: {  	_ =	shalt  }
0x64: {  	_ =	shalt  }
0x65: {  	_ =	shalt  }
0x66: {  	_ =	shalt  }
0x67: {  	_ =	shalt  }
0x68: {  	_ =	shalt  }
0x69: {  	_ =	shalt  }
0x6a: {  	_ =	shalt  }
0x6b: {  	_ =	shalt  }
0x6c: {  	_ =	shalt  }
0x6d: {  	_ =	shalt  }
0x6e: {  	_ =	shalt  }
0x6f: {  	_ =	shalt  }
0x70: {  	_ =	shalt  }
0x71: {  	_ =	shalt  }
0x72: {  	_ =	shalt  }
0x73: {  	_ =	shalt  }
0x74: {  	_ =	shalt  }
0x75: {  	_ =	shalt  }
0x76: {  	_ =	shalt  }
0x77: {  	_ =	shalt  }
0x78: {  	_ =	shalt  }
0x79: {  	_ =	shalt  }
0x7a: {  	_ =	shalt  }
0x7b: {  	_ =	shalt  }
0x7c: {  	_ =	shalt  }
0x7d: {  	_ =	shalt  }
0x7e: {  	_ =	shalt  }
0x7f: {  	_ =	shalt  }
0x80: {  	_ =	shalt  }
0x81: {  	_ =	shalt  }
0x82: {  	_ =	shalt  }
0x83: {  	_ =	shalt  }
0x84: {  	_ =	shalt  }
0x85: {  	_ =	shalt  }
0x86: {  	_ =	shalt  }
0x87: {  	_ =	shalt  }
.Lfunc_end0:
.L_simem_size_0:
called_computation_lowered:
.L_overlay_start_0:
0x88: {  	s2 =	sld [smem:$0x3FD9]  }
0x89: {  	s3 =	sld [smem:$0x3FFE];
	_ =	sdelay $0x1  }
0x8a: {  	s1 =	srdreg.scid  }
0x8b: {  	s0 =	sand.u32 $0x1, s1  }
0x8c: {  	s18 =	sshll.u32 s0, $0xA;
	s2 =	sadd.s32 s3, s2  }
0x8d: {  	s2 =	sadd.s32 s2, s18  }
0x8e: {  	[smem:$0x3FC6] =	sst s2  }
0x8f: {  	_ = 	snop  }
0x90: {  	s2 =	sld [smem:$0x3FC9]  }
0x91: {  	s19 =	sld [smem:$0x3FC8]  }
0x92: {  	s4 =	sld [smem:$0x3FD0];
	(tm) =	ssettm $0x1  }
0x93: {  	s5 =	sld [smem:$0x3FFB];
	_ =	sdelay $0x3  }
0x94: {  	_ =	strace s5  }
0x95: {  	s5 =	sld [smem:$0x3FFC];
	_ =	sdelay $0x3  }
0x96: {  	_ =	strace s5  }
0x97: {  	s5 =	sld [smem:$0x3FFD];
	_ =	sdelay $0x3  }
0x98: {  	_ =	strace s5  }
0x99: {  	_ =	strace $0x8FFFFFFF  }
0x9a: {  	s20 =	sld [smem:$0x3FDB];
	_ =	sdelay $0x1  }
0x9b: {  	s6 =	simm.s32 $_scs_section_size  }
0x9c: {  	s7 =	simm.s32 $_size__tile_overlayer_lowered;
	s8 =	simm.s32 $_tile_overlayer_lowered  }
0x9d: {  	s23 =	simm.s32 $0x1BFF;
	s22 =	sshll.u32 s8, $0x1;
	s5 =	sadd.s32 s6, s20  }
0x9e: {  	s9 =	simm.s32 $0x0;
	s21 =	sshll.u32 s7, $0x1;
	s7 =	sadd.s32 s22, s5  }
0x9f: {  	[timem:s9], [sflag:s23] =	dma.local [hbm:s7], s21  }
0xa0: {  	_ =	swait.ge [sflag:s23], s21  }
0xa1: {  	s6 =	ssub.s32 $0x0, s21;
	[sflag:s23] =	ssyncset.done $0x0  }
0xa2: {  	[sflag:s23] =	ssyncadd.s32 s6;
	_ =	sdelay $0x1  }
0xa3: {  	s24 =	simm.s32 $0x1B8B  }
0xa4: {  	_ =	swait.ge [sflag:s24], $0x1  }
0xa5: {  	[sflag:s24] =	ssyncset.done $0x0  }
0xa6: {  	s25 =	simm.s32 $0x1B8E;
	[sflag:s24] =	ssyncadd.s32 $0xFFFFFFFF  }
0xa7: {  	s26 =	simm.s32 $execute0_lowered;
	[smem:$0x3FD2] =	sst s25  }
0xa8: {  	s6 =	sshll.u32 s26, $0x1;
	_ =	strace $0x80000046;
	[dreg:$0x1] =	wrdreg $0xFFFFFFFF  }
0xa9: {  	s28 =	simm.s32 $_size_execute0_lowered;
	s5 =	sadd.s32 s5, s6;
	[dreg:$0x0] =	wrdreg $0x0  }
0xaa: {  	s6 =	sshll.u32 s28, $0x1;
	[dreg:$0x2] =	wrdreg s5  }
0xab: {  	[dreg:$0x3] =	wrdreg s6  }
0xac: {  	[dreg:$0x4] =	wrdreg $0xC0  }
0xad: {  	_ =	task [dreg:s9], $0x5FFFF  }
0xae: {  	[dreg:$0x1] =	wrdreg $0xFFFFFFFF  }
0xaf: {  	[dreg:$0x0] =	wrdreg $0x60  }
0xb0: {  	[dreg:$0x2] =	wrdreg s19  }
0xb1: {  	[dreg:$0x3] =	wrdreg s2  }
0xb2: {  	[dreg:$0x4] =	wrdreg s4  }
0xb3: {  	[dreg:$0x5] =	wrdreg $0x106800  }
0xb4: {  	[dreg:$0x6] =	wrdreg $0x9  }
0xb5: {  	_ =	task.clear_ibuf [dreg:s9], $0x7FFFF;
	_ =	strace $0x90000046  }
0xb6: {  	s29 =	simm.s32 $0x9;
	_ =	strace $0x80000048  }
0xb7: {  	_ =	swait.ge [sflag:s29], $0x1  }
0xb8: {  	[sflag:s29] =	ssyncadd.s32 $0xFFFFFFFF  }
0xb9: {  	_ =	strace $0x90000048  }
0xba: {  	_ =	sfence  }
0xbb: {  	s30 =	sld [smem:$0x0];
	_ =	sdelay $0x2  }
0xbc: {  	s31 =	sshll.u32 s1, $0xD;
	s1 =	sshrl.u32 s1, $0x2  }
0xbd: {  	s3 =	sand.u32 $0x4000, s31;
	s1 =	sadd.s32 s1, s30  }
0xbe: {  	s0 =	sor.u32 s3, s0;
	s1 =	sshll.u32 s1, $0x11  }
0xbf: {  	s0 =	sor.u32 s1, s0  }
0xc0: {  	s0 =	sadd.s32 $0x8F2B, s0  }
0xc1: {  	[sflag:s0] =	ssyncadd.remote.s32 $0x1  }
0xc2: {  	_ =	sfence.sel $0xFFFF  }
0xc3: {  	[dreg:$0x0] =	wrdreg $0xFFFFFFFF;
	(pc) =	sbr.abs _section_cstart, $3  }
0xc4: {  	[dreg:$0x1] =	wrdreg $0xFFFFFFFF  }
0xc5: {  	_ =	task.clear_ibuf [dreg:s9], $0x2FFFF;
	_ =	strace $0x9FFFFFFF  }
0xc6: {  	(tm) =	ssettm $0x7FFFFFFF  }
0xc7: {  	_ =	shalt  }
tec
execute0_lowered:
.L_overlay_start_1:
0x0: {  	(tag) =	ssettag $0x1  }
0x1: {  	s0 =	rddreg [dreg:$0x2]  }
0x2: {  	s3 =	rddreg [dreg:$0x3]  }
0x3: {  	s1 =	srdreg.scid;
	s4 =	simm.s32 $0x0;
	s5 =	stileid.u32  }
0x4: {  	s20 =	simm.s32 $0x1;
	s23 =	simm.s32 $0x5;
	s28 =	simm.s32 $0x7  }
0x5: {  	s1 =	sand.u32 $0x1, s1;
	[smem:$0x7FF] =	sst s4;
	s25 =	sshll.u32 s5, $0x5  }
0x6: {  	s8 =	sadd.s32 $0x1800, s0;
	s9 =	sshll.u32 s5, $0x7;
	s30 =	sshll.u32 s5, $0x12  }
0x7: {  	p0 =	sne.s32 s5, $0x0;
	s2 =	ssub.s32 $0x2, s1;
	_ =	strace $0x80000047  }
0x8: {  	s7 =	sshll.u32 s1, $0x4;
	s10 =	sshll.u32 s1, $0x6;
	s1 =	sshll.u32 s1, $0x11  }
0x9: {  	s6 =	sshrl.u32 s2, $0x1;
	s14 =	sor.u32 s7, s25;
	s7 =	sadd.s32 $0x1000, s0  }
0xa: {  	s26 =	sor.u32 s10, s9;
	s2 =	ssub.s32 s2, s6;
	s6 =	sadd.s32 $0x800, s0  }
0xb: {  	s10 =	sshrl.u32 s26, $0x2;
	s0 =	sadd.s32 s30, s0;
	[dreg:$0xd] =	wrdreg s14  }
0xc: {  	s31 =	sor.u32 $0x4, s26;
	[dreg:$0xf] =	wrdreg s10;
	s0 =	sadd.s32 s1, s0  }
.Ltmp0:
0xd: {  	[dreg:$0x10] =	wrdreg s0;
	s0 =	sshrl.u32 s31, $0x2;
	(pc) =	sbr.rel .LBB2_1-.Ltmp0, $4  }
0xe: {  	s2 =	smax.u32 s2, $0x1;
	[dreg:$0x11] =	wrdreg s0;
	s0 =	simm.s32 @!p0 $0x0  }
0xf: {  	s29 =	simm.s32 $0x8;
	[dreg:$0xe] =	wrdreg s2;
	s0 =	simm.s32 @p0 $0x1  }
0x10: {  	s25 =	simm.s32 $0x6;
	[smem:$0x7FD] =	sst s0;
	s0 =	sshrl.u32 @!p0 s3, $0x3  }
0x11: {  	v0 =	vimm.s32 $0x0;
	v1 =	vimm.s32 $0x40;
	s26 =	simm.s32 $0x4;
	s1 =	simm.s32 $0x0;
	[dreg:$0x12] =	wrdreg s0  }
.LBB2_21:
0x12: {  	_ =	swait.ge [sflag:s29], $0x4000  }
0x13: {  	s1 =	rddreg [dreg:$0x13]  }
0x14: {  	s0 =	rddreg [dreg:$0xe];
	s1 =	sadd.s32 $0x1, s1  }
0x15: {  	p0 =	sne.s32 s1, s0  }
.Ltmp1:
0x16: {  	_ = 	snop;
	(pc) =	sbr.rel @!p0 .LBB2_22-.Ltmp1, $3  }
0x17: {  	_ =	sdelay $0x1  }
0x18: {  	[sflag:s29] =	ssyncset.done $0x0  }
0x19: {  	[sflag:s29] =	ssyncadd.s32 $0xFFFFC000  }
.LBB2_1:
0x1a: {  	s0 =	sld [smem:$0x7FD];
	_ =	sdelay $0x1  }
0x1b: {  	[dreg:$0x13] =	wrdreg s1  }
0x1c: {  	s1 =	rddreg [dreg:$0x0];
	p0 =	seq.s32 s0, $0x1  }
0x1d: {  	s2 =	rddreg [dreg:$0x12];
	s0 =	simm.s32 @!p0 $0x1C09  }
0x1e: {  	[spmem:s2], [sflag:s0] =	dma.local @!p0 [hbm:s1], $0x410  }
0x1f: {  	s0 =	simm.s32 @!p0 $0x9  }
0x20: {  	_ =	swait.ge @!p0 [sflag:s0], $0x410  }
0x21: {  	[sflag:s0] =	ssyncset.done @!p0 $0x0  }
0x22: {  	[sflag:s0] =	ssyncadd.s32 @!p0 $0xFFFFFBF0  }
0x23: {  	s18 =	simm.s32 $0x9;
	s0 =	rddreg [dreg:$0x1]  }
0x24: {  	[tilespmem:s4], [sflag:$0x9] =	stream.linear.gather [hbm4b:s0+s4], $0x200, $0x38;
	[tilespmem:$0x18888] =	vst v63  }
0x25: {  	_ =	swait.ge [sflag:s18], $0x200  }
0x26: {  	[sflag:s18] =	ssyncset.done $0x0  }
0x27: {  	[sflag:s18] =	ssyncadd.s32 $0xFFFFFE00  }
0x28: {  	[bflag:$0x0] =	sbarrier.arrive $0xFFFF  }
0x29: {  	[tilespmem:$0x280] =	vst v0  }
0x2a: {  	[tilespmem:$0x290] =	vst v0  }
0x2b: {  	[tilespmem:$0x2A0] =	vst v0  }
0x2c: {  	[tilespmem:$0x2B0] =	vst v0  }
0x2d: {  	[tilespmem:$0x2C0] =	vst v0  }
0x2e: {  	[tilespmem:$0x2D0] =	vst v0  }
0x2f: {  	[tilespmem:$0x2E0] =	vst v0  }
0x30: {  	s19 =	simm.s32 $0x80;
	s21 =	simm.s32 $0x280;
	s22 =	simm.s32 $0x10888;
	[tilespmem:$0x2F0] =	vst v0  }
0x31: {  	[tilespmem:s22], [sflag:$0x1] =	stream.indirect.gather [spmem:s3], $0x80, s21, s19, $0xb8;
	[tilespmem:$0x18888] =	vst v63  }
0x32: {  	[tilespmem:$0x300] =	vst v1  }
0x33: {  	[tilespmem:$0x310] =	vst v1  }
0x34: {  	[tilespmem:$0x320] =	vst v1  }
0x35: {  	[tilespmem:$0x330] =	vst v1  }
0x36: {  	[tilespmem:$0x340] =	vst v1  }
0x37: {  	[tilespmem:$0x350] =	vst v1  }
0x38: {  	[tilespmem:$0x360] =	vst v1  }
0x39: {  	s24 =	simm.s32 $0x300;
	s30 =	simm.s32 $0x14888;
	[tilespmem:$0x370] =	vst v1  }
0x3a: {  	[tilespmem:s30], [sflag:$0x2] =	stream.indirect.gather [spmem:s3], $0x80, s24, s19, $0xb8;
	[tilespmem:$0x18888] =	vst v63  }
0x3b: {  	_ =	swait.ge [sflag:s20], $0x4000  }
0x3c: {  	[sflag:s20] =	ssyncset.done $0x0  }
0x3d: {  	s5 =	simm.s32 $0x2;
	[sflag:s20] =	ssyncadd.s32 $0xFFFFC000  }
0x3e: {  	_ =	swait.ge [sflag:s5], $0x4000  }
0x3f: {  	[sflag:s5] =	ssyncset.done $0x0  }
0x40: {  	[sflag:s5] =	ssyncadd.s32 $0xFFFFC000  }
0x41: {  	v2 =	vld [tilespmem:$0x0]  }
0x42: {  	v3 =	vld [tilespmem:$0x70];
	_ =	sdelay $0x1  }
0x43: {  	v4 =	vld [tilespmem:$0x80];
	_ =	sdelay $0x1  }
0x44: {  	(v2sf) =	vpush v2, $0x0  }
0x45: {  	v5 =	vld [tilespmem:$0xF0];
	(v2sf) =	vpush v3, $0xF;
	_ =	sdelay $0x1  }
0x46: {  	v6 =	vld [tilespmem:$0x100];
	(v2sf) =	vpush v4, $0x0;
	_ =	sdelay $0x1  }
0x47: {  	v7 =	vld [tilespmem:$0x170]  }
0x48: {  	(v2sf) =	vpush v5, $0xF  }
0x49: {  	v3 =	vld [tilespmem:$0x180]  }
0x4a: {  	(v2sf) =	vpush v6, $0x0  }
0x4b: {  	v63 =	vld [tilespmem:$0x1F0]  }
0x4c: {  	(v2sf) =	vpush v7, $0xF  }
0x4d: {  	s10 =	rddreg [dreg:$0xf]  }
0x4e: {  	(v2sf) =	vpush v3, $0x0;
	v3 =	vld [tilespmem:s10+$0x0];
	_ =	sdelay $0x1  }
0x4f: {  	(v2sf) =	vpush v63, $0xF  }
0x50: {  	s9 =	spop (v2sf)  }
0x51: {  	s11 =	spop (v2sf)  }
0x52: {  	(v2sf) =	vpush v3, $0x0;
	[dreg:$0x5] =	wrdreg s9;
	s12 =	sadd.s32 $0x20, s11  }
0x53: {  	s13 =	spop (v2sf);
	[dreg:$0x6] =	wrdreg s12  }
0x54: {  	[dreg:$0x7] =	wrdreg s13  }
0x55: {  	s12 =	rddreg [dreg:$0x5]  }
0x56: {  	s14 =	spop (v2sf);
	s9 =	rddreg [dreg:$0x7]  }
0x57: {  	s16 =	sadd.s32 $0x20, s14;
	s11 =	rddreg [dreg:$0x6]  }
0x58: {  	s15 =	spop (v2sf);
	[dreg:$0x8] =	wrdreg s16  }
0x59: {  	[dreg:$0x9] =	wrdreg s15  }
0x5a: {  	s17 =	spop (v2sf);
	s5 =	rddreg [dreg:$0x9]  }
0x5b: {  	s19 =	sadd.s32 $0x20, s17;
	s14 =	rddreg [dreg:$0x8]  }
0x5c: {  	s18 =	spop (v2sf);
	[dreg:$0xa] =	wrdreg s19  }
0x5d: {  	[dreg:$0xb] =	wrdreg s18  }
0x5e: {  	s21 =	spop (v2sf);
	s24 =	rddreg [dreg:$0xb]  }
0x5f: {  	s2 =	sadd.s32 $0x1, s10;
	s22 =	sadd.s32 $0x20, s21;
	s13 =	rddreg [dreg:$0xa]  }
0x60: {  	v3 =	vld [tilespmem:s2+$0x0];
	s2 =	sadd.s32 $0x1, s2;
	[dreg:$0xc] =	wrdreg s22  }
0x61: {  	s21 =	simm.s32 $0x1;
	s30 =	rddreg [dreg:$0xc];
	s16 =	spop (v2sf)  }
0x62: {  	s12 =	ssub.s32 s12, s16;
	s11 =	ssub.s32 s11, s16;
	s0 =	ssub.s32 s24, s16  }
0x63: {  	s1 =	ssub.s32 s30, s16;
	s5 =	ssub.s32 s5, s16;
	s9 =	ssub.s32 s9, s16  }
0x64: {  	s17 =	sadd.s32 $0x20, s12;
	p0 =	sgt.s32 s11, $0x0;
	s18 =	sadd.s32 $0xFFFFFFE0, s5  }
0x65: {  	s19 =	sadd.s32 $0x20, s5;
	s15 =	sadd.s32 $0xFFFFFFE0, s12;
	s5 =	ssub.s32 s14, s16  }
0x66: {  	s12 =	simm.s32 $0x1;
	s14 =	simm.s32 $0x1;
	p1 =	sgt.s32 s17, $0x0  }
0x67: {  	s11 =	simm.s32 @!p0 $0x0;
	p2 =	slt.u32 s15, $0xFFFFFFC1;
	s17 =	simm.s32 @!p1 $0x0  }
0x68: {  	p4 =	sgt.s32 s19, $0x0;
	s11 =	smin.u32 s11, $0x40;
	s17 =	smin.u32 s17, $0x40  }
0x69: {  	s12 =	simm.s32 @!p1 $0x0;
	s19 =	simm.s32 @!p4 $0x0;
	p5 =	seq.s32 s17, s11  }
0x6a: {  	s11 =	ssub.s32 s13, s16;
	s17 =	sadd.s32 $0xFFFFFFE0, s0;
	s0 =	sadd.s32 $0x20, s0  }
0x6b: {  	s13 =	sadd.s32 $0x20, s9;
	s9 =	sadd.s32 $0xFFFFFFE0, s9;
	p3 =	sgt.s32 s11, $0x0  }
0x6c: {  	(v2sf) =	vpush v3, $0x0;
	p0 =	por !p2, !p5;
	p2 =	sgt.s32 s5, $0x0;
	p1 =	sgt.s32 s13, $0x0  }
0x6d: {  	p6 =	slt.u32 s9, $0xFFFFFFC1;
	s5 =	simm.s32 @!p2 $0x0;
	s13 =	simm.s32 @!p1 $0x0  }
0x6e: {  	s9 =	simm.s32 $0x1;
	s5 =	smin.u32 s5, $0x40;
	s13 =	smin.u32 s13, $0x40  }
0x6f: {  	s11 =	simm.s32 @!p3 $0x0;
	p0 =	por !p0, !p0;
	p5 =	seq.s32 s13, s5  }
0x70: {  	s14 =	simm.s32 @!p0 $0x0;
	s5 =	simm.s32 $0x0;
	p0 =	por !p6, !p5  }
0x71: {  	p2 =	slt.u32 s17, $0xFFFFFFC1;
	[smem:s5] =	sst s14;
	p0 =	por !p0, !p0  }
0x72: {  	p3 =	sgt.s32 s1, $0x0;
	[smem:$0x80] =	sst s12;
	s9 =	simm.s32 @!p0 $0x0  }
0x73: {  	s21 =	simm.s32 @!p1 $0x0;
	s11 =	smin.u32 s11, $0x40;
	[smem:$0x1] =	sst s9  }
0x74: {  	s1 =	simm.s32 @!p3 $0x0;
	p5 =	sgt.s32 s0, $0x0;
	s9 =	rddreg [dreg:$0xb]  }
0x75: {  	s1 =	smin.u32 s1, $0x40;
	s0 =	simm.s32 @!p5 $0x0;
	s13 =	rddreg [dreg:$0xc]  }
0x76: {  	p0 =	slt.u32 s18, $0xFFFFFFC1;
	s18 =	smin.u32 s19, $0x40;
	s19 =	rddreg [dreg:$0x9]  }
0x77: {  	s12 =	simm.s32 $0x1;
	s0 =	smin.u32 s0, $0x40;
	s10 =	rddreg [dreg:$0x5]  }
0x78: {  	s12 =	simm.s32 @!p4 $0x0;
	p6 =	seq.s32 s0, s1;
	s14 =	rddreg [dreg:$0x6]  }
0x79: {  	p3 =	seq.s32 s18, s11;
	s11 =	simm.s32 $0x1;
	s22 =	rddreg [dreg:$0xa]  }
0x7a: {  	s18 =	simm.s32 $0x1;
	p6 =	por !p2, !p6;
	s31 =	rddreg [dreg:$0x8]  }
0x7b: {  	p3 =	por !p0, !p3;
	s15 =	spop (v2sf);
	s30 =	rddreg [dreg:$0x7]  }
0x7c: {  	s11 =	simm.s32 @!p5 $0x0;
	[smem:$0x81] =	sst s21;
	s0 =	ssub.s32 s10, s15  }
0x7d: {  	s1 =	ssub.s32 s14, s15;
	p1 =	por !p6, !p6;
	s14 =	ssub.s32 s22, s15  }
0x7e: {  	s22 =	ssub.s32 s19, s15;
	s17 =	ssub.s32 s13, s15;
	s13 =	ssub.s32 s30, s15  }
0x7f: {  	s16 =	sadd.s32 $0x20, s0;
	p0 =	sgt.s32 s1, $0x0;
	s18 =	simm.s32 @!p1 $0x0  }
0x80: {  	s24 =	sadd.s32 $0xFFFFFFE0, s0;
	s0 =	ssub.s32 s31, s15;
	p1 =	sgt.s32 s14, $0x0  }
0x81: {  	s31 =	simm.s32 $0x20;
	s19 =	sadd.s32 $0x20, s22;
	p2 =	sgt.s32 s16, $0x0  }
0x82: {  	s1 =	simm.s32 @!p0 $0x0;
	p6 =	slt.u32 s24, $0xFFFFFFC1;
	s14 =	simm.s32 @!p1 $0x0  }
0x83: {  	p1 =	sgt.s32 s0, $0x0;
	s16 =	simm.s32 @!p2 $0x0;
	s1 =	smin.u32 s1, $0x40  }
0x84: {  	s0 =	simm.s32 @!p1 $0x0;
	p1 =	por !p3, !p3;
	s16 =	smin.u32 s16, $0x40  }
0x85: {  	p5 =	seq.s32 s16, s1;
	s16 =	simm.s32 $0x10;
	s1 =	ssub.s32 s9, s15  }
0x86: {  	s9 =	sadd.s32 $0xFFFFFFE0, s22;
	p4 =	por !p6, !p5;
	s21 =	sadd.s32 $0xFFFFFFE0, s1  }
.LBB2_2:
0x87: {  	s10 =	sadd.s32 $0x20, s1  }
0x88: {  	p3 =	slt.u32 s21, $0xFFFFFFC1;
	s21 =	simm.s32 $0x1;
	s30 =	smov.u32 s31  }
0x89: {  	v3 =	vld [tilespmem:s2+$0x0];
	p0 =	por !p4, !p4;
	s14 =	smin.u32 s14, $0x40;
	p6 =	sgt.s32 s17, $0x0  }
0x8a: {  	s22 =	simm.s32 $0x1;
	s0 =	smin.u32 s0, $0x40;
	s15 =	sadd.s32 $0xFFFFFFE0, s13  }
0x8b: {  	s13 =	sadd.s32 $0x20, s13;
	s24 =	rddreg [dreg:$0x6];
	s2 =	sadd.s32 $0x1, s2  }
0x8c: {  	s21 =	simm.s32 @!p1 $0x0;
	s22 =	simm.s32 @!p2 $0x0;
	p2 =	sgt.s32 s19, $0x0  }
0x8d: {  	p4 =	sgt.s32 s13, $0x0;
	p1 =	slt.u32 s9, $0xFFFFFFC1;
	s9 =	rddreg [dreg:$0xc]  }
0x8e: {  	p5 =	sgt.s32 s10, $0x0;
	s17 =	simm.s32 @!p6 $0x0;
	[smem:s5+$0x2] =	sst s21;
	(v2sf) =	vpush v3, $0x0  }
0x8f: {  	s13 =	simm.s32 @!p4 $0x0;
	s19 =	simm.s32 @!p2 $0x0;
	s10 =	simm.s32 @!p5 $0x0  }
0x90: {  	s21 =	smin.u32 s17, $0x40;
	[smem:s5+$0x82] =	sst s12;
	s12 =	simm.s32 $0x1  }
0x91: {  	s19 =	smin.u32 s19, $0x40;
	s10 =	smin.u32 s10, $0x40;
	[smem:s5+$0x3] =	sst s18  }
0x92: {  	s12 =	simm.s32 @!p0 $0x0;
	s18 =	smin.u32 s13, $0x40;
	s13 =	rddreg [dreg:$0x9]  }
0x93: {  	p0 =	slt.u32 s15, $0xFFFFFFC1;
	[smem:s5+$0x83] =	sst s11;
	s5 =	sshra.s32 s16, $0x2  }
0x94: {  	p6 =	seq.s32 s18, s0;
	s11 =	simm.s32 $0x1;
	s0 =	rddreg [dreg:$0xb]  }
0x95: {  	s16 =	smov.u32 s30;
	s18 =	simm.s32 $0x1;
	[smem:s5] =	sst s12  }
0x96: {  	p0 =	por !p0, !p6;
	p6 =	seq.s32 s19, s14;
	s14 =	rddreg [dreg:$0x7]  }
0x97: {  	s12 =	simm.s32 $0x1;
	s19 =	rddreg [dreg:$0x5];
	p0 =	por !p0, !p0  }
0x98: {  	[smem:s5+$0x80] =	sst s22;
	p1 =	por !p1, !p6;
	s12 =	simm.s32 @!p2 $0x0  }
0x99: {  	s22 =	simm.s32 $0x1;
	s11 =	simm.s32 @!p0 $0x0;
	p0 =	seq.s32 s10, s21  }
0x9a: {  	s10 =	sadd.s32 $0x10, s31;
	p1 =	por !p1, !p1;
	s21 =	rddreg [dreg:$0xa]  }
0x9b: {  	s22 =	simm.s32 @!p4 $0x0;
	[smem:s5+$0x1] =	sst s11;
	p0 =	por !p3, !p0  }
0x9c: {  	p3 =	sne.s32 s31, $0xF0;
	s11 =	simm.s32 $0x1;
	s31 =	rddreg [dreg:$0x8]  }
0x9d: {  	p6 =	por !p0, !p0;
	s11 =	simm.s32 @!p5 $0x0;
	s30 =	spop (v2sf)  }
0x9e: {  	[smem:s5+$0x81] =	sst s22;
	s15 =	ssub.s32 s19, s30;
	s19 =	ssub.s32 s24, s30  }
0x9f: {  	s1 =	ssub.s32 s0, s30;
	s17 =	ssub.s32 s9, s30;
	s24 =	ssub.s32 s13, s30  }
0xa0: {  	s13 =	ssub.s32 s14, s30;
	s0 =	sadd.s32 $0x20, s15;
	p0 =	sgt.s32 s19, $0x0  }
0xa1: {  	s9 =	sadd.s32 $0xFFFFFFE0, s24;
	p2 =	sgt.s32 s0, $0x0;
	s19 =	simm.s32 @!p0 $0x0  }
0xa2: {  	s0 =	simm.s32 @!p2 $0x0;
	s14 =	smin.u32 s19, $0x40;
	s19 =	sadd.s32 $0x20, s24  }
.Ltmp2:
0xa3: {  	s24 =	sadd.s32 $0xFFFFFFE0, s15;
	s0 =	smin.u32 s0, $0x40;
	(pc) =	sbr.rel @p3 .LBB2_2-.Ltmp2, $4  }
0xa4: {  	s18 =	simm.s32 @!p6 $0x0;
	p6 =	slt.u32 s24, $0xFFFFFFC1;
	p4 =	seq.s32 s0, s14  }
0xa5: {  	s14 =	ssub.s32 s21, s30;
	s0 =	ssub.s32 s31, s30;
	s21 =	sadd.s32 $0xFFFFFFE0, s1  }
0xa6: {  	s31 =	smov.u32 s10;
	p5 =	sgt.s32 s14, $0x0;
	p0 =	sgt.s32 s0, $0x0  }
0xa7: {  	p4 =	por !p6, !p4;
	s14 =	simm.s32 @!p5 $0x0;
	s0 =	simm.s32 @!p0 $0x0  }
0xa8: {  	s2 =	simm.s32 $0x1  }
0xa9: {  	s1 =	sadd.s32 $0x20, s1;
	p3 =	slt.u32 s21, $0xFFFFFFC1;
	p0 =	por !p4, !p4  }
0xaa: {  	s10 =	smin.u32 s14, $0x40;
	s14 =	simm.s32 $0x1;
	p6 =	sgt.s32 s17, $0x0  }
0xab: {  	s0 =	smin.u32 s0, $0x40;
	s30 =	sadd.s32 $0xFFFFFFE0, s13;
	s13 =	sadd.s32 $0x20, s13  }
0xac: {  	p5 =	slt.u32 s9, $0xFFFFFFC1;
	s9 =	simm.s32 $0x1;
	s2 =	simm.s32 @!p1 $0x0  }
0xad: {  	s14 =	simm.s32 @!p2 $0x0;
	p1 =	sgt.s32 s19, $0x0;
	p4 =	sgt.s32 s13, $0x0  }
0xae: {  	p2 =	sgt.s32 s1, $0x0;
	s17 =	simm.s32 @!p6 $0x0;
	[smem:s5+$0x2] =	sst s2  }
0xaf: {  	s13 =	simm.s32 @!p4 $0x0;
	s19 =	simm.s32 @!p1 $0x0;
	s1 =	simm.s32 @!p2 $0x0  }
0xb0: {  	s22 =	smin.u32 s17, $0x40;
	s2 =	simm.s32 $0x1;
	[smem:s5+$0x82] =	sst s12  }
0xb1: {  	s12 =	simm.s32 $0x1;
	s15 =	smin.u32 s13, $0x40;
	s21 =	smin.u32 s19, $0x40  }
0xb2: {  	s1 =	smin.u32 s1, $0x40;
	s12 =	simm.s32 @!p0 $0x0;
	[smem:s5+$0x3] =	sst s18  }
0xb3: {  	p0 =	slt.u32 s30, $0xFFFFFFC1;
	s18 =	sshra.s32 s16, $0x2;
	p6 =	seq.s32 s15, s0  }
0xb4: {  	s0 =	simm.s32 $0x1;
	[smem:s5+$0x83] =	sst s11;
	p0 =	por !p0, !p6  }
0xb5: {  	p6 =	seq.s32 s21, s10;
	s0 =	simm.s32 @!p4 $0x0;
	[smem:s18] =	sst s12  }
0xb6: {  	p0 =	por !p0, !p0;
	p6 =	por !p5, !p6;
	[smem:s18+$0x80] =	sst s14  }
0xb7: {  	s9 =	simm.s32 @!p0 $0x0;
	p0 =	seq.s32 s1, s22;
	s1 =	simm.s32 $0x1  }
0xb8: {  	[smem:s18+$0x1] =	sst s9;
	p0 =	por !p3, !p0;
	p3 =	por !p6, !p6  }
0xb9: {  	s2 =	simm.s32 @!p1 $0x0;
	[smem:s18+$0x81] =	sst s0;
	s1 =	simm.s32 @!p3 $0x0  }
0xba: {  	p0 =	por !p0, !p0;
	s0 =	simm.s32 $0x1;
	[smem:s18+$0x2] =	sst s1  }
0xbb: {  	s1 =	simm.s32 $0x1;
	s0 =	simm.s32 @!p0 $0x0;
	[smem:s18+$0x82] =	sst s2  }
0xbc: {  	s1 =	simm.s32 @!p2 $0x0;
	[smem:s18+$0x3] =	sst s0  }
0xbd: {  	[smem:s18+$0x83] =	sst s1  }
0xbe: {  	s0 =	sld [smem:$0x0];
	_ =	sdelay $0x2  }
0xbf: {  	s14 =	rddreg [dreg:$0xd];
	p1 =	sne.s32 s0, $0x0  }
0xc0: {  	v3 =	vld @!p1 [tilespmem:s14+$0x0];
	_ =	sdelay $0x1  }
0xc1: {  	v4 =	vld @!p1 [tilespmem:$0x10]  }
0xc2: {  	v5 =	vld @!p1 [tilespmem:$0x20]  }
0xc3: {  	v6 =	vld @!p1 [tilespmem:$0x30]  }
0xc4: {  	v7 =	vld @!p1 [tilespmem:$0x40];
	v3 =	vsub.s32 @!p1 $0x20, v3  }
0xc5: {  	v3 =	vbroadcast @!p1 v3, $0x0;
	_ =	sdelay $0x1  }
0xc6: {  	v2 =	vadd.s32 @!p1 v2, v3;
	v4 =	vadd.s32 @!p1 v4, v3  }
0xc7: {  	v8 =	vld @!p1 [tilespmem:$0x50];
	v5 =	vadd.s32 @!p1 v5, v3;
	v6 =	vadd.s32 @!p1 v6, v3;
	vm0 =	vgt.s32 @!p1 v2, $0x0  }
0xc8: {  	v9 =	vld @!p1 [tilespmem:$0x60];
	v7 =	vadd.s32 @!p1 v7, v3;
	v2 =	vnsel @!p1 vm0, $0x0, v2;
	vm0 =	vgt.s32 @!p1 v4, $0x0  }
0xc9: {  	v10 =	vld @!p1 [tilespmem:$0x70];
	v2 =	vmin.u32 @!p1 v2, $0x40;
	v4 =	vnsel @!p1 vm0, $0x0, v4;
	vm0 =	vgt.s32 @!p1 v5, $0x0  }
0xca: {  	v4 =	vmin.u32 @!p1 v4, $0x40;
	v5 =	vnsel @!p1 vm0, $0x0, v5;
	vm0 =	vgt.s32 @!p1 v6, $0x0  }
0xcb: {  	[tilespmem:$0x300] =	vst @!p1 v2;
	v2 =	vmin.u32 @!p1 v5, $0x40;
	v5 =	vnsel @!p1 vm0, $0x0, v6;
	vm0 =	vgt.s32 @!p1 v7, $0x0  }
0xcc: {  	[tilespmem:$0x310] =	vst @!p1 v4;
	v6 =	vadd.s32 @!p1 v8, v3;
	v4 =	vmin.u32 @!p1 v5, $0x40;
	v5 =	vnsel @!p1 vm0, $0x0, v7  }
0xcd: {  	[tilespmem:$0x320] =	vst @!p1 v2;
	vm0 =	vgt.s32 @!p1 v6, $0x0;
	v2 =	vmin.u32 @!p1 v5, $0x40;
	v5 =	vadd.s32 @!p1 v9, v3  }
0xce: {  	[tilespmem:$0x330] =	vst @!p1 v4;
	v4 =	vnsel @!p1 vm0, $0x0, v6;
	v3 =	vadd.s32 @!p1 v10, v3;
	vm0 =	vgt.s32 @!p1 v5, $0x0  }
0xcf: {  	[tilespmem:$0x340] =	vst @!p1 v2;
	v2 =	vmin.u32 @!p1 v4, $0x40;
	v4 =	vnsel @!p1 vm0, $0x0, v5;
	vm0 =	vgt.s32 @!p1 v3, $0x0  }
0xd0: {  	[tilespmem:$0x350] =	vst @!p1 v2;
	v2 =	vmin.u32 @!p1 v4, $0x40;
	v3 =	vnsel @!p1 vm0, $0x0, v3  }
0xd1: {  	s24 =	sld [smem:$0x1];
	[tilespmem:$0x360] =	vst @!p1 v2;
	v2 =	vmin.u32 @!p1 v3, $0x40  }
0xd2: {  	s1 =	simm.s32 @!p1 $0x80;
	s2 =	simm.s32 @!p1 $0x300;
	s5 =	simm.s32 @!p1 $0x680;
	[tilespmem:$0x370] =	vst @!p1 v2  }
0xd3: {  	[tilespmem:s5], [sflag:$0x1] =	stream.indirect.gather @!p1 [spmem:s3], $0x80, s2, s1, $0xb8;
	[tilespmem:$0x18888] =	vst v63  }
0xd4: {  	p1 =	sne.s32 s24, $0x0  }
0xd5: {  	v2 =	vld @!p1 [tilespmem:s14+$0x0]  }
0xd6: {  	v3 =	vld @!p1 [tilespmem:$0x80]  }
0xd7: {  	v4 =	vld @!p1 [tilespmem:$0x90]  }
0xd8: {  	v5 =	vld @!p1 [tilespmem:$0xA0]  }
0xd9: {  	v6 =	vld @!p1 [tilespmem:$0xB0]  }
0xda: {  	v7 =	vld @!p1 [tilespmem:$0xC0];
	v2 =	vsub.s32 @!p1 $0x20, v2  }
0xdb: {  	v2 =	vbroadcast @!p1 v2, $0x0;
	_ =	sdelay $0x1  }
0xdc: {  	v3 =	vadd.s32 @!p1 v3, v2;
	v4 =	vadd.s32 @!p1 v4, v2  }
0xdd: {  	v8 =	vld @!p1 [tilespmem:$0xD0];
	v5 =	vadd.s32 @!p1 v5, v2;
	v6 =	vadd.s32 @!p1 v6, v2;
	vm0 =	vgt.s32 @!p1 v3, $0x0  }
0xde: {  	v9 =	vld @!p1 [tilespmem:$0xE0];
	v7 =	vadd.s32 @!p1 v7, v2;
	v3 =	vnsel @!p1 vm0, $0x0, v3;
	vm0 =	vgt.s32 @!p1 v4, $0x0  }
0xdf: {  	v10 =	vld @!p1 [tilespmem:$0xF0];
	v3 =	vmin.u32 @!p1 v3, $0x40;
	v4 =	vnsel @!p1 vm0, $0x0, v4;
	vm0 =	vgt.s32 @!p1 v5, $0x0  }
0xe0: {  	v4 =	vmin.u32 @!p1 v4, $0x40;
	v5 =	vnsel @!p1 vm0, $0x0, v5;
	vm0 =	vgt.s32 @!p1 v6, $0x0  }
0xe1: {  	[tilespmem:$0x380] =	vst @!p1 v3;
	v3 =	vmin.u32 @!p1 v5, $0x40;
	v5 =	vnsel @!p1 vm0, $0x0, v6;
	vm0 =	vgt.s32 @!p1 v7, $0x0  }
0xe2: {  	[tilespmem:$0x390] =	vst @!p1 v4;
	v6 =	vadd.s32 @!p1 v8, v2;
	v4 =	vmin.u32 @!p1 v5, $0x40;
	v5 =	vnsel @!p1 vm0, $0x0, v7  }
0xe3: {  	[tilespmem:$0x3A0] =	vst @!p1 v3;
	vm0 =	vgt.s32 @!p1 v6, $0x0;
	v3 =	vmin.u32 @!p1 v5, $0x40;
	v5 =	vadd.s32 @!p1 v9, v2  }
0xe4: {  	[tilespmem:$0x3B0] =	vst @!p1 v4;
	v4 =	vnsel @!p1 vm0, $0x0, v6;
	v2 =	vadd.s32 @!p1 v10, v2;
	vm0 =	vgt.s32 @!p1 v5, $0x0  }
0xe5: {  	[tilespmem:$0x3C0] =	vst @!p1 v3;
	v3 =	vmin.u32 @!p1 v4, $0x40;
	v4 =	vnsel @!p1 vm0, $0x0, v5;
	vm0 =	vgt.s32 @!p1 v2, $0x0  }
0xe6: {  	[tilespmem:$0x3D0] =	vst @!p1 v3;
	v3 =	vmin.u32 @!p1 v4, $0x40;
	v2 =	vnsel @!p1 vm0, $0x0, v2  }
0xe7: {  	s30 =	sld [smem:$0x2];
	[tilespmem:$0x3E0] =	vst @!p1 v3;
	v2 =	vmin.u32 @!p1 v2, $0x40  }
0xe8: {  	s1 =	simm.s32 @!p1 $0x80;
	s2 =	simm.s32 @!p1 $0x380;
	s5 =	simm.s32 @!p1 $0x4680;
	[tilespmem:$0x3F0] =	vst @!p1 v2  }
0xe9: {  	[tilespmem:s5], [sflag:$0x2] =	stream.indirect.gather @!p1 [spmem:s3], $0x80, s2, s1, $0xb8;
	[tilespmem:$0x18888] =	vst v63  }
0xea: {  	p1 =	sne.s32 s30, $0x0  }
0xeb: {  	v2 =	vld @!p1 [tilespmem:s14+$0x0]  }
0xec: {  	v3 =	vld @!p1 [tilespmem:$0x100]  }
0xed: {  	v4 =	vld @!p1 [tilespmem:$0x110]  }
0xee: {  	v5 =	vld @!p1 [tilespmem:$0x120]  }
0xef: {  	v6 =	vld @!p1 [tilespmem:$0x130]  }
0xf0: {  	v7 =	vld @!p1 [tilespmem:$0x140]  }
0xf1: {  	v8 =	vld @!p1 [tilespmem:$0x150]  }
0xf2: {  	v9 =	vld @!p1 [tilespmem:$0x160];
	v2 =	vsub.s32 @!p1 $0x20, v2  }
0xf3: {  	v10 =	vld @!p1 [tilespmem:$0x170];
	v2 =	vbroadcast @!p1 v2, $0x0;
	_ =	sdelay $0x1  }
0xf4: {  	v3 =	vadd.s32 @!p1 v3, v2;
	v4 =	vadd.s32 @!p1 v4, v2  }
0xf5: {  	v5 =	vadd.s32 @!p1 v5, v2;
	v6 =	vadd.s32 @!p1 v6, v2;
	v7 =	vadd.s32 @!p1 v7, v2  }
0xf6: {  	v8 =	vadd.s32 @!p1 v8, v2;
	v9 =	vadd.s32 @!p1 v9, v2;
	vm0 =	vgt.s32 @!p1 v3, $0x0  }
0xf7: {  	v2 =	vadd.s32 @!p1 v10, v2;
	v3 =	vnsel @!p1 vm0, $0x0, v3;
	vm0 =	vgt.s32 @!p1 v4, $0x0  }
0xf8: {  	v3 =	vmin.u32 @!p1 v3, $0x40;
	v4 =	vnsel @!p1 vm0, $0x0, v4;
	vm0 =	vgt.s32 @!p1 v5, $0x0  }
0xf9: {  	[tilespmem:$0x400] =	vst @!p1 v3;
	v3 =	vmin.u32 @!p1 v4, $0x40;
	v4 =	vnsel @!p1 vm0, $0x0, v5;
	vm0 =	vgt.s32 @!p1 v6, $0x0  }
0xfa: {  	[tilespmem:$0x410] =	vst @!p1 v3;
	v3 =	vmin.u32 @!p1 v4, $0x40;
	v4 =	vnsel @!p1 vm0, $0x0, v6;
	vm0 =	vgt.s32 @!p1 v7, $0x0  }
0xfb: {  	[tilespmem:$0x420] =	vst @!p1 v3;
	v3 =	vmin.u32 @!p1 v4, $0x40;
	v4 =	vnsel @!p1 vm0, $0x0, v7;
	vm0 =	vgt.s32 @!p1 v8, $0x0  }
0xfc: {  	[tilespmem:$0x430] =	vst @!p1 v3;
	v3 =	vmin.u32 @!p1 v4, $0x40;
	v4 =	vnsel @!p1 vm0, $0x0, v8;
	vm0 =	vgt.s32 @!p1 v9, $0x0  }
0xfd: {  	[tilespmem:$0x440] =	vst @!p1 v3;
	v3 =	vmin.u32 @!p1 v4, $0x40;
	v4 =	vnsel @!p1 vm0, $0x0, v9;
	vm0 =	vgt.s32 @!p1 v2, $0x0  }
.Ltmp3:
0xfe: {  	s31 =	simm.s32 $0x0;
	[tilespmem:$0x450] =	vst @!p1 v3;
	v3 =	vmin.u32 @!p1 v4, $0x40;
	v2 =	vnsel @!p1 vm0, $0x0, v2;
	(pc) =	sbr.rel .LBB2_4-.Ltmp3, $4  }
0xff: {  	s16 =	simm.s32 $0x0;
	s15 =	simm.s32 $0x680;
	s11 =	rddreg [dreg:$0x10];
	[tilespmem:$0x460] =	vst @!p1 v3;
	v2 =	vmin.u32 @!p1 v2, $0x40  }
0x100: {  	s0 =	simm.s32 @!p1 $0x80;
	s1 =	simm.s32 @!p1 $0x400;
	s2 =	simm.s32 @!p1 $0x8680;
	[tilespmem:$0x470] =	vst @!p1 v2  }
0x101: {  	[tilespmem:s2], [sflag:$0x3] =	stream.indirect.gather @!p1 [spmem:s3], $0x80, s1, s0, $0xb8;
	[tilespmem:$0x18888] =	vst v63  }
0x102: {  	s21 =	simm.s32 $0x3;
	s12 =	rddreg [dreg:$0x11];
	s2 =	smov.u32 s14  }
.LBB2_18:
0x103: {  	_ =	swait.ge [sflag:s26], $0x4000  }
0x104: {  	[sflag:s26] =	ssyncset.done $0x0  }
0x105: {  	s0 =	simm.s32 $0xC680;
	[sflag:s26] =	ssyncadd.s32 $0xFFFFC000  }
.LBB2_19:
0x106: {  	s1 =	sadd.s32 s19, s8  }
0x107: {  	[hbm4b:s1+s4] =	stream.linear.scatter [tilespmem:s0], [sflag:$0x8], $0x4000, $0x38;
	[tilespmem:$0x18888] =	vst v63  }
.LBB2_20:
0x108: {  	_ =	swait.ge [sflag:s28], $0x4000  }
0x109: {  	[sflag:s28] =	ssyncset.done $0x0  }
0x10a: {  	[sflag:s28] =	ssyncadd.s32 $0xFFFFC000  }
0x10b: {  	s0 =	sld [smem:s17+$0x6];
	_ =	sdelay $0x2  }
0x10c: {  	p0 =	sne.s32 @!p1 s0, $0x0  }
0x10d: {  	p1 =	por p0, p1  }
0x10e: {  	v2 =	vld @!p1 [tilespmem:s12+$0x0]  }
0x10f: {  	v3 =	vld @!p1 [tilespmem:$0x100]  }
0x110: {  	v4 =	vld @!p1 [tilespmem:$0x110]  }
0x111: {  	v5 =	vld @!p1 [tilespmem:$0x120]  }
0x112: {  	v6 =	vld @!p1 [tilespmem:$0x130]  }
0x113: {  	v7 =	vld @!p1 [tilespmem:$0x140]  }
0x114: {  	v8 =	vld @!p1 [tilespmem:$0x150]  }
0x115: {  	v9 =	vld @!p1 [tilespmem:$0x160];
	v2 =	vsub.s32 @!p1 $0x20, v2  }
0x116: {  	v10 =	vld @!p1 [tilespmem:$0x170];
	v2 =	vbroadcast @!p1 v2, $0x0;
	_ =	sdelay $0x1  }
0x117: {  	v3 =	vadd.s32 @!p1 v3, v2;
	v4 =	vadd.s32 @!p1 v4, v2  }
0x118: {  	v5 =	vadd.s32 @!p1 v5, v2;
	v6 =	vadd.s32 @!p1 v6, v2;
	v7 =	vadd.s32 @!p1 v7, v2  }
0x119: {  	v8 =	vadd.s32 @!p1 v8, v2;
	v9 =	vadd.s32 @!p1 v9, v2;
	vm0 =	vgt.s32 @!p1 v3, $0x0  }
0x11a: {  	v2 =	vadd.s32 @!p1 v10, v2;
	v3 =	vnsel @!p1 vm0, $0x0, v3;
	vm0 =	vgt.s32 @!p1 v4, $0x0  }
0x11b: {  	v3 =	vmin.u32 @!p1 v3, $0x40;
	v4 =	vnsel @!p1 vm0, $0x0, v4;
	vm0 =	vgt.s32 @!p1 v5, $0x0  }
0x11c: {  	[tilespmem:$0x400] =	vst @!p1 v3;
	v3 =	vmin.u32 @!p1 v4, $0x40;
	v4 =	vnsel @!p1 vm0, $0x0, v5;
	vm0 =	vgt.s32 @!p1 v6, $0x0  }
0x11d: {  	[tilespmem:$0x410] =	vst @!p1 v3;
	v3 =	vmin.u32 @!p1 v4, $0x40;
	v4 =	vnsel @!p1 vm0, $0x0, v6;
	vm0 =	vgt.s32 @!p1 v7, $0x0  }
0x11e: {  	s31 =	sadd.s32 $0x10, s31;
	[tilespmem:$0x420] =	vst @!p1 v3;
	v3 =	vmin.u32 @!p1 v4, $0x40;
	v4 =	vnsel @!p1 vm0, $0x0, v7;
	vm0 =	vgt.s32 @!p1 v8, $0x0  }
0x11f: {  	p0 =	sne.s32 s31, $0x100;
	[tilespmem:$0x430] =	vst @!p1 v3;
	v3 =	vmin.u32 @!p1 v4, $0x40;
	v4 =	vnsel @!p1 vm0, $0x0, v8;
	vm0 =	vgt.s32 @!p1 v9, $0x0  }
.Ltmp4:
0x120: {  	[tilespmem:$0x440] =	vst @!p1 v3;
	v3 =	vmin.u32 @!p1 v4, $0x40;
	v4 =	vnsel @!p1 vm0, $0x0, v9;
	vm0 =	vgt.s32 @!p1 v2, $0x0;
	(pc) =	sbr.rel @!p0 .LBB2_21-.Ltmp4, $4  }
0x121: {  	s16 =	sadd.s32 $0x1, s16;
	[tilespmem:$0x450] =	vst @!p1 v3;
	v3 =	vmin.u32 @!p1 v4, $0x40;
	v2 =	vnsel @!p1 vm0, $0x0, v2  }
0x122: {  	s2 =	sadd.s32 $0x1, s2;
	s11 =	sadd.s32 $0x2000, s11;
	s0 =	simm.s32 @!p1 $0x80;
	[tilespmem:$0x460] =	vst @!p1 v3;
	v2 =	vmin.u32 @!p1 v2, $0x40  }
0x123: {  	s1 =	simm.s32 @!p1 $0x400;
	s5 =	simm.s32 @!p1 $0x8680;
	s12 =	sadd.s32 $0x1, s12;
	[tilespmem:$0x470] =	vst @!p1 v2  }
0x124: {  	[tilespmem:s5], [sflag:$0x3] =	stream.indirect.gather @!p1 [spmem:s3], $0x80, s1, s0, $0xb8;
	[tilespmem:$0x18888] =	vst v63  }
.LBB2_4:
0x125: {  	s17 =	sshra.s32 s31, $0x2  }
0x126: {  	s0 =	sld [smem:s17+$0x0];
	_ =	sdelay $0x2  }
0x127: {  	p0 =	seq.s32 s0, $0x0  }
.Ltmp5:
0x128: {  	_ = 	snop;
	(pc) =	sbr.rel @p0 .LBB2_7-.Ltmp5, $2  }
0x129: {  	_ =	sdelay $0x2  }
0x12a: {  	p1 =	seq.s32 s31, $0x0  }
0x12b: {  	p0 =	sne.s32 s0, $0x1  }
0x12c: {  	s0 =	sshra.s32 @!p0 s31, $0x2  }
0x12d: {  	s0 =	sld @!p0 [smem:s0+$0x80];
	_ =	sdelay $0x1  }
.Ltmp6:
0x12e: {  	_ = 	snop;
	(pc) =	sbr.rel @!p1 .LBB2_9-.Ltmp6, $4  }
0x12f: {  	s0 =	sshll.u32 @!p0 s0, $0x10  }
0x130: {  	s0 =	sshra.s32 @!p0 s0, $0x2  }
0x131: {  	s1 =	simm.s32 @!p0 $0x0;
	s0 =	sadd.s32 @!p0 $0x10888, s0  }
0x132: {  	[hbm4b:s11+s1] =	stream.linear.scatter @!p0 [tilespmem:s0], [sflag:$0x5], $0x4000, $0x38;
	[tilespmem:$0x18888] =	vst v63  }
.Ltmp7:
0x133: {  	(pc) =	sbr.rel .LBB2_10-.Ltmp7, $2  }
0x134: {  	_ =	sdelay $0x2  }
0x135: {  	s5 =	sor.u32 s14, s16  }
.LBB2_7:
.Ltmp8:
0x136: {  	(pc) =	sbr.rel @p1 .LBB2_8-.Ltmp8, $4  }
0x137: {  	_ =	swait.ge [sflag:s20], $0x4000  }
0x138: {  	[sflag:s20] =	ssyncset.done $0x0  }
0x139: {  	[sflag:s20] =	ssyncadd.s32 $0xFFFFC000  }
0x13a: {  	[hbm4b:s11+s4] =	stream.linear.scatter [tilespmem:s15], [sflag:$0x5], $0x4000, $0x38;
	[tilespmem:$0x18888] =	vst v63  }
.LBB2_9:
0x13b: {  	_ =	swait.ge [sflag:s29], $0x4000  }
0x13c: {  	[sflag:s29] =	ssyncset.done $0x0  }
0x13d: {  	s5 =	smov.u32 s2;
	[sflag:s29] =	ssyncadd.s32 $0xFFFFC000  }
.LBB2_10:
0x13e: {  	s18 =	sld [smem:s17+$0x3];
	_ =	sdelay $0x2  }
0x13f: {  	p1 =	sne.s32 s18, $0x0  }
0x140: {  	v2 =	vld @!p1 [tilespmem:s12+$0xFFFFFFFF]  }
0x141: {  	v3 =	vld @!p1 [tilespmem:$0x180]  }
0x142: {  	v4 =	vld @!p1 [tilespmem:$0x190]  }
0x143: {  	v5 =	vld @!p1 [tilespmem:$0x1A0]  }
0x144: {  	v6 =	vld @!p1 [tilespmem:$0x1B0]  }
0x145: {  	v7 =	vld @!p1 [tilespmem:$0x1C0];
	v2 =	vsub.s32 @!p1 $0x20, v2  }
0x146: {  	v2 =	vbroadcast @!p1 v2, $0x0;
	_ =	sdelay $0x1  }
0x147: {  	v3 =	vadd.s32 @!p1 v3, v2;
	v4 =	vadd.s32 @!p1 v4, v2  }
0x148: {  	v8 =	vld @!p1 [tilespmem:$0x1D0];
	v5 =	vadd.s32 @!p1 v5, v2;
	v6 =	vadd.s32 @!p1 v6, v2;
	vm0 =	vgt.s32 @!p1 v3, $0x0  }
0x149: {  	v9 =	vld @!p1 [tilespmem:$0x1E0];
	v7 =	vadd.s32 @!p1 v7, v2;
	v3 =	vnsel @!p1 vm0, $0x0, v3;
	vm0 =	vgt.s32 @!p1 v4, $0x0  }
0x14a: {  	v10 =	vld @!p1 [tilespmem:$0x1F0];
	v3 =	vmin.u32 @!p1 v3, $0x40;
	v4 =	vnsel @!p1 vm0, $0x0, v4;
	vm0 =	vgt.s32 @!p1 v5, $0x0  }
0x14b: {  	v4 =	vmin.u32 @!p1 v4, $0x40;
	v5 =	vnsel @!p1 vm0, $0x0, v5;
	vm0 =	vgt.s32 @!p1 v6, $0x0  }
0x14c: {  	[tilespmem:$0x480] =	vst @!p1 v3;
	v3 =	vmin.u32 @!p1 v5, $0x40;
	v5 =	vnsel @!p1 vm0, $0x0, v6;
	vm0 =	vgt.s32 @!p1 v7, $0x0  }
0x14d: {  	[tilespmem:$0x490] =	vst @!p1 v4;
	v6 =	vadd.s32 @!p1 v8, v2;
	v4 =	vmin.u32 @!p1 v5, $0x40;
	v5 =	vnsel @!p1 vm0, $0x0, v7  }
0x14e: {  	[tilespmem:$0x4A0] =	vst @!p1 v3;
	vm0 =	vgt.s32 @!p1 v6, $0x0;
	v3 =	vmin.u32 @!p1 v5, $0x40;
	v5 =	vadd.s32 @!p1 v9, v2  }
0x14f: {  	s0 =	sld [smem:s17+$0x1];
	[tilespmem:$0x4B0] =	vst @!p1 v4;
	v4 =	vnsel @!p1 vm0, $0x0, v6;
	v2 =	vadd.s32 @!p1 v10, v2;
	vm0 =	vgt.s32 @!p1 v5, $0x0  }
0x150: {  	[tilespmem:$0x4C0] =	vst @!p1 v3;
	v3 =	vmin.u32 @!p1 v4, $0x40;
	v4 =	vnsel @!p1 vm0, $0x0, v5;
	vm0 =	vgt.s32 @!p1 v2, $0x0  }
0x151: {  	[tilespmem:$0x4D0] =	vst @!p1 v3;
	v3 =	vmin.u32 @!p1 v4, $0x40;
	v2 =	vnsel @!p1 vm0, $0x0, v2  }
0x152: {  	p2 =	seq.s32 s0, $0x0;
	[tilespmem:$0x4E0] =	vst @!p1 v3;
	v2 =	vmin.u32 @!p1 v2, $0x40  }
0x153: {  	s1 =	simm.s32 @!p1 $0x80;
	s9 =	simm.s32 @!p1 $0x480;
	s10 =	simm.s32 @!p1 $0xC680;
	[tilespmem:$0x4F0] =	vst @!p1 v2  }
0x154: {  	[tilespmem:s10], [sflag:$0x4] =	stream.indirect.gather @!p1 [spmem:s3], $0x80, s9, s1, $0xb8;
	[tilespmem:$0x18888] =	vst v63  }
0x155: {  	s1 =	simm.s32 @p2 $0x2  }
0x156: {  	p3 =	seq.s32 @!p2 s0, $0x1;
	_ =	swait.ge @p2 [sflag:s1], $0x4000  }
0x157: {  	p4 =	por !p3, p2;
	[sflag:s1] =	ssyncset.done @p2 $0x0  }
0x158: {  	s0 =	sshra.s32 @!p4 s31, $0x2;
	[sflag:s1] =	ssyncadd.s32 @p2 $0xFFFFC000  }
0x159: {  	s9 =	sshll.u32 @p2 s5, $0xD;
	s0 =	sld @!p4 [smem:s0+$0x81]  }
0x15a: {  	s13 =	simm.s32 @p2 $0x4680;
	s10 =	simm.s32 @p2 $0x0;
	s1 =	sadd.s32 @p2 s9, s6  }
0x15b: {  	[hbm4b:s1+s10] =	stream.linear.scatter @p2 [tilespmem:s13], [sflag:$0x6], $0x4000, $0x38;
	[tilespmem:$0x18888] =	vst v63  }
0x15c: {  	s0 =	sshll.u32 @!p4 s0, $0x10  }
0x15d: {  	s19 =	sshll.u32 @!p4 s5, $0xD;
	s0 =	sshra.s32 @!p4 s0, $0x2  }
0x15e: {  	s1 =	sadd.s32 @!p4 s19, s6;
	s10 =	simm.s32 @!p4 $0x0;
	s0 =	sadd.s32 @!p4 $0x10888, s0  }
0x15f: {  	[hbm4b:s1+s10] =	stream.linear.scatter @!p4 [tilespmem:s0], [sflag:$0x6], $0x4000, $0x38;
	[tilespmem:$0x18888] =	vst v63  }
0x160: {  	_ =	swait.ge [sflag:s23], $0x4000  }
0x161: {  	[sflag:s23] =	ssyncset.done $0x0  }
0x162: {  	[sflag:s23] =	ssyncadd.s32 $0xFFFFC000  }
0x163: {  	s0 =	sld [smem:s17+$0x4];
	_ =	sdelay $0x1  }
0x164: {  	p1 =	seq.s32 s31, $0xF0  }
0x165: {  	p0 =	sne.s32 @!p1 s0, $0x0  }
0x166: {  	p5 =	por p0, p1  }
0x167: {  	v2 =	vld @!p5 [tilespmem:s12+$0x0]  }
0x168: {  	v3 =	vld @!p5 [tilespmem:$0x0]  }
0x169: {  	v4 =	vld @!p5 [tilespmem:$0x10]  }
0x16a: {  	v5 =	vld @!p5 [tilespmem:$0x20]  }
0x16b: {  	v6 =	vld @!p5 [tilespmem:$0x30]  }
0x16c: {  	v7 =	vld @!p5 [tilespmem:$0x40]  }
0x16d: {  	v8 =	vld @!p5 [tilespmem:$0x50]  }
0x16e: {  	v9 =	vld @!p5 [tilespmem:$0x60];
	v2 =	vsub.s32 @!p5 $0x20, v2  }
0x16f: {  	v10 =	vld @!p5 [tilespmem:$0x70];
	v2 =	vbroadcast @!p5 v2, $0x0;
	_ =	sdelay $0x1  }
0x170: {  	v3 =	vadd.s32 @!p5 v3, v2;
	v4 =	vadd.s32 @!p5 v4, v2  }
0x171: {  	v5 =	vadd.s32 @!p5 v5, v2;
	v6 =	vadd.s32 @!p5 v6, v2;
	v7 =	vadd.s32 @!p5 v7, v2  }
0x172: {  	v8 =	vadd.s32 @!p5 v8, v2;
	v9 =	vadd.s32 @!p5 v9, v2;
	vm0 =	vgt.s32 @!p5 v3, $0x0  }
0x173: {  	v2 =	vadd.s32 @!p5 v10, v2;
	v3 =	vnsel @!p5 vm0, $0x0, v3;
	vm0 =	vgt.s32 @!p5 v4, $0x0  }
0x174: {  	v3 =	vmin.u32 @!p5 v3, $0x40;
	v4 =	vnsel @!p5 vm0, $0x0, v4;
	vm0 =	vgt.s32 @!p5 v5, $0x0  }
0x175: {  	[tilespmem:$0x300] =	vst @!p5 v3;
	v3 =	vmin.u32 @!p5 v4, $0x40;
	v4 =	vnsel @!p5 vm0, $0x0, v5;
	vm0 =	vgt.s32 @!p5 v6, $0x0  }
0x176: {  	[tilespmem:$0x310] =	vst @!p5 v3;
	v3 =	vmin.u32 @!p5 v4, $0x40;
	v4 =	vnsel @!p5 vm0, $0x0, v6;
	vm0 =	vgt.s32 @!p5 v7, $0x0  }
0x177: {  	[tilespmem:$0x320] =	vst @!p5 v3;
	v3 =	vmin.u32 @!p5 v4, $0x40;
	v4 =	vnsel @!p5 vm0, $0x0, v7;
	vm0 =	vgt.s32 @!p5 v8, $0x0  }
0x178: {  	[tilespmem:$0x330] =	vst @!p5 v3;
	v3 =	vmin.u32 @!p5 v4, $0x40;
	v4 =	vnsel @!p5 vm0, $0x0, v8;
	vm0 =	vgt.s32 @!p5 v9, $0x0  }
0x179: {  	[tilespmem:$0x340] =	vst @!p5 v3;
	v3 =	vmin.u32 @!p5 v4, $0x40;
	v4 =	vnsel @!p5 vm0, $0x0, v9;
	vm0 =	vgt.s32 @!p5 v2, $0x0  }
0x17a: {  	[tilespmem:$0x350] =	vst @!p5 v3;
	v3 =	vmin.u32 @!p5 v4, $0x40;
	v2 =	vnsel @!p5 vm0, $0x0, v2  }
0x17b: {  	[tilespmem:$0x360] =	vst @!p5 v3;
	v2 =	vmin.u32 @!p5 v2, $0x40  }
0x17c: {  	s0 =	simm.s32 @!p5 $0x80;
	s1 =	simm.s32 @!p5 $0x300;
	s10 =	simm.s32 @!p5 $0x680;
	[tilespmem:$0x370] =	vst @!p5 v2  }
0x17d: {  	[tilespmem:s10], [sflag:$0x1] =	stream.indirect.gather @!p5 [spmem:s3], $0x80, s1, s0, $0xb8;
	[tilespmem:$0x18888] =	vst v63  }
0x17e: {  	s0 =	sld [smem:s17+$0x2];
	_ =	sdelay $0x1  }
0x17f: {  	p0 =	por p3, p2  }
0x180: {  	s1 =	sshll.u32 @!p0 s5, $0xD;
	p0 =	seq.s32 s0, $0x0  }
.Ltmp9:
0x181: {  	_ = 	snop;
	(pc) =	sbr.rel @p0 .LBB2_13-.Ltmp9, $3  }
0x182: {  	_ =	sdelay $0x1  }
0x183: {  	s19 =	smov.u32 @p4 s1  }
0x184: {  	s19 =	smov.u32 @p2 s9  }
0x185: {  	p0 =	sne.s32 s0, $0x1  }
.Ltmp10:
0x186: {  	_ = 	snop;
	(pc) =	sbr.rel @p0 .LBB2_15-.Ltmp10, $1  }
0x187: {  	_ =	sdelay $0x3  }
0x188: {  	s0 =	sld [smem:s17+$0x82]  }
.Ltmp11:
0x189: {  	_ = 	snop;
	(pc) =	sbr.rel .LBB2_14-.Ltmp11, $4  }
0x18a: {  	_ = 	snop  }
0x18b: {  	s0 =	sshll.u32 s0, $0x10  }
0x18c: {  	s0 =	sshra.s32 s0, $0x2  }
0x18d: {  	s0 =	sadd.s32 $0x10888, s0  }
.LBB2_13:
0x18e: {  	_ =	swait.ge [sflag:s21], $0x4000  }
0x18f: {  	[sflag:s21] =	ssyncset.done $0x0  }
0x190: {  	s0 =	simm.s32 $0x8680;
	[sflag:s21] =	ssyncadd.s32 $0xFFFFC000  }
.LBB2_14:
0x191: {  	s1 =	sadd.s32 s19, s7  }
0x192: {  	[hbm4b:s1+s4] =	stream.linear.scatter [tilespmem:s0], [sflag:$0x7], $0x4000, $0x38;
	[tilespmem:$0x18888] =	vst v63  }
.LBB2_15:
0x193: {  	_ =	swait.ge [sflag:s25], $0x4000  }
0x194: {  	[sflag:s25] =	ssyncset.done $0x0  }
0x195: {  	[sflag:s25] =	ssyncadd.s32 $0xFFFFC000  }
0x196: {  	s0 =	sld [smem:s17+$0x5];
	_ =	sdelay $0x2  }
0x197: {  	p0 =	sne.s32 @!p1 s0, $0x0  }
0x198: {  	p2 =	por p0, p1  }
0x199: {  	v2 =	vld @!p2 [tilespmem:s12+$0x0]  }
0x19a: {  	v3 =	vld @!p2 [tilespmem:$0x80]  }
0x19b: {  	v4 =	vld @!p2 [tilespmem:$0x90]  }
0x19c: {  	v5 =	vld @!p2 [tilespmem:$0xA0]  }
0x19d: {  	v6 =	vld @!p2 [tilespmem:$0xB0]  }
0x19e: {  	v7 =	vld @!p2 [tilespmem:$0xC0]  }
0x19f: {  	v8 =	vld @!p2 [tilespmem:$0xD0]  }
0x1a0: {  	v9 =	vld @!p2 [tilespmem:$0xE0];
	v2 =	vsub.s32 @!p2 $0x20, v2  }
0x1a1: {  	v10 =	vld @!p2 [tilespmem:$0xF0];
	v2 =	vbroadcast @!p2 v2, $0x0;
	_ =	sdelay $0x1  }
0x1a2: {  	v3 =	vadd.s32 @!p2 v3, v2;
	v4 =	vadd.s32 @!p2 v4, v2  }
0x1a3: {  	v5 =	vadd.s32 @!p2 v5, v2;
	v6 =	vadd.s32 @!p2 v6, v2;
	v7 =	vadd.s32 @!p2 v7, v2  }
0x1a4: {  	v8 =	vadd.s32 @!p2 v8, v2;
	v9 =	vadd.s32 @!p2 v9, v2;
	vm0 =	vgt.s32 @!p2 v3, $0x0  }
0x1a5: {  	v2 =	vadd.s32 @!p2 v10, v2;
	v3 =	vnsel @!p2 vm0, $0x0, v3;
	vm0 =	vgt.s32 @!p2 v4, $0x0  }
0x1a6: {  	v3 =	vmin.u32 @!p2 v3, $0x40;
	v4 =	vnsel @!p2 vm0, $0x0, v4;
	vm0 =	vgt.s32 @!p2 v5, $0x0  }
0x1a7: {  	[tilespmem:$0x380] =	vst @!p2 v3;
	v3 =	vmin.u32 @!p2 v4, $0x40;
	v4 =	vnsel @!p2 vm0, $0x0, v5;
	vm0 =	vgt.s32 @!p2 v6, $0x0  }
0x1a8: {  	[tilespmem:$0x390] =	vst @!p2 v3;
	v3 =	vmin.u32 @!p2 v4, $0x40;
	v4 =	vnsel @!p2 vm0, $0x0, v6;
	vm0 =	vgt.s32 @!p2 v7, $0x0  }
0x1a9: {  	[tilespmem:$0x3A0] =	vst @!p2 v3;
	v3 =	vmin.u32 @!p2 v4, $0x40;
	v4 =	vnsel @!p2 vm0, $0x0, v7;
	vm0 =	vgt.s32 @!p2 v8, $0x0  }
0x1aa: {  	p0 =	seq.s32 s18, $0x0;
	[tilespmem:$0x3B0] =	vst @!p2 v3;
	v3 =	vmin.u32 @!p2 v4, $0x40;
	v4 =	vnsel @!p2 vm0, $0x0, v8;
	vm0 =	vgt.s32 @!p2 v9, $0x0  }
.Ltmp12:
0x1ab: {  	[tilespmem:$0x3C0] =	vst @!p2 v3;
	v3 =	vmin.u32 @!p2 v4, $0x40;
	v4 =	vnsel @!p2 vm0, $0x0, v9;
	vm0 =	vgt.s32 @!p2 v2, $0x0;
	(pc) =	sbr.rel @p0 .LBB2_18-.Ltmp12, $4  }
0x1ac: {  	[tilespmem:$0x3D0] =	vst @!p2 v3;
	v3 =	vmin.u32 @!p2 v4, $0x40;
	v2 =	vnsel @!p2 vm0, $0x0, v2  }
0x1ad: {  	[tilespmem:$0x3E0] =	vst @!p2 v3;
	v2 =	vmin.u32 @!p2 v2, $0x40  }
0x1ae: {  	s0 =	simm.s32 @!p2 $0x80;
	s1 =	simm.s32 @!p2 $0x380;
	s5 =	simm.s32 @!p2 $0x4680;
	[tilespmem:$0x3F0] =	vst @!p2 v2  }
0x1af: {  	[tilespmem:s5], [sflag:$0x2] =	stream.indirect.gather @!p2 [spmem:s3], $0x80, s1, s0, $0xb8;
	[tilespmem:$0x18888] =	vst v63  }
0x1b0: {  	p0 =	sne.s32 s18, $0x1  }
.Ltmp13:
0x1b1: {  	_ = 	snop;
	(pc) =	sbr.rel @p0 .LBB2_20-.Ltmp13, $1  }
0x1b2: {  	_ =	sdelay $0x3  }
0x1b3: {  	s0 =	sld [smem:s17+$0x83]  }
.Ltmp14:
0x1b4: {  	_ = 	snop;
	(pc) =	sbr.rel .LBB2_19-.Ltmp14, $4  }
0x1b5: {  	_ = 	snop  }
0x1b6: {  	s0 =	sshll.u32 s0, $0x10  }
0x1b7: {  	s0 =	sshra.s32 s0, $0x2  }
0x1b8: {  	s0 =	sadd.s32 $0x10888, s0  }
.LBB2_8:
.Ltmp15:
0x1b9: {  	(pc) =	sbr.rel .LBB2_10-.Ltmp15, $2  }
0x1ba: {  	_ =	sdelay $0x2  }
0x1bb: {  	s5 =	sor.u32 s14, s16  }
.LBB2_22:
0x1bc: {  	_ =	sfence.sel $0x180000  }
0x1bd: {  	[bflag:$0x0] =	sbarrier.arrive $0xFFFF  }
0x1be: {  	_ =	strace $0x90000047  }
0x1bf: {  	[bflag:$0x2] =	sbarrier.arrive $0xFFFF  }
0x1c0: {  	s1 =	sld [smem:$0x7FD];
	_ =	sdelay $0x2  }
0x1c1: {  	s0 =	rddreg [dreg:$0x4];
	p0 =	seq.s32 s1, $0x1  }
0x1c2: {  	s0 =	sadd.s32 @!p0 $0x100000, s0  }
0x1c3: {  	[sflag:s0] =	ssyncadd.tile.s32 @!p0 $0x1;
	_ =	shalt  }
.Lfunc_end2:
_tile_overlayer_lowered:
.L_overlay_start_2:
0x1c4: {  	(tag) =	ssettag $0x2  }
0x1c5: {  	s0 =	rddreg [dreg:$0x0];
	s2 =	stileid.u32  }
0x1c6: {  	s1 =	rddreg [dreg:$0x1];
	p0 =	sne.s32 s2, $0x0  }
0x1c7: {  	s3 =	rddreg [dreg:$0x2];
	[bflag:$0x3] =	sbarrier.arrive $0xFFFF;
	s2 =	simm.s32 @!p0 $0x1C09  }
0x1c8: {  	[timem:s3], [sflag:s2] =	dma.local @!p0 [hbm:s0], s1  }
0x1c9: {  	s0 =	simm.s32 @!p0 $0x9  }
0x1ca: {  	_ =	swait.ge @!p0 [sflag:s0], s1  }
0x1cb: {  	s1 =	ssub.s32 @!p0 $0x0, s1;
	[sflag:s0] =	ssyncset.done @!p0 $0x0  }
0x1cc: {  	[sflag:s0] =	ssyncadd.s32 @!p0 s1  }
0x1cd: {  	[bflag:$0x3] =	sbarrier.arrive $0xFFFF  }
0x1ce: {  	_ =	shalt  }

</sc_bundles>
